<compile_context>
chip_gen: v7x
topology: tpu7x:2x2x1
jax: 0.10.2.dev20260603
libtpu: 0.0.44.dev20260713+nightly
codegen_flags: <defaults>
</compile_context>

<pallas_src>
import functools

import jax
import jax.numpy as jnp
from jax import lax
from jax.experimental import pallas as pl
from jax.experimental.pallas import tpu as pltpu
from jax.experimental.pallas import tpu_sc as plsc

NUM_FRAMES = 257
K = 8
C = 128
HW = 1024
L = 16

NC, NS = 2, 16
NW = NC * NS
PPW = HW // NW
TF = 8
NCHUNK = (NUM_FRAMES - 1) // TF
PT = 288


def _tec_body(lat_hbm, idx_hbm, strg_hbm, out_lat, out_mask,
              idx_v, strg_v, s0_v, s1_v, w0_v, w1_v, mw0_v, mask_v,
              tab3, out_buf, sem0, sem1):
    wid = lax.axis_index("s") * NC + lax.axis_index("c")

    pltpu.sync_copy(idx_hbm, idx_v)
    pltpu.sync_copy(strg_hbm, strg_v)

    def plan_chunk(gf, carry):
        idx_vec = idx_v[...]
        idx_s = [idx_vec[j] for j in range(K)]
        first = idx_s[0]
        last = idx_s[K - 1]
        first_f = jnp.maximum(first, 1).astype(jnp.float32)
        last_den = (NUM_FRAMES - last).astype(jnp.float32)
        f = gf * L + lax.iota(jnp.int32, L)
        pos = jnp.full((L,), -1, jnp.int32)
        one = jnp.full((L,), 1, jnp.int32)
        zero = jnp.full((L,), 0, jnp.int32)
        for j in range(K):
            pos = pos + jnp.where(idx_s[j] <= f, one, zero)
        pos_c = jnp.clip(pos, 0, K - 1)
        i1 = jnp.minimum(pos_c + 1, K - 1)
        s = plsc.load_gather(idx_v, [pos_c])
        e = plsc.load_gather(idx_v, [i1])
        is_key = (pos >= 0) & (s == f)
        before = f < first
        after = f > last
        between = jnp.logical_not(is_key | before | after)
        denom = jnp.maximum(e - s, 1).astype(jnp.float32)
        a = (f - s).astype(jnp.float32) / denom
        oma = (e - f).astype(jnp.float32) / denom
        decay_b = f.astype(jnp.float32) / first_f
        decay_a = (NUM_FRAMES - f).astype(jnp.float32) / last_den
        off = pl.ds(gf * L, L)
        s0_v[off] = pos_c
        s1_v[off] = jnp.where(between, i1, pos_c)
        w0_v[off] = jnp.where(between, oma, 1.0)
        w1_v[off] = jnp.where(between, a, 0.0)
        mw0_v[off] = jnp.where(
            is_key, 1.0, jnp.where(before, decay_b,
                                   jnp.where(after, decay_a, oma)))
        return carry

    lax.fori_loop(0, PT // L, plan_chunk, None)

    p0 = wid * PPW
    pltpu.sync_copy(lat_hbm.at[:, pl.ds(p0, PPW)], tab3)

    def emit_frame(buf, tl, t):
        sl_t = pl.ds(t, L)
        s0 = s0_v[sl_t][0]
        s1 = s1_v[sl_t][0]
        tvec = jnp.full((L,), t, jnp.int32)
        w0vec = plsc.load_gather(w0_v, [tvec])
        w1vec = plsc.load_gather(w1_v, [tvec])

        @plsc.parallel_loop(0, PPW, step=1, unroll=8)
        def ploop(p):
            for x in range(C // L):
                sl = pl.ds(x * L, L)
                v0 = tab3[s0, p, sl]
                v1 = tab3[s1, p, sl]
                out_buf[buf, tl, p, sl] = w0vec * v0 + w1vec * v1

    def step(i, carry):
        for half in range(2):
            g = i * 2 + half
            t0 = g * TF
            sem = sem0 if half == 0 else sem1

            @pl.when(i > 0)
            def _wait():
                pltpu.make_async_copy(
                    out_buf.at[half],
                    out_lat.at[pl.ds(t0, TF), pl.ds(p0, PPW)], sem).wait()

            def t_body(tl, carry2):
                emit_frame(half, tl, t0 + tl)
                return carry2
            lax.fori_loop(0, TF, t_body, None)
            pltpu.async_copy(
                out_buf.at[half],
                out_lat.at[pl.ds(t0, TF), pl.ds(p0, PPW)], sem)
        return carry

    lax.fori_loop(0, NCHUNK // 2, step, None)
    pltpu.make_async_copy(out_buf.at[0],
                          out_lat.at[pl.ds(0, TF), pl.ds(p0, PPW)], sem0).wait()
    pltpu.make_async_copy(out_buf.at[1],
                          out_lat.at[pl.ds(0, TF), pl.ds(p0, PPW)], sem1).wait()

    emit_frame(0, 0, NUM_FRAMES - 1)
    pltpu.sync_copy(out_buf.at[0, pl.ds(0, 1)],
                    out_lat.at[pl.ds(NUM_FRAMES - 1, 1), pl.ds(p0, PPW)])

    @pl.when(wid == 0)
    def _mask():
        def mask_chunk(gf, carry):
            off = pl.ds(gf * L, L)
            g0 = plsc.load_gather(strg_v, [s0_v[off]])
            g1 = plsc.load_gather(strg_v, [s1_v[off]])
            mask_v[off] = mw0_v[off] * g0 + w1_v[off] * g1
            return carry
        lax.fori_loop(0, PT // L, mask_chunk, None)
        pltpu.sync_copy(mask_v.at[pl.ds(0, NUM_FRAMES)], out_mask)


def kernel(keyframe_latents, keyframe_indices, keyframe_strengths):
    lat_t = jnp.transpose(keyframe_latents.reshape(K, C, HW), (0, 2, 1))
    pad = jnp.zeros((L - K,), jnp.int32)
    idx16 = jnp.concatenate([keyframe_indices.astype(jnp.int32), pad])
    strg16 = jnp.concatenate(
        [keyframe_strengths.astype(jnp.float32), pad.astype(jnp.float32)])

    mesh = plsc.VectorSubcoreMesh(core_axis_name="c", subcore_axis_name="s")
    run = pl.kernel(
        _tec_body,
        compiler_params=pltpu.CompilerParams(needs_layout_passes=False),
        out_type=[
            jax.ShapeDtypeStruct((NUM_FRAMES, HW, C), jnp.float32),
            jax.ShapeDtypeStruct((NUM_FRAMES,), jnp.float32),
        ],
        mesh=mesh,
        scratch_types=[
            pltpu.VMEM((L,), jnp.int32),
            pltpu.VMEM((L,), jnp.float32),
            pltpu.VMEM((PT,), jnp.int32),
            pltpu.VMEM((PT,), jnp.int32),
            pltpu.VMEM((PT,), jnp.float32),
            pltpu.VMEM((PT,), jnp.float32),
            pltpu.VMEM((PT,), jnp.float32),
            pltpu.VMEM((PT,), jnp.float32),
            pltpu.VMEM((K, PPW, C), jnp.float32),
            pltpu.VMEM((2, TF, PPW, C), jnp.float32),
            pltpu.SemaphoreType.DMA,
            pltpu.SemaphoreType.DMA,
        ],
    )
    out_lat, out_mask = run(lat_t, idx16, strg16)
    cond_lat = jnp.transpose(
        out_lat.reshape(NUM_FRAMES, 32, 32, C), (3, 0, 1, 2)
    ).reshape(1, C, NUM_FRAMES, 32, 32)
    return cond_lat, out_mask.reshape(1, NUM_FRAMES)

# --- scband reference (transcript-rebuilt; emitter-appended) ---
"""Pipeline reference for scband-multi-keyframe-processor-33749853012141 (READ-ONLY COPY).

The authoritative reference and input builder live on the scoring server;
editing this copy changes nothing except your own understanding.
"""

import jax, jax.numpy as jnp
import numpy as np

NUM_FRAMES = 257
C = 128
B, H, W = 1, 32, 32
K = 8


def setup_inputs(seed: int = 0):
    key = jax.random.key(seed)
    k1, k2, k3 = jax.random.split(key, 3)
    keyframe_latents = jax.random.normal(k1, (K, B, C, H, W), dtype=jnp.float32)
    keyframe_indices = jnp.sort(jax.random.randint(k2, (K,), 0, NUM_FRAMES, dtype=jnp.int32))
    keyframe_strengths = jax.random.uniform(k3, (K,), dtype=jnp.float32)
    return {"keyframe_latents": keyframe_latents, "keyframe_indices": keyframe_indices, "keyframe_strengths": keyframe_strengths}


def _compute_plan(idxs, num_frames, k):
    # Faithfully replays the torch module's per-frame assignment order (later writes win)
    # producing, for every frame, the pair of source keyframes and blend weights.
    # Closed form: each frame is exactly one of keyframe-hit (largest matching index
    # wins), strictly-between consecutive sorted keyframes, before-first, or after-last.
    f = jnp.arange(num_frames, dtype=jnp.int32)
    pos = jnp.searchsorted(idxs, f, side='right').astype(jnp.int32) - 1
    pos_c = jnp.clip(pos, 0, k - 1)
    first = idxs[0]
    last = idxs[k - 1]
    is_key = (pos >= 0) & (idxs[pos_c] == f)
    before = f < first
    after = f > last
    between = (~is_key) & (~before) & (~after)
    i0 = pos_c
    i1 = jnp.clip(pos_c + 1, 0, k - 1)
    s = idxs[i0]
    e = idxs[i1]
    denom = jnp.maximum(e - s, 1).astype(jnp.float32)
    a = (f - s).astype(jnp.float32) / denom
    one_minus_a = (e - f).astype(jnp.float32) / denom
    decay_b = f.astype(jnp.float32) / jnp.maximum(first, 1).astype(jnp.float32)
    decay_a = (num_frames - f).astype(jnp.float32) / (num_frames - last).astype(jnp.float32)
    lat_w0 = jnp.where(between, one_minus_a, 1.0)
    lat_w1 = jnp.where(between, a, 0.0)
    lat_s0 = pos_c
    lat_s1 = jnp.where(between, i1, pos_c)
    msk_w0 = jnp.where(is_key, 1.0,
                       jnp.where(before, decay_b,
                                 jnp.where(after, decay_a, one_minus_a)))
    msk_w1 = jnp.where(between, a, 0.0)
    msk_s0 = pos_c
    msk_s1 = jnp.where(between, i1, pos_c)
    return lat_w0, lat_s0, lat_w1, lat_s1, msk_w0, msk_s0, msk_w1, msk_s1


def reference(keyframe_latents, keyframe_indices, keyframe_strengths):
    order = jnp.argsort(keyframe_indices, stable=True)  # torch sorts keyframes by frame_index
    idxs = keyframe_indices[order]
    lat = keyframe_latents[order]
    strg = keyframe_strengths[order]
    lw0, ls0, lw1, ls1, mw0, ms0, mw1, ms1 = _compute_plan(idxs, NUM_FRAMES, K)
    g0 = jnp.take(lat, ls0, axis=0)  # [T,B,C,H,W] gather
    g1 = jnp.take(lat, ls1, axis=0)
    w0 = lw0[:, None, None, None, None]
    w1 = lw1[:, None, None, None, None]
    cond_lat = w0 * g0 + w1 * g1
    cond_lat = jnp.transpose(cond_lat, (1, 2, 0, 3, 4))  # [B,C,T,H,W]
    mvals = mw0 * jnp.take(strg, ms0) + mw1 * jnp.take(strg, ms1)
    cond_mask = jnp.broadcast_to(mvals[None, :], (B, NUM_FRAMES))
    return cond_lat, cond_mask

if __name__ == "__main__":
    import jax
    _d = setup_inputs()
    print(jax.jit(kernel)(*tuple(_d.values())))

</pallas_src>

<mosaic_0001>
#map = affine_map<(d0, d1) -> (0, 0, 0)>
#map1 = affine_map<(d0, d1) -> (0)>
module attributes {stable_mosaic.version = 14 : i64} {
  func.func @_tec_body(%arg0: i32, %arg1: i32, %arg2: memref<8x1024x128xf32, #tpu.memory_space<hbm>>, %arg3: memref<16xi32, #tpu.memory_space<hbm>>, %arg4: memref<16xf32, #tpu.memory_space<hbm>>, %arg5: memref<257x1024x128xf32, #tpu.memory_space<hbm>>, %arg6: memref<257xf32, #tpu.memory_space<hbm>>, %arg7: memref<16xi32, #tpu.memory_space<vmem>>, %arg8: memref<16xf32, #tpu.memory_space<vmem>>, %arg9: memref<288xi32, #tpu.memory_space<vmem>>, %arg10: memref<288xi32, #tpu.memory_space<vmem>>, %arg11: memref<288xf32, #tpu.memory_space<vmem>>, %arg12: memref<288xf32, #tpu.memory_space<vmem>>, %arg13: memref<288xf32, #tpu.memory_space<vmem>>, %arg14: memref<288xf32, #tpu.memory_space<vmem>>, %arg15: memref<8x32x128xf32, #tpu.memory_space<vmem>>, %arg16: memref<2x8x32x128xf32, #tpu.memory_space<vmem>>, %arg17: memref<!tpu.dma_semaphore, #tpu.memory_space<semaphore_mem>>, %arg18: memref<!tpu.dma_semaphore, #tpu.memory_space<semaphore_mem>>) attributes {dimension_semantics = [#tpu.dimension_semantics<core_parallel>, #tpu.dimension_semantics<subcore_parallel>], iteration_bounds = array<i64: 2, 16>, scalar_prefetch = 0 : i64, scratch_operands = 12 : i64, tpu.core_type = #tpu.core_type<sc_vector_subcore>, window_params = [{transform_indices = #map}, {transform_indices = #map1}, {transform_indices = #map1}, {transform_indices = #map}, {transform_indices = #map1}]} {
    %mul3A = arith.constant 2 : i32
    %mul3A_0 = arith.muli %arg1, %mul3A : i32
    %add3A = arith.addi %mul3A_0, %arg0 : i32
    "tpu.region"() ({
      %run_scoped3A_56 = tpu.sem_alloc : memref<!tpu.dma_semaphore, #tpu.memory_space<semaphore_mem>>
      tpu.enqueue_dma source(%arg3 : memref<16xi32, #tpu.memory_space<hbm>>) target(%arg7 : memref<16xi32, #tpu.memory_space<vmem>>) target_semaphore(%run_scoped3A_56 : memref<!tpu.dma_semaphore, #tpu.memory_space<semaphore_mem>>)
      tpu.wait_dma2 semaphore(%run_scoped3A_56 : memref<!tpu.dma_semaphore, #tpu.memory_space<semaphore_mem>>) src(%arg3 : memref<16xi32, #tpu.memory_space<hbm>>) dst(%arg7 : memref<16xi32, #tpu.memory_space<vmem>>)
      tpu.yield
    }) : () -> ()
    "tpu.region"() ({
      %run_scoped3A_56 = tpu.sem_alloc : memref<!tpu.dma_semaphore, #tpu.memory_space<semaphore_mem>>
      tpu.enqueue_dma source(%arg4 : memref<16xf32, #tpu.memory_space<hbm>>) target(%arg8 : memref<16xf32, #tpu.memory_space<vmem>>) target_semaphore(%run_scoped3A_56 : memref<!tpu.dma_semaphore, #tpu.memory_space<semaphore_mem>>)
      tpu.wait_dma2 semaphore(%run_scoped3A_56 : memref<!tpu.dma_semaphore, #tpu.memory_space<semaphore_mem>>) src(%arg4 : memref<16xf32, #tpu.memory_space<hbm>>) dst(%arg8 : memref<16xf32, #tpu.memory_space<vmem>>)
      tpu.yield
    }) : () -> ()
    %scan3A = arith.constant 0 : i32
    %scan3A_1 = arith.constant 18 : i32
    %scan3A_2 = arith.addi %scan3A, %scan3A_1 : i32
    %scan3A_3 = arith.constant 1 : i32
    scf.for %scan3A_56 = %scan3A to %scan3A_2 step %scan3A_3  : i32 {
      %get3A_57 = arith.constant 0 : index
      %get3A_58 = tpu.vector_load %arg7[%get3A_57] {strides = array<i32>} : memref<16xi32, #tpu.memory_space<vmem>>, vector<16xi32>,
      %slice3A_59 = vector.extract_strided_slice %get3A_58 {offsets = [0], sizes = [1], strides = [1]} : vector<16xi32> to vector<1xi32>
      %squeeze3A_60 = vector.extract %slice3A_59[0] : i32 from vector<1xi32>
      %slice3A_61 = vector.extract_strided_slice %get3A_58 {offsets = [1], sizes = [1], strides = [1]} : vector<16xi32> to vector<1xi32>
      %squeeze3A_62 = vector.extract %slice3A_61[0] : i32 from vector<1xi32>
      %slice3A_63 = vector.extract_strided_slice %get3A_58 {offsets = [2], sizes = [1], strides = [1]} : vector<16xi32> to vector<1xi32>
      %squeeze3A_64 = vector.extract %slice3A_63[0] : i32 from vector<1xi32>
      %slice3A_65 = vector.extract_strided_slice %get3A_58 {offsets = [3], sizes = [1], strides = [1]} : vector<16xi32> to vector<1xi32>
      %squeeze3A_66 = vector.extract %slice3A_65[0] : i32 from vector<1xi32>
      %slice3A_67 = vector.extract_strided_slice %get3A_58 {offsets = [4], sizes = [1], strides = [1]} : vector<16xi32> to vector<1xi32>
      %squeeze3A_68 = vector.extract %slice3A_67[0] : i32 from vector<1xi32>
      %slice3A_69 = vector.extract_strided_slice %get3A_58 {offsets = [5], sizes = [1], strides = [1]} : vector<16xi32> to vector<1xi32>
      %squeeze3A_70 = vector.extract %slice3A_69[0] : i32 from vector<1xi32>
      %slice3A_71 = vector.extract_strided_slice %get3A_58 {offsets = [6], sizes = [1], strides = [1]} : vector<16xi32> to vector<1xi32>
      %squeeze3A_72 = vector.extract %slice3A_71[0] : i32 from vector<1xi32>
      %slice3A_73 = vector.extract_strided_slice %get3A_58 {offsets = [7], sizes = [1], strides = [1]} : vector<16xi32> to vector<1xi32>
      %squeeze3A_74 = vector.extract %slice3A_73[0] : i32 from vector<1xi32>
      %max3A = arith.constant 1 : i32
      %max3A_75 = arith.maxsi %squeeze3A_60, %max3A : i32
      %convert_element_type3A_76 = arith.sitofp %max3A_75 : i32 to f32
      %sub3A = arith.constant 257 : i32
      %sub3A_77 = arith.subi %sub3A, %squeeze3A_74 : i32
      %convert_element_type3A_78 = arith.sitofp %sub3A_77 : i32 to f32
      %mul3A_79 = arith.constant 16 : i32
      %mul3A_80 = arith.muli %scan3A_56, %mul3A_79 : i32
      %iota3A = tpu.iota {dimensions = array<i32: 0>} : vector<16xi32>
      %add3A_81 = vector.broadcast %mul3A_80 : i32 to vector<16xi32>
      %add3A_82 = arith.addi %add3A_81, %iota3A : vector<16xi32>
      %broadcast_in_dim3A_83 = arith.constant -1 : i32
      %broadcast_in_dim3A_84 = vector.broadcast %broadcast_in_dim3A_83 : i32 to vector<16xi32>
      %broadcast_in_dim3A_85 = arith.constant 1 : i32
      %broadcast_in_dim3A_86 = vector.broadcast %broadcast_in_dim3A_85 : i32 to vector<16xi32>
      %broadcast_in_dim3A_87 = arith.constant 0 : i32
      %broadcast_in_dim3A_88 = vector.broadcast %broadcast_in_dim3A_87 : i32 to vector<16xi32>
      %le3A = vector.broadcast %squeeze3A_60 : i32 to vector<16xi32>
      %le3A_89 = arith.cmpi sle, %le3A, %add3A_82 : vector<16xi32>
      %select_n3A = arith.select %le3A_89, %broadcast_in_dim3A_86, %broadcast_in_dim3A_88 : vector<16xi1>, vector<16xi32>
      %add3A_90 = arith.addi %broadcast_in_dim3A_84, %select_n3A : vector<16xi32>
      %le3A_91 = vector.broadcast %squeeze3A_62 : i32 to vector<16xi32>
      %le3A_92 = arith.cmpi sle, %le3A_91, %add3A_82 : vector<16xi32>
      %select_n3A_93 = arith.select %le3A_92, %broadcast_in_dim3A_86, %broadcast_in_dim3A_88 : vector<16xi1>, vector<16xi32>
      %add3A_94 = arith.addi %add3A_90, %select_n3A_93 : vector<16xi32>
      %le3A_95 = vector.broadcast %squeeze3A_64 : i32 to vector<16xi32>
      %le3A_96 = arith.cmpi sle, %le3A_95, %add3A_82 : vector<16xi32>
      %select_n3A_97 = arith.select %le3A_96, %broadcast_in_dim3A_86, %broadcast_in_dim3A_88 : vector<16xi1>, vector<16xi32>
      %add3A_98 = arith.addi %add3A_94, %select_n3A_97 : vector<16xi32>
      %le3A_99 = vector.broadcast %squeeze3A_66 : i32 to vector<16xi32>
      %le3A_100 = arith.cmpi sle, %le3A_99, %add3A_82 : vector<16xi32>
      %select_n3A_101 = arith.select %le3A_100, %broadcast_in_dim3A_86, %broadcast_in_dim3A_88 : vector<16xi1>, vector<16xi32>
      %add3A_102 = arith.addi %add3A_98, %select_n3A_101 : vector<16xi32>
      %le3A_103 = vector.broadcast %squeeze3A_68 : i32 to vector<16xi32>
      %le3A_104 = arith.cmpi sle, %le3A_103, %add3A_82 : vector<16xi32>
      %select_n3A_105 = arith.select %le3A_104, %broadcast_in_dim3A_86, %broadcast_in_dim3A_88 : vector<16xi1>, vector<16xi32>
      %add3A_106 = arith.addi %add3A_102, %select_n3A_105 : vector<16xi32>
      %le3A_107 = vector.broadcast %squeeze3A_70 : i32 to vector<16xi32>
      %le3A_108 = arith.cmpi sle, %le3A_107, %add3A_82 : vector<16xi32>
      %select_n3A_109 = arith.select %le3A_108, %broadcast_in_dim3A_86, %broadcast_in_dim3A_88 : vector<16xi1>, vector<16xi32>
      %add3A_110 = arith.addi %add3A_106, %select_n3A_109 : vector<16xi32>
      %le3A_111 = vector.broadcast %squeeze3A_72 : i32 to vector<16xi32>
      %le3A_112 = arith.cmpi sle, %le3A_111, %add3A_82 : vector<16xi32>
      %select_n3A_113 = arith.select %le3A_112, %broadcast_in_dim3A_86, %broadcast_in_dim3A_88 : vector<16xi1>, vector<16xi32>
      %add3A_114 = arith.addi %add3A_110, %select_n3A_113 : vector<16xi32>
      %le3A_115 = vector.broadcast %squeeze3A_74 : i32 to vector<16xi32>
      %le3A_116 = arith.cmpi sle, %le3A_115, %add3A_82 : vector<16xi32>
      %select_n3A_117 = arith.select %le3A_116, %broadcast_in_dim3A_86, %broadcast_in_dim3A_88 : vector<16xi1>, vector<16xi32>
      %add3A_118 = arith.addi %add3A_114, %select_n3A_117 : vector<16xi32>
      %jit3A = arith.constant 0 : i32
      %jit3A_119 = arith.constant 7 : i32
      %max3A_120 = vector.broadcast %jit3A : i32 to vector<16xi32>
      %max3A_121 = arith.maxsi %max3A_120, %add3A_118 : vector<16xi32>
      %min3A = vector.broadcast %jit3A_119 : i32 to vector<16xi32>
      %min3A_122 = arith.minsi %min3A, %max3A_121 : vector<16xi32>
      %add3A_123 = arith.constant 1 : i32
      %add3A_124 = vector.broadcast %add3A_123 : i32 to vector<16xi32>
      %add3A_125 = arith.addi %min3A_122, %add3A_124 : vector<16xi32>
      %min3A_126 = arith.constant 7 : i32
      %min3A_127 = vector.broadcast %min3A_126 : i32 to vector<16xi32>
      %min3A_128 = arith.minsi %add3A_125, %min3A_127 : vector<16xi32>
      %gather3A_129 = tpu.vector_load_idx %arg7[%min3A_122] : memref<16xi32, #tpu.memory_space<vmem>>[vector<16xi32>], vector<16xi32>,
      %gather3A_130 = tpu.vector_load_idx %arg7[%min3A_128] : memref<16xi32, #tpu.memory_space<vmem>>[vector<16xi32>], vector<16xi32>,
      %ge3A = arith.constant 0 : i32
      %ge3A_131 = vector.broadcast %ge3A : i32 to vector<16xi32>
      %ge3A_132 = arith.cmpi sge, %add3A_118, %ge3A_131 : vector<16xi32>
      %eq3A_133 = arith.cmpi eq, %gather3A_129, %add3A_82 : vector<16xi32>
      %and3A = arith.andi %ge3A_132, %eq3A_133 : vector<16xi1>
      %lt3A = vector.broadcast %squeeze3A_60 : i32 to vector<16xi32>
      %lt3A_134 = arith.cmpi slt, %add3A_82, %lt3A : vector<16xi32>
      %gt3A = vector.broadcast %squeeze3A_74 : i32 to vector<16xi32>
      %gt3A_135 = arith.cmpi sgt, %add3A_82, %gt3A : vector<16xi32>
      %or3A = arith.ori %and3A, %lt3A_134 : vector<16xi1>
      %or3A_136 = arith.ori %or3A, %gt3A_135 : vector<16xi1>
      %not3A = arith.constant dense<true> : vector<16xi1>
      %not3A_137 = arith.xori %or3A_136, %not3A : vector<16xi1>
      %sub3A_138 = arith.subi %gather3A_130, %gather3A_129 : vector<16xi32>
      %max3A_139 = arith.constant 1 : i32
      %max3A_140 = vector.broadcast %max3A_139 : i32 to vector<16xi32>
      %max3A_141 = arith.maxsi %sub3A_138, %max3A_140 : vector<16xi32>
      %convert_element_type3A_142 = arith.sitofp %max3A_141 : vector<16xi32> to vector<16xf32>
      %sub3A_143 = arith.subi %add3A_82, %gather3A_129 : vector<16xi32>
      %convert_element_type3A_144 = arith.sitofp %sub3A_143 : vector<16xi32> to vector<16xf32>
      %div3A = arith.divf %convert_element_type3A_144, %convert_element_type3A_142 : vector<16xf32>
      %sub3A_145 = arith.subi %gather3A_130, %add3A_82 : vector<16xi32>
      %convert_element_type3A_146 = arith.sitofp %sub3A_145 : vector<16xi32> to vector<16xf32>
      %div3A_147 = arith.divf %convert_element_type3A_146, %convert_element_type3A_142 : vector<16xf32>
      %convert_element_type3A_148 = arith.sitofp %add3A_82 : vector<16xi32> to vector<16xf32>
      %div3A_149 = vector.broadcast %convert_element_type3A_76 : f32 to vector<16xf32>
      %div3A_150 = arith.divf %convert_element_type3A_148, %div3A_149 : vector<16xf32>
      %sub3A_151 = arith.constant 257 : i32
      %sub3A_152 = vector.broadcast %sub3A_151 : i32 to vector<16xi32>
      %sub3A_153 = arith.subi %sub3A_152, %add3A_82 : vector<16xi32>
      %convert_element_type3A_154 = arith.sitofp %sub3A_153 : vector<16xi32> to vector<16xf32>
      %div3A_155 = vector.broadcast %convert_element_type3A_78 : f32 to vector<16xf32>
      %div3A_156 = arith.divf %convert_element_type3A_154, %div3A_155 : vector<16xf32>
      %mul3A_157 = arith.constant 16 : i32
      %mul3A_158 = arith.muli %scan3A_56, %mul3A_157 : i32
      %swap3A = arith.index_cast %mul3A_158 : i32 to index
      %swap3A_159 = tpu.vector_load %arg9[%swap3A] {strides = array<i32>} : memref<288xi32, #tpu.memory_space<vmem>>, vector<16xi32>,
      tpu.vector_store %arg9[%swap3A], %min3A_122 {strides = array<i32>} : memref<288xi32, #tpu.memory_space<vmem>>, vector<16xi32>,
      %select_n3A_160 = arith.select %not3A_137, %min3A_128, %min3A_122 : vector<16xi1>, vector<16xi32>
      %swap3A_161 = arith.index_cast %mul3A_158 : i32 to index
      %swap3A_162 = tpu.vector_load %arg10[%swap3A_161] {strides = array<i32>} : memref<288xi32, #tpu.memory_space<vmem>>, vector<16xi32>,
      tpu.vector_store %arg10[%swap3A_161], %select_n3A_160 {strides = array<i32>} : memref<288xi32, #tpu.memory_space<vmem>>, vector<16xi32>,
      %jit3A_163 = arith.constant 1.000000e+00 : f32
      %broadcast_in_dim3A_164 = vector.broadcast %jit3A_163 : f32 to vector<16xf32>
      %select_n3A_165 = arith.select %not3A_137, %div3A_147, %broadcast_in_dim3A_164 : vector<16xi1>, vector<16xf32>
      %swap3A_166 = arith.index_cast %mul3A_158 : i32 to index
      %swap3A_167 = tpu.vector_load %arg11[%swap3A_166] {strides = array<i32>} : memref<288xf32, #tpu.memory_space<vmem>>, vector<16xf32>,
      tpu.vector_store %arg11[%swap3A_166], %select_n3A_165 {strides = array<i32>} : memref<288xf32, #tpu.memory_space<vmem>>, vector<16xf32>,
      %jit3A_168 = arith.constant 0.000000e+00 : f32
      %broadcast_in_dim3A_169 = vector.broadcast %jit3A_168 : f32 to vector<16xf32>
      %select_n3A_170 = arith.select %not3A_137, %div3A, %broadcast_in_dim3A_169 : vector<16xi1>, vector<16xf32>
      %swap3A_171 = arith.index_cast %mul3A_158 : i32 to index
      %swap3A_172 = tpu.vector_load %arg12[%swap3A_171] {strides = array<i32>} : memref<288xf32, #tpu.memory_space<vmem>>, vector<16xf32>,
      tpu.vector_store %arg12[%swap3A_171], %select_n3A_170 {strides = array<i32>} : memref<288xf32, #tpu.memory_space<vmem>>, vector<16xf32>,
      %select_n3A_173 = arith.select %gt3A_135, %div3A_156, %div3A_147 : vector<16xi1>, vector<16xf32>
      %select_n3A_174 = arith.select %lt3A_134, %div3A_150, %select_n3A_173 : vector<16xi1>, vector<16xf32>
      %jit3A_175 = arith.constant 1.000000e+00 : f32
      %broadcast_in_dim3A_176 = vector.broadcast %jit3A_175 : f32 to vector<16xf32>
      %select_n3A_177 = arith.select %and3A, %broadcast_in_dim3A_176, %select_n3A_174 : vector<16xi1>, vector<16xf32>
      %swap3A_178 = arith.index_cast %mul3A_158 : i32 to index
      %swap3A_179 = tpu.vector_load %arg13[%swap3A_178] {strides = array<i32>} : memref<288xf32, #tpu.memory_space<vmem>>, vector<16xf32>,
      tpu.vector_store %arg13[%swap3A_178], %select_n3A_177 {strides = array<i32>} : memref<288xf32, #tpu.memory_space<vmem>>, vector<16xf32>,
    }
    %scan3A_4 = arith.constant 18 : i32
    %mul3A_5 = arith.constant 32 : i32
    %mul3A_6 = arith.muli %add3A, %mul3A_5 : i32
    "tpu.region"() ({
      %run_scoped3A_56 = tpu.sem_alloc : memref<!tpu.dma_semaphore, #tpu.memory_space<semaphore_mem>>
      %dma_start3A = arith.constant 0 : i32
      %dma_start3A_57 = arith.constant 0 : i32
      %dma_start3A_58 = tpu.memref_slice %arg2[%dma_start3A, %mul3A_6, %dma_start3A_57] : memref<8x1024x128xf32, #tpu.memory_space<hbm>> -> memref<8x32x128xf32, #tpu.memory_space<hbm>>
      %dma_start3A_59 = arith.constant 0 : i32
      %dma_start3A_60 = arith.constant 0 : i32
      %dma_start3A_61 = tpu.memref_slice %arg2[%dma_start3A_59, %mul3A_6, %dma_start3A_60] : memref<8x1024x128xf32, #tpu.memory_space<hbm>> -> memref<8x32x128xf32, #tpu.memory_space<hbm>>
      tpu.enqueue_dma source(%dma_start3A_61 : memref<8x32x128xf32, #tpu.memory_space<hbm>>) target(%arg15 : memref<8x32x128xf32, #tpu.memory_space<vmem>>) target_semaphore(%run_scoped3A_56 : memref<!tpu.dma_semaphore, #tpu.memory_space<semaphore_mem>>)
      %dma_wait3A_62 = arith.constant 0 : i32
      %dma_wait3A_63 = arith.constant 0 : i32
      %dma_wait3A_64 = tpu.memref_slice %arg2[%dma_wait3A_62, %mul3A_6, %dma_wait3A_63] : memref<8x1024x128xf32, #tpu.memory_space<hbm>> -> memref<8x32x128xf32, #tpu.memory_space<hbm>>
      %dma_wait3A_65 = arith.constant 0 : i32
      %dma_wait3A_66 = arith.constant 0 : i32
      %dma_wait3A_67 = tpu.memref_slice %arg2[%dma_wait3A_65, %mul3A_6, %dma_wait3A_66] : memref<8x1024x128xf32, #tpu.memory_space<hbm>> -> memref<8x32x128xf32, #tpu.memory_space<hbm>>
      tpu.wait_dma2 semaphore(%run_scoped3A_56 : memref<!tpu.dma_semaphore, #tpu.memory_space<semaphore_mem>>) src(%dma_wait3A_67 : memref<8x32x128xf32, #tpu.memory_space<hbm>>) dst(%arg15 : memref<8x32x128xf32, #tpu.memory_space<vmem>>)
      tpu.yield
    }) : () -> ()
    %scan3A_7 = arith.constant 0 : i32
    %scan3A_8 = arith.constant 16 : i32
    %scan3A_9 = arith.addi %scan3A_7, %scan3A_8 : i32
    %scan3A_10 = arith.constant 1 : i32
    scf.for %scan3A_56 = %scan3A_7 to %scan3A_9 step %scan3A_10  : i32 {
      %mul3A_57 = arith.constant 2 : i32
      %mul3A_58 = arith.muli %scan3A_56, %mul3A_57 : i32
      %add3A_59 = arith.constant 0 : i32
      %add3A_60 = arith.addi %mul3A_58, %add3A_59 : i32
      %mul3A_61 = arith.constant 8 : i32
      %mul3A_62 = arith.muli %add3A_60, %mul3A_61 : i32
      %gt3A = arith.constant 0 : i32
      %gt3A_63 = arith.cmpi sgt, %scan3A_56, %gt3A : i32
      %convert_element_type3A_64 = arith.extui %gt3A_63 : i1 to i32
      %cond3A_65 = arith.constant 0 : i32
      %cond3A_66 = arith.cmpi ne, %convert_element_type3A_64, %cond3A_65 : i32
      scf.if %cond3A_66 {
        %dma_wait3A_117 = arith.constant 0 : i32
        %dma_wait3A_118 = arith.constant 0 : i32
        %dma_wait3A_119 = arith.constant 0 : i32
        %dma_wait3A_120 = arith.constant 0 : i32
        %dma_wait3A_121 = tpu.memref_slice %arg16[%dma_wait3A_117, %dma_wait3A_118, %dma_wait3A_119, %dma_wait3A_120] : memref<2x8x32x128xf32, #tpu.memory_space<vmem>> -> memref<1x8x32x128xf32, #tpu.memory_space<vmem>>
        %dma_wait3A_122 = tpu.memref_squeeze %dma_wait3A_121 : memref<1x8x32x128xf32, #tpu.memory_space<vmem>> -> memref<8x32x128xf32, #tpu.memory_space<vmem>>
        %dma_wait3A_123 = arith.constant 0 : i32
        %dma_wait3A_124 = tpu.memref_slice %arg5[%mul3A_62, %mul3A_6, %dma_wait3A_123] : memref<257x1024x128xf32, #tpu.memory_space<hbm>> -> memref<8x32x128xf32, #tpu.memory_space<hbm>>
        %dma_wait3A_125 = arith.constant 0 : i32
        %dma_wait3A_126 = tpu.memref_slice %arg5[%mul3A_62, %mul3A_6, %dma_wait3A_125] : memref<257x1024x128xf32, #tpu.memory_space<hbm>> -> memref<8x32x128xf32, #tpu.memory_space<hbm>>
        %dma_wait3A_127 = arith.constant 0 : i32
        %dma_wait3A_128 = arith.constant 0 : i32
        %dma_wait3A_129 = arith.constant 0 : i32
        %dma_wait3A_130 = tpu.memref_slice %arg16[%dma_wait3A_117, %dma_wait3A_127, %dma_wait3A_128, %dma_wait3A_129] : memref<2x8x32x128xf32, #tpu.memory_space<vmem>> -> memref<1x8x32x128xf32, #tpu.memory_space<vmem>>
        %dma_wait3A_131 = tpu.memref_squeeze %dma_wait3A_130 : memref<1x8x32x128xf32, #tpu.memory_space<vmem>> -> memref<8x32x128xf32, #tpu.memory_space<vmem>>
        tpu.wait_dma2 semaphore(%arg17 : memref<!tpu.dma_semaphore, #tpu.memory_space<semaphore_mem>>) src(%dma_wait3A_131 : memref<8x32x128xf32, #tpu.memory_space<vmem>>) dst(%dma_wait3A_126 : memref<8x32x128xf32, #tpu.memory_space<hbm>>)
      } else {
      }
      %scan3A_67 = arith.constant 0 : i32
      %scan3A_68 = arith.constant 8 : i32
      %scan3A_69 = arith.addi %scan3A_67, %scan3A_68 : i32
      %scan3A_70 = arith.constant 1 : i32
      scf.for %scan3A_117 = %scan3A_67 to %scan3A_69 step %scan3A_70  : i32 {
        %add3A_118 = arith.addi %mul3A_62, %scan3A_117 : i32
        %get3A_119 = arith.index_cast %add3A_118 : i32 to index
        %get3A_120 = tpu.vector_load %arg9[%get3A_119] {strides = array<i32>} : memref<288xi32, #tpu.memory_space<vmem>>, vector<16xi32>,
        %slice3A_121 = vector.extract_strided_slice %get3A_120 {offsets = [0], sizes = [1], strides = [1]} : vector<16xi32> to vector<1xi32>
        %squeeze3A_122 = vector.extract %slice3A_121[0] : i32 from vector<1xi32>
        %get3A_123 = arith.index_cast %add3A_118 : i32 to index
        %get3A_124 = tpu.vector_load %arg10[%get3A_123] {strides = array<i32>} : memref<288xi32, #tpu.memory_space<vmem>>, vector<16xi32>,
        %slice3A_125 = vector.extract_strided_slice %get3A_124 {offsets = [0], sizes = [1], strides = [1]} : vector<16xi32> to vector<1xi32>
        %squeeze3A_126 = vector.extract %slice3A_125[0] : i32 from vector<1xi32>
        %broadcast_in_dim3A_127 = vector.broadcast %add3A_118 : i32 to vector<16xi32>
        %gather3A_128 = tpu.vector_load_idx %arg11[%broadcast_in_dim3A_127] : memref<288xf32, #tpu.memory_space<vmem>>[vector<16xi32>], vector<16xf32>,
        %gather3A_129 = tpu.vector_load_idx %arg12[%broadcast_in_dim3A_127] : memref<288xf32, #tpu.memory_space<vmem>>[vector<16xi32>], vector<16xf32>,
        %parallel_loop3A_130 = arith.constant 0 : i32
        %parallel_loop3A_131 = arith.constant 32 : i32
        %parallel_loop3A_132 = arith.constant 1 : i32
        scf.for %parallel_loop3A_133 = %parallel_loop3A_130 to %parallel_loop3A_131 step %parallel_loop3A_132  : i32 {
          %parallel_loop3A_134 = arith.index_cast %squeeze3A_122 : i32 to index
          %parallel_loop3A_135 = arith.index_cast %parallel_loop3A_133 : i32 to index
          %parallel_loop3A_136 = arith.constant 0 : index
          %parallel_loop3A_137 = tpu.vector_load %arg15[%parallel_loop3A_134, %parallel_loop3A_135, %parallel_loop3A_136] {strides = array<i32>} : memref<8x32x128xf32, #tpu.memory_space<vmem>>, vector<16xf32>,
          %parallel_loop3A_138 = arith.index_cast %squeeze3A_126 : i32 to index
          %parallel_loop3A_139 = arith.index_cast %parallel_loop3A_133 : i32 to index
          %parallel_loop3A_140 = arith.constant 0 : index
          %parallel_loop3A_141 = tpu.vector_load %arg15[%parallel_loop3A_138, %parallel_loop3A_139, %parallel_loop3A_140] {strides = array<i32>} : memref<8x32x128xf32, #tpu.memory_space<vmem>>, vector<16xf32>,
          %parallel_loop3A_142 = arith.mulf %gather3A_128, %parallel_loop3A_137 : vector<16xf32>
          %parallel_loop3A_143 = arith.mulf %gather3A_129, %parallel_loop3A_141 : vector<16xf32>
          %parallel_loop3A_144 = arith.addf %parallel_loop3A_142, %parallel_loop3A_143 : vector<16xf32>
          %parallel_loop3A_145 = arith.constant 0 : i32
          %parallel_loop3A_146 = arith.index_cast %parallel_loop3A_145 : i32 to index
          %parallel_loop3A_147 = arith.index_cast %scan3A_117 : i32 to index
          %parallel_loop3A_148 = arith.index_cast %parallel_loop3A_133 : i32 to index
          %parallel_loop3A_149 = arith.constant 0 : index
          %parallel_loop3A_150 = tpu.vector_load %arg16[%parallel_loop3A_146, %parallel_loop3A_147, %parallel_loop3A_148, %parallel_loop3A_149] {strides = array<i32>} : memref<2x8x32x128xf32, #tpu.memory_space<vmem>>, vector<16xf32>,
          tpu.vector_store %arg16[%parallel_loop3A_146, %parallel_loop3A_147, %parallel_loop3A_148, %parallel_loop3A_149], %parallel_loop3A_144 {strides = array<i32>} : memref<2x8x32x128xf32, #tpu.memory_space<vmem>>, vector<16xf32>,
          %parallel_loop3A_151 = arith.index_cast %squeeze3A_122 : i32 to index
          %parallel_loop3A_152 = arith.index_cast %parallel_loop3A_133 : i32 to index
          %parallel_loop3A_153 = arith.constant 16 : index
          %parallel_loop3A_154 = tpu.vector_load %arg15[%parallel_loop3A_151, %parallel_loop3A_152, %parallel_loop3A_153] {strides = array<i32>} : memref<8x32x128xf32, #tpu.memory_space<vmem>>, vector<16xf32>,
          %parallel_loop3A_155 = arith.index_cast %squeeze3A_126 : i32 to index
          %parallel_loop3A_156 = arith.index_cast %parallel_loop3A_133 : i32 to index
          %parallel_loop3A_157 = arith.constant 16 : index
          %parallel_loop3A_158 = tpu.vector_load %arg15[%parallel_loop3A_155, %parallel_loop3A_156, %parallel_loop3A_157] {strides = array<i32>} : memref<8x32x128xf32, #tpu.memory_space<vmem>>, vector<16xf32>,
          %parallel_loop3A_159 = arith.mulf %gather3A_128, %parallel_loop3A_154 : vector<16xf32>
          %parallel_loop3A_160 = arith.mulf %gather3A_129, %parallel_loop3A_158 : vector<16xf32>
          %parallel_loop3A_161 = arith.addf %parallel_loop3A_159, %parallel_loop3A_160 : vector<16xf32>
          %parallel_loop3A_162 = arith.constant 0 : i32
          %parallel_loop3A_163 = arith.index_cast %parallel_loop3A_162 : i32 to index
          %parallel_loop3A_164 = arith.index_cast %scan3A_117 : i32 to index
          %parallel_loop3A_165 = arith.index_cast %parallel_loop3A_133 : i32 to index
          %parallel_loop3A_166 = arith.constant 16 : index
          %parallel_loop3A_167 = tpu.vector_load %arg16[%parallel_loop3A_163, %parallel_loop3A_164, %parallel_loop3A_165, %parallel_loop3A_166] {strides = array<i32>} : memref<2x8x32x128xf32, #tpu.memory_space<vmem>>, vector<16xf32>,
          tpu.vector_store %arg16[%parallel_loop3A_163, %parallel_loop3A_164, %parallel_loop3A_165, %parallel_loop3A_166], %parallel_loop3A_161 {strides = array<i32>} : memref<2x8x32x128xf32, #tpu.memory_space<vmem>>, vector<16xf32>,
          %parallel_loop3A_168 = arith.index_cast %squeeze3A_122 : i32 to index
          %parallel_loop3A_169 = arith.index_cast %parallel_loop3A_133 : i32 to index
          %parallel_loop3A_170 = arith.constant 32 : index
          %parallel_loop3A_171 = tpu.vector_load %arg15[%parallel_loop3A_168, %parallel_loop3A_169, %parallel_loop3A_170] {strides = array<i32>} : memref<8x32x128xf32, #tpu.memory_space<vmem>>, vector<16xf32>,
          %parallel_loop3A_172 = arith.index_cast %squeeze3A_126 : i32 to index
          %parallel_loop3A_173 = arith.index_cast %parallel_loop3A_133 : i32 to index
          %parallel_loop3A_174 = arith.constant 32 : index
          %parallel_loop3A_175 = tpu.vector_load %arg15[%parallel_loop3A_172, %parallel_loop3A_173, %parallel_loop3A_174] {strides = array<i32>} : memref<8x32x128xf32, #tpu.memory_space<vmem>>, vector<16xf32>,
          %parallel_loop3A_176 = arith.mulf %gather3A_128, %parallel_loop3A_171 : vector<16xf32>
          %parallel_loop3A_177 = arith.mulf %gather3A_129, %parallel_loop3A_175 : vector<16xf32>
          %parallel_loop3A_178 = arith.addf %parallel_loop3A_176, %parallel_loop3A_177 : vector<16xf32>
          %parallel_loop3A_179 = arith.constant 0 : i32
          %parallel_loop3A_180 = arith.index_cast %parallel_loop3A_179 : i32 to index
          %parallel_loop3A_181 = arith.index_cast %scan3A_117 : i32 to index
          %parallel_loop3A_182 = arith.index_cast %parallel_loop3A_133 : i32 to index
          %parallel_loop3A_183 = arith.constant 32 : index
          %parallel_loop3A_184 = tpu.vector_load %arg16[%parallel_loop3A_180, %parallel_loop3A_181, %parallel_loop3A_182, %parallel_loop3A_183] {strides = array<i32>} : memref<2x8x32x128xf32, #tpu.memory_space<vmem>>, vector<16xf32>,
          tpu.vector_store %arg16[%parallel_loop3A_180, %parallel_loop3A_181, %parallel_loop3A_182, %parallel_loop3A_183], %parallel_loop3A_178 {strides = array<i32>} : memref<2x8x32x128xf32, #tpu.memory_space<vmem>>, vector<16xf32>,
          %parallel_loop3A_185 = arith.index_cast %squeeze3A_122 : i32 to index
          %parallel_loop3A_186 = arith.index_cast %parallel_loop3A_133 : i32 to index
          %parallel_loop3A_187 = arith.constant 48 : index
          %parallel_loop3A_188 = tpu.vector_load %arg15[%parallel_loop3A_185, %parallel_loop3A_186, %parallel_loop3A_187] {strides = array<i32>} : memref<8x32x128xf32, #tpu.memory_space<vmem>>, vector<16xf32>,
          %parallel_loop3A_189 = arith.index_cast %squeeze3A_126 : i32 to index
          %parallel_loop3A_190 = arith.index_cast %parallel_loop3A_133 : i32 to index
          %parallel_loop3A_191 = arith.constant 48 : index
          %parallel_loop3A_192 = tpu.vector_load %arg15[%parallel_loop3A_189, %parallel_loop3A_190, %parallel_loop3A_191] {strides = array<i32>} : memref<8x32x128xf32, #tpu.memory_space<vmem>>, vector<16xf32>,
          %parallel_loop3A_193 = arith.mulf %gather3A_128, %parallel_loop3A_188 : vector<16xf32>
          %parallel_loop3A_194 = arith.mulf %gather3A_129, %parallel_loop3A_192 : vector<16xf32>
          %parallel_loop3A_195 = arith.addf %parallel_loop3A_193, %parallel_loop3A_194 : vector<16xf32>
          %parallel_loop3A_196 = arith.constant 0 : i32
          %parallel_loop3A_197 = arith.index_cast %parallel_loop3A_196 : i32 to index
          %parallel_loop3A_198 = arith.index_cast %scan3A_117 : i32 to index
          %parallel_loop3A_199 = arith.index_cast %parallel_loop3A_133 : i32 to index
          %parallel_loop3A_200 = arith.constant 48 : index
          %parallel_loop3A_201 = tpu.vector_load %arg16[%parallel_loop3A_197, %parallel_loop3A_198, %parallel_loop3A_199, %parallel_loop3A_200] {strides = array<i32>} : memref<2x8x32x128xf32, #tpu.memory_space<vmem>>, vector<16xf32>,
          tpu.vector_store %arg16[%parallel_loop3A_197, %parallel_loop3A_198, %parallel_loop3A_199, %parallel_loop3A_200], %parallel_loop3A_195 {strides = array<i32>} : memref<2x8x32x128xf32, #tpu.memory_space<vmem>>, vector<16xf32>,
          %parallel_loop3A_202 = arith.index_cast %squeeze3A_122 : i32 to index
          %parallel_loop3A_203 = arith.index_cast %parallel_loop3A_133 : i32 to index
          %parallel_loop3A_204 = arith.constant 64 : index
          %parallel_loop3A_205 = tpu.vector_load %arg15[%parallel_loop3A_202, %parallel_loop3A_203, %parallel_loop3A_204] {strides = array<i32>} : memref<8x32x128xf32, #tpu.memory_space<vmem>>, vector<16xf32>,
          %parallel_loop3A_206 = arith.index_cast %squeeze3A_126 : i32 to index
          %parallel_loop3A_207 = arith.index_cast %parallel_loop3A_133 : i32 to index
          %parallel_loop3A_208 = arith.constant 64 : index
          %parallel_loop3A_209 = tpu.vector_load %arg15[%parallel_loop3A_206, %parallel_loop3A_207, %parallel_loop3A_208] {strides = array<i32>} : memref<8x32x128xf32, #tpu.memory_space<vmem>>, vector<16xf32>,
          %parallel_loop3A_210 = arith.mulf %gather3A_128, %parallel_loop3A_205 : vector<16xf32>
          %parallel_loop3A_211 = arith.mulf %gather3A_129, %parallel_loop3A_209 : vector<16xf32>
          %parallel_loop3A_212 = arith.addf %parallel_loop3A_210, %parallel_loop3A_211 : vector<16xf32>
          %parallel_loop3A_213 = arith.constant 0 : i32
          %parallel_loop3A_214 = arith.index_cast %parallel_loop3A_213 : i32 to index
          %parallel_loop3A_215 = arith.index_cast %scan3A_117 : i32 to index
          %parallel_loop3A_216 = arith.index_cast %parallel_loop3A_133 : i32 to index
          %parallel_loop3A_217 = arith.constant 64 : index
          %parallel_loop3A_218 = tpu.vector_load %arg16[%parallel_loop3A_214, %parallel_loop3A_215, %parallel_loop3A_216, %parallel_loop3A_217] {strides = array<i32>} : memref<2x8x32x128xf32, #tpu.memory_space<vmem>>, vector<16xf32>,
          tpu.vector_store %arg16[%parallel_loop3A_214, %parallel_loop3A_215, %parallel_loop3A_216, %parallel_loop3A_217], %parallel_loop3A_212 {strides = array<i32>} : memref<2x8x32x128xf32, #tpu.memory_space<vmem>>, vector<16xf32>,
          %parallel_loop3A_219 = arith.index_cast %squeeze3A_122 : i32 to index
          %parallel_loop3A_220 = arith.index_cast %parallel_loop3A_133 : i32 to index
          %parallel_loop3A_221 = arith.constant 80 : index
          %parallel_loop3A_222 = tpu.vector_load %arg15[%parallel_loop3A_219, %parallel_loop3A_220, %parallel_loop3A_221] {strides = array<i32>} : memref<8x32x128xf32, #tpu.memory_space<vmem>>, vector<16xf32>,
          %parallel_loop3A_223 = arith.index_cast %squeeze3A_126 : i32 to index
          %parallel_loop3A_224 = arith.index_cast %parallel_loop3A_133 : i32 to index
          %parallel_loop3A_225 = arith.constant 80 : index
          %parallel_loop3A_226 = tpu.vector_load %arg15[%parallel_loop3A_223, %parallel_loop3A_224, %parallel_loop3A_225] {strides = array<i32>} : memref<8x32x128xf32, #tpu.memory_space<vmem>>, vector<16xf32>,
          %parallel_loop3A_227 = arith.mulf %gather3A_128, %parallel_loop3A_222 : vector<16xf32>
          %parallel_loop3A_228 = arith.mulf %gather3A_129, %parallel_loop3A_226 : vector<16xf32>
          %parallel_loop3A_229 = arith.addf %parallel_loop3A_227, %parallel_loop3A_228 : vector<16xf32>
          %parallel_loop3A_230 = arith.constant 0 : i32
          %parallel_loop3A_231 = arith.index_cast %parallel_loop3A_230 : i32 to index
          %parallel_loop3A_232 = arith.index_cast %scan3A_117 : i32 to index
          %parallel_loop3A_233 = arith.index_cast %parallel_loop3A_133 : i32 to index
          %parallel_loop3A_234 = arith.constant 80 : index
          %parallel_loop3A_235 = tpu.vector_load %arg16[%parallel_loop3A_231, %parallel_loop3A_232, %parallel_loop3A_233, %parallel_loop3A_234] {strides = array<i32>} : memref<2x8x32x128xf32, #tpu.memory_space<vmem>>, vector<16xf32>,
          tpu.vector_store %arg16[%parallel_loop3A_231, %parallel_loop3A_232, %parallel_loop3A_233, %parallel_loop3A_234], %parallel_loop3A_229 {strides = array<i32>} : memref<2x8x32x128xf32, #tpu.memory_space<vmem>>, vector<16xf32>,
          %parallel_loop3A_236 = arith.index_cast %squeeze3A_122 : i32 to index
          %parallel_loop3A_237 = arith.index_cast %parallel_loop3A_133 : i32 to index
          %parallel_loop3A_238 = arith.constant 96 : index
          %parallel_loop3A_239 = tpu.vector_load %arg15[%parallel_loop3A_236, %parallel_loop3A_237, %parallel_loop3A_238] {strides = array<i32>} : memref<8x32x128xf32, #tpu.memory_space<vmem>>, vector<16xf32>,
          %parallel_loop3A_240 = arith.index_cast %squeeze3A_126 : i32 to index
          %parallel_loop3A_241 = arith.index_cast %parallel_loop3A_133 : i32 to index
          %parallel_loop3A_242 = arith.constant 96 : index
          %parallel_loop3A_243 = tpu.vector_load %arg15[%parallel_loop3A_240, %parallel_loop3A_241, %parallel_loop3A_242] {strides = array<i32>} : memref<8x32x128xf32, #tpu.memory_space<vmem>>, vector<16xf32>,
          %parallel_loop3A_244 = arith.mulf %gather3A_128, %parallel_loop3A_239 : vector<16xf32>
          %parallel_loop3A_245 = arith.mulf %gather3A_129, %parallel_loop3A_243 : vector<16xf32>
          %parallel_loop3A_246 = arith.addf %parallel_loop3A_244, %parallel_loop3A_245 : vector<16xf32>
          %parallel_loop3A_247 = arith.constant 0 : i32
          %parallel_loop3A_248 = arith.index_cast %parallel_loop3A_247 : i32 to index
          %parallel_loop3A_249 = arith.index_cast %scan3A_117 : i32 to index
          %parallel_loop3A_250 = arith.index_cast %parallel_loop3A_133 : i32 to index
          %parallel_loop3A_251 = arith.constant 96 : index
          %parallel_loop3A_252 = tpu.vector_load %arg16[%parallel_loop3A_248, %parallel_loop3A_249, %parallel_loop3A_250, %parallel_loop3A_251] {strides = array<i32>} : memref<2x8x32x128xf32, #tpu.memory_space<vmem>>, vector<16xf32>,
          tpu.vector_store %arg16[%parallel_loop3A_248, %parallel_loop3A_249, %parallel_loop3A_250, %parallel_loop3A_251], %parallel_loop3A_246 {strides = array<i32>} : memref<2x8x32x128xf32, #tpu.memory_space<vmem>>, vector<16xf32>,
          %parallel_loop3A_253 = arith.index_cast %squeeze3A_122 : i32 to index
          %parallel_loop3A_254 = arith.index_cast %parallel_loop3A_133 : i32 to index
          %parallel_loop3A_255 = arith.constant 112 : index
          %parallel_loop3A_256 = tpu.vector_load %arg15[%parallel_loop3A_253, %parallel_loop3A_254, %parallel_loop3A_255] {strides = array<i32>} : memref<8x32x128xf32, #tpu.memory_space<vmem>>, vector<16xf32>,
          %parallel_loop3A_257 = arith.index_cast %squeeze3A_126 : i32 to index
          %parallel_loop3A_258 = arith.index_cast %parallel_loop3A_133 : i32 to index
          %parallel_loop3A_259 = arith.constant 112 : index
          %parallel_loop3A_260 = tpu.vector_load %arg15[%parallel_loop3A_257, %parallel_loop3A_258, %parallel_loop3A_259] {strides = array<i32>} : memref<8x32x128xf32, #tpu.memory_space<vmem>>, vector<16xf32>,
          %parallel_loop3A_261 = arith.mulf %gather3A_128, %parallel_loop3A_256 : vector<16xf32>
          %parallel_loop3A_262 = arith.mulf %gather3A_129, %parallel_loop3A_260 : vector<16xf32>
          %parallel_loop3A_263 = arith.addf %parallel_loop3A_261, %parallel_loop3A_262 : vector<16xf32>
          %parallel_loop3A_264 = arith.constant 0 : i32
          %parallel_loop3A_265 = arith.index_cast %parallel_loop3A_264 : i32 to index
          %parallel_loop3A_266 = arith.index_cast %scan3A_117 : i32 to index
          %parallel_loop3A_267 = arith.index_cast %parallel_loop3A_133 : i32 to index
          %parallel_loop3A_268 = arith.constant 112 : index
          %parallel_loop3A_269 = tpu.vector_load %arg16[%parallel_loop3A_265, %parallel_loop3A_266, %parallel_loop3A_267, %parallel_loop3A_268] {strides = array<i32>} : memref<2x8x32x128xf32, #tpu.memory_space<vmem>>, vector<16xf32>,
          tpu.vector_store %arg16[%parallel_loop3A_265, %parallel_loop3A_266, %parallel_loop3A_267, %parallel_loop3A_268], %parallel_loop3A_263 {strides = array<i32>} : memref<2x8x32x128xf32, #tpu.memory_space<vmem>>, vector<16xf32>,
        } {sc.loop_unroll_factor = 8 : i64, sc.parallel_access}
      }
      %scan3A_71 = arith.constant 8 : i32
      %dma_start3A = arith.constant 0 : i32
      %dma_start3A_72 = arith.constant 0 : i32
      %dma_start3A_73 = arith.constant 0 : i32
      %dma_start3A_74 = arith.constant 0 : i32
      %dma_start3A_75 = tpu.memref_slice %arg16[%dma_start3A, %dma_start3A_72, %dma_start3A_73, %dma_start3A_74] : memref<2x8x32x128xf32, #tpu.memory_space<vmem>> -> memref<1x8x32x128xf32, #tpu.memory_space<vmem>>
      %dma_start3A_76 = tpu.memref_squeeze %dma_start3A_75 : memref<1x8x32x128xf32, #tpu.memory_space<vmem>> -> memref<8x32x128xf32, #tpu.memory_space<vmem>>
      %dma_start3A_77 = arith.constant 0 : i32
      %dma_start3A_78 = tpu.memref_slice %arg5[%mul3A_62, %mul3A_6, %dma_start3A_77] : memref<257x1024x128xf32, #tpu.memory_space<hbm>> -> memref<8x32x128xf32, #tpu.memory_space<hbm>>
      %dma_start3A_79 = arith.constant 0 : i32
      %dma_start3A_80 = tpu.memref_slice %arg5[%mul3A_62, %mul3A_6, %dma_start3A_79] : memref<257x1024x128xf32, #tpu.memory_space<hbm>> -> memref<8x32x128xf32, #tpu.memory_space<hbm>>
      %dma_start3A_81 = arith.constant 0 : i32
      %dma_start3A_82 = arith.constant 0 : i32
      %dma_start3A_83 = arith.constant 0 : i32
      %dma_start3A_84 = tpu.memref_slice %arg16[%dma_start3A, %dma_start3A_81, %dma_start3A_82, %dma_start3A_83] : memref<2x8x32x128xf32, #tpu.memory_space<vmem>> -> memref<1x8x32x128xf32, #tpu.memory_space<vmem>>
      %dma_start3A_85 = tpu.memref_squeeze %dma_start3A_84 : memref<1x8x32x128xf32, #tpu.memory_space<vmem>> -> memref<8x32x128xf32, #tpu.memory_space<vmem>>
      tpu.enqueue_dma source(%dma_start3A_85 : memref<8x32x128xf32, #tpu.memory_space<vmem>>) target(%dma_start3A_80 : memref<8x32x128xf32, #tpu.memory_space<hbm>>) target_semaphore(%arg17 : memref<!tpu.dma_semaphore, #tpu.memory_space<semaphore_mem>>)
      %mul3A_86 = arith.constant 2 : i32
      %mul3A_87 = arith.muli %scan3A_56, %mul3A_86 : i32
      %add3A_88 = arith.constant 1 : i32
      %add3A_89 = arith.addi %mul3A_87, %add3A_88 : i32
      %mul3A_90 = arith.constant 8 : i32
      %mul3A_91 = arith.muli %add3A_89, %mul3A_90 : i32
      %gt3A_92 = arith.constant 0 : i32
      %gt3A_93 = arith.cmpi sgt, %scan3A_56, %gt3A_92 : i32
      %convert_element_type3A_94 = arith.extui %gt3A_93 : i1 to i32
      %cond3A_95 = arith.constant 0 : i32
      %cond3A_96 = arith.cmpi ne, %convert_element_type3A_94, %cond3A_95 : i32
      scf.if %cond3A_96 {
        %dma_wait3A_117 = arith.constant 1 : i32
        %dma_wait3A_118 = arith.constant 0 : i32
        %dma_wait3A_119 = arith.constant 0 : i32
        %dma_wait3A_120 = arith.constant 0 : i32
        %dma_wait3A_121 = tpu.memref_slice %arg16[%dma_wait3A_117, %dma_wait3A_118, %dma_wait3A_119, %dma_wait3A_120] : memref<2x8x32x128xf32, #tpu.memory_space<vmem>> -> memref<1x8x32x128xf32, #tpu.memory_space<vmem>>
        %dma_wait3A_122 = tpu.memref_squeeze %dma_wait3A_121 : memref<1x8x32x128xf32, #tpu.memory_space<vmem>> -> memref<8x32x128xf32, #tpu.memory_space<vmem>>
        %dma_wait3A_123 = arith.constant 0 : i32
        %dma_wait3A_124 = tpu.memref_slice %arg5[%mul3A_91, %mul3A_6, %dma_wait3A_123] : memref<257x1024x128xf32, #tpu.memory_space<hbm>> -> memref<8x32x128xf32, #tpu.memory_space<hbm>>
        %dma_wait3A_125 = arith.constant 0 : i32
        %dma_wait3A_126 = tpu.memref_slice %arg5[%mul3A_91, %mul3A_6, %dma_wait3A_125] : memref<257x1024x128xf32, #tpu.memory_space<hbm>> -> memref<8x32x128xf32, #tpu.memory_space<hbm>>
        %dma_wait3A_127 = arith.constant 0 : i32
        %dma_wait3A_128 = arith.constant 0 : i32
        %dma_wait3A_129 = arith.constant 0 : i32
        %dma_wait3A_130 = tpu.memref_slice %arg16[%dma_wait3A_117, %dma_wait3A_127, %dma_wait3A_128, %dma_wait3A_129] : memref<2x8x32x128xf32, #tpu.memory_space<vmem>> -> memref<1x8x32x128xf32, #tpu.memory_space<vmem>>
        %dma_wait3A_131 = tpu.memref_squeeze %dma_wait3A_130 : memref<1x8x32x128xf32, #tpu.memory_space<vmem>> -> memref<8x32x128xf32, #tpu.memory_space<vmem>>
        tpu.wait_dma2 semaphore(%arg18 : memref<!tpu.dma_semaphore, #tpu.memory_space<semaphore_mem>>) src(%dma_wait3A_131 : memref<8x32x128xf32, #tpu.memory_space<vmem>>) dst(%dma_wait3A_126 : memref<8x32x128xf32, #tpu.memory_space<hbm>>)
      } else {
      }
      %scan3A_97 = arith.constant 0 : i32
      %scan3A_98 = arith.constant 8 : i32
      %scan3A_99 = arith.addi %scan3A_97, %scan3A_98 : i32
      %scan3A_100 = arith.constant 1 : i32
      scf.for %scan3A_117 = %scan3A_97 to %scan3A_99 step %scan3A_100  : i32 {
        %add3A_118 = arith.addi %mul3A_91, %scan3A_117 : i32
        %get3A_119 = arith.index_cast %add3A_118 : i32 to index
        %get3A_120 = tpu.vector_load %arg9[%get3A_119] {strides = array<i32>} : memref<288xi32, #tpu.memory_space<vmem>>, vector<16xi32>,
        %slice3A_121 = vector.extract_strided_slice %get3A_120 {offsets = [0], sizes = [1], strides = [1]} : vector<16xi32> to vector<1xi32>
        %squeeze3A_122 = vector.extract %slice3A_121[0] : i32 from vector<1xi32>
        %get3A_123 = arith.index_cast %add3A_118 : i32 to index
        %get3A_124 = tpu.vector_load %arg10[%get3A_123] {strides = array<i32>} : memref<288xi32, #tpu.memory_space<vmem>>, vector<16xi32>,
        %slice3A_125 = vector.extract_strided_slice %get3A_124 {offsets = [0], sizes = [1], strides = [1]} : vector<16xi32> to vector<1xi32>
        %squeeze3A_126 = vector.extract %slice3A_125[0] : i32 from vector<1xi32>
        %broadcast_in_dim3A_127 = vector.broadcast %add3A_118 : i32 to vector<16xi32>
        %gather3A_128 = tpu.vector_load_idx %arg11[%broadcast_in_dim3A_127] : memref<288xf32, #tpu.memory_space<vmem>>[vector<16xi32>], vector<16xf32>,
        %gather3A_129 = tpu.vector_load_idx %arg12[%broadcast_in_dim3A_127] : memref<288xf32, #tpu.memory_space<vmem>>[vector<16xi32>], vector<16xf32>,
        %parallel_loop3A_130 = arith.constant 0 : i32
        %parallel_loop3A_131 = arith.constant 32 : i32
        %parallel_loop3A_132 = arith.constant 1 : i32
        scf.for %parallel_loop3A_133 = %parallel_loop3A_130 to %parallel_loop3A_131 step %parallel_loop3A_132  : i32 {
          %parallel_loop3A_134 = arith.index_cast %squeeze3A_122 : i32 to index
          %parallel_loop3A_135 = arith.index_cast %parallel_loop3A_133 : i32 to index
          %parallel_loop3A_136 = arith.constant 0 : index
          %parallel_loop3A_137 = tpu.vector_load %arg15[%parallel_loop3A_134, %parallel_loop3A_135, %parallel_loop3A_136] {strides = array<i32>} : memref<8x32x128xf32, #tpu.memory_space<vmem>>, vector<16xf32>,
          %parallel_loop3A_138 = arith.index_cast %squeeze3A_126 : i32 to index
          %parallel_loop3A_139 = arith.index_cast %parallel_loop3A_133 : i32 to index
          %parallel_loop3A_140 = arith.constant 0 : index
          %parallel_loop3A_141 = tpu.vector_load %arg15[%parallel_loop3A_138, %parallel_loop3A_139, %parallel_loop3A_140] {strides = array<i32>} : memref<8x32x128xf32, #tpu.memory_space<vmem>>, vector<16xf32>,
          %parallel_loop3A_142 = arith.mulf %gather3A_128, %parallel_loop3A_137 : vector<16xf32>
          %parallel_loop3A_143 = arith.mulf %gather3A_129, %parallel_loop3A_141 : vector<16xf32>
          %parallel_loop3A_144 = arith.addf %parallel_loop3A_142, %parallel_loop3A_143 : vector<16xf32>
          %parallel_loop3A_145 = arith.constant 1 : i32
          %parallel_loop3A_146 = arith.index_cast %parallel_loop3A_145 : i32 to index
          %parallel_loop3A_147 = arith.index_cast %scan3A_117 : i32 to index
          %parallel_loop3A_148 = arith.index_cast %parallel_loop3A_133 : i32 to index
          %parallel_loop3A_149 = arith.constant 0 : index
          %parallel_loop3A_150 = tpu.vector_load %arg16[%parallel_loop3A_146, %parallel_loop3A_147, %parallel_loop3A_148, %parallel_loop3A_149] {strides = array<i32>} : memref<2x8x32x128xf32, #tpu.memory_space<vmem>>, vector<16xf32>,
          tpu.vector_store %arg16[%parallel_loop3A_146, %parallel_loop3A_147, %parallel_loop3A_148, %parallel_loop3A_149], %parallel_loop3A_144 {strides = array<i32>} : memref<2x8x32x128xf32, #tpu.memory_space<vmem>>, vector<16xf32>,
          %parallel_loop3A_151 = arith.index_cast %squeeze3A_122 : i32 to index
          %parallel_loop3A_152 = arith.index_cast %parallel_loop3A_133 : i32 to index
          %parallel_loop3A_153 = arith.constant 16 : index
          %parallel_loop3A_154 = tpu.vector_load %arg15[%parallel_loop3A_151, %parallel_loop3A_152, %parallel_loop3A_153] {strides = array<i32>} : memref<8x32x128xf32, #tpu.memory_space<vmem>>, vector<16xf32>,
          %parallel_loop3A_155 = arith.index_cast %squeeze3A_126 : i32 to index
          %parallel_loop3A_156 = arith.index_cast %parallel_loop3A_133 : i32 to index
          %parallel_loop3A_157 = arith.constant 16 : index
          %parallel_loop3A_158 = tpu.vector_load %arg15[%parallel_loop3A_155, %parallel_loop3A_156, %parallel_loop3A_157] {strides = array<i32>} : memref<8x32x128xf32, #tpu.memory_space<vmem>>, vector<16xf32>,
          %parallel_loop3A_159 = arith.mulf %gather3A_128, %parallel_loop3A_154 : vector<16xf32>
          %parallel_loop3A_160 = arith.mulf %gather3A_129, %parallel_loop3A_158 : vector<16xf32>
          %parallel_loop3A_161 = arith.addf %parallel_loop3A_159, %parallel_loop3A_160 : vector<16xf32>
          %parallel_loop3A_162 = arith.constant 1 : i32
          %parallel_loop3A_163 = arith.index_cast %parallel_loop3A_162 : i32 to index
          %parallel_loop3A_164 = arith.index_cast %scan3A_117 : i32 to index
          %parallel_loop3A_165 = arith.index_cast %parallel_loop3A_133 : i32 to index
          %parallel_loop3A_166 = arith.constant 16 : index
          %parallel_loop3A_167 = tpu.vector_load %arg16[%parallel_loop3A_163, %parallel_loop3A_164, %parallel_loop3A_165, %parallel_loop3A_166] {strides = array<i32>} : memref<2x8x32x128xf32, #tpu.memory_space<vmem>>, vector<16xf32>,
          tpu.vector_store %arg16[%parallel_loop3A_163, %parallel_loop3A_164, %parallel_loop3A_165, %parallel_loop3A_166], %parallel_loop3A_161 {strides = array<i32>} : memref<2x8x32x128xf32, #tpu.memory_space<vmem>>, vector<16xf32>,
          %parallel_loop3A_168 = arith.index_cast %squeeze3A_122 : i32 to index
          %parallel_loop3A_169 = arith.index_cast %parallel_loop3A_133 : i32 to index
          %parallel_loop3A_170 = arith.constant 32 : index
          %parallel_loop3A_171 = tpu.vector_load %arg15[%parallel_loop3A_168, %parallel_loop3A_169, %parallel_loop3A_170] {strides = array<i32>} : memref<8x32x128xf32, #tpu.memory_space<vmem>>, vector<16xf32>,
          %parallel_loop3A_172 = arith.index_cast %squeeze3A_126 : i32 to index
          %parallel_loop3A_173 = arith.index_cast %parallel_loop3A_133 : i32 to index
          %parallel_loop3A_174 = arith.constant 32 : index
          %parallel_loop3A_175 = tpu.vector_load %arg15[%parallel_loop3A_172, %parallel_loop3A_173, %parallel_loop3A_174] {strides = array<i32>} : memref<8x32x128xf32, #tpu.memory_space<vmem>>, vector<16xf32>,
          %parallel_loop3A_176 = arith.mulf %gather3A_128, %parallel_loop3A_171 : vector<16xf32>
          %parallel_loop3A_177 = arith.mulf %gather3A_129, %parallel_loop3A_175 : vector<16xf32>
          %parallel_loop3A_178 = arith.addf %parallel_loop3A_176, %parallel_loop3A_177 : vector<16xf32>
          %parallel_loop3A_179 = arith.constant 1 : i32
          %parallel_loop3A_180 = arith.index_cast %parallel_loop3A_179 : i32 to index
          %parallel_loop3A_181 = arith.index_cast %scan3A_117 : i32 to index
          %parallel_loop3A_182 = arith.index_cast %parallel_loop3A_133 : i32 to index
          %parallel_loop3A_183 = arith.constant 32 : index
          %parallel_loop3A_184 = tpu.vector_load %arg16[%parallel_loop3A_180, %parallel_loop3A_181, %parallel_loop3A_182, %parallel_loop3A_183] {strides = array<i32>} : memref<2x8x32x128xf32, #tpu.memory_space<vmem>>, vector<16xf32>,
          tpu.vector_store %arg16[%parallel_loop3A_180, %parallel_loop3A_181, %parallel_loop3A_182, %parallel_loop3A_183], %parallel_loop3A_178 {strides = array<i32>} : memref<2x8x32x128xf32, #tpu.memory_space<vmem>>, vector<16xf32>,
          %parallel_loop3A_185 = arith.index_cast %squeeze3A_122 : i32 to index
          %parallel_loop3A_186 = arith.index_cast %parallel_loop3A_133 : i32 to index
          %parallel_loop3A_187 = arith.constant 48 : index
          %parallel_loop3A_188 = tpu.vector_load %arg15[%parallel_loop3A_185, %parallel_loop3A_186, %parallel_loop3A_187] {strides = array<i32>} : memref<8x32x128xf32, #tpu.memory_space<vmem>>, vector<16xf32>,
          %parallel_loop3A_189 = arith.index_cast %squeeze3A_126 : i32 to index
          %parallel_loop3A_190 = arith.index_cast %parallel_loop3A_133 : i32 to index
          %parallel_loop3A_191 = arith.constant 48 : index
          %parallel_loop3A_192 = tpu.vector_load %arg15[%parallel_loop3A_189, %parallel_loop3A_190, %parallel_loop3A_191] {strides = array<i32>} : memref<8x32x128xf32, #tpu.memory_space<vmem>>, vector<16xf32>,
          %parallel_loop3A_193 = arith.mulf %gather3A_128, %parallel_loop3A_188 : vector<16xf32>
          %parallel_loop3A_194 = arith.mulf %gather3A_129, %parallel_loop3A_192 : vector<16xf32>
          %parallel_loop3A_195 = arith.addf %parallel_loop3A_193, %parallel_loop3A_194 : vector<16xf32>
          %parallel_loop3A_196 = arith.constant 1 : i32
          %parallel_loop3A_197 = arith.index_cast %parallel_loop3A_196 : i32 to index
          %parallel_loop3A_198 = arith.index_cast %scan3A_117 : i32 to index
          %parallel_loop3A_199 = arith.index_cast %parallel_loop3A_133 : i32 to index
          %parallel_loop3A_200 = arith.constant 48 : index
          %parallel_loop3A_201 = tpu.vector_load %arg16[%parallel_loop3A_197, %parallel_loop3A_198, %parallel_loop3A_199, %parallel_loop3A_200] {strides = array<i32>} : memref<2x8x32x128xf32, #tpu.memory_space<vmem>>, vector<16xf32>,
          tpu.vector_store %arg16[%parallel_loop3A_197, %parallel_loop3A_198, %parallel_loop3A_199, %parallel_loop3A_200], %parallel_loop3A_195 {strides = array<i32>} : memref<2x8x32x128xf32, #tpu.memory_space<vmem>>, vector<16xf32>,
          %parallel_loop3A_202 = arith.index_cast %squeeze3A_122 : i32 to index
          %parallel_loop3A_203 = arith.index_cast %parallel_loop3A_133 : i32 to index
          %parallel_loop3A_204 = arith.constant 64 : index
          %parallel_loop3A_205 = tpu.vector_load %arg15[%parallel_loop3A_202, %parallel_loop3A_203, %parallel_loop3A_204] {strides = array<i32>} : memref<8x32x128xf32, #tpu.memory_space<vmem>>, vector<16xf32>,
          %parallel_loop3A_206 = arith.index_cast %squeeze3A_126 : i32 to index
          %parallel_loop3A_207 = arith.index_cast %parallel_loop3A_133 : i32 to index
          %parallel_loop3A_208 = arith.constant 64 : index
          %parallel_loop3A_209 = tpu.vector_load %arg15[%parallel_loop3A_206, %parallel_loop3A_207, %parallel_loop3A_208] {strides = array<i32>} : memref<8x32x128xf32, #tpu.memory_space<vmem>>, vector<16xf32>,
          %parallel_loop3A_210 = arith.mulf %gather3A_128, %parallel_loop3A_205 : vector<16xf32>
          %parallel_loop3A_211 = arith.mulf %gather3A_129, %parallel_loop3A_209 : vector<16xf32>
          %parallel_loop3A_212 = arith.addf %parallel_loop3A_210, %parallel_loop3A_211 : vector<16xf32>
          %parallel_loop3A_213 = arith.constant 1 : i32
          %parallel_loop3A_214 = arith.index_cast %parallel_loop3A_213 : i32 to index
          %parallel_loop3A_215 = arith.index_cast %scan3A_117 : i32 to index
          %parallel_loop3A_216 = arith.index_cast %parallel_loop3A_133 : i32 to index
          %parallel_loop3A_217 = arith.constant 64 : index
          %parallel_loop3A_218 = tpu.vector_load %arg16[%parallel_loop3A_214, %parallel_loop3A_215, %parallel_loop3A_216, %parallel_loop3A_217] {strides = array<i32>} : memref<2x8x32x128xf32, #tpu.memory_space<vmem>>, vector<16xf32>,
          tpu.vector_store %arg16[%parallel_loop3A_214, %parallel_loop3A_215, %parallel_loop3A_216, %parallel_loop3A_217], %parallel_loop3A_212 {strides = array<i32>} : memref<2x8x32x128xf32, #tpu.memory_space<vmem>>, vector<16xf32>,
          %parallel_loop3A_219 = arith.index_cast %squeeze3A_122 : i32 to index
          %parallel_loop3A_220 = arith.index_cast %parallel_loop3A_133 : i32 to index
          %parallel_loop3A_221 = arith.constant 80 : index
          %parallel_loop3A_222 = tpu.vector_load %arg15[%parallel_loop3A_219, %parallel_loop3A_220, %parallel_loop3A_221] {strides = array<i32>} : memref<8x32x128xf32, #tpu.memory_space<vmem>>, vector<16xf32>,
          %parallel_loop3A_223 = arith.index_cast %squeeze3A_126 : i32 to index
          %parallel_loop3A_224 = arith.index_cast %parallel_loop3A_133 : i32 to index
          %parallel_loop3A_225 = arith.constant 80 : index
          %parallel_loop3A_226 = tpu.vector_load %arg15[%parallel_loop3A_223, %parallel_loop3A_224, %parallel_loop3A_225] {strides = array<i32>} : memref<8x32x128xf32, #tpu.memory_space<vmem>>, vector<16xf32>,
          %parallel_loop3A_227 = arith.mulf %gather3A_128, %parallel_loop3A_222 : vector<16xf32>
          %parallel_loop3A_228 = arith.mulf %gather3A_129, %parallel_loop3A_226 : vector<16xf32>
          %parallel_loop3A_229 = arith.addf %parallel_loop3A_227, %parallel_loop3A_228 : vector<16xf32>
          %parallel_loop3A_230 = arith.constant 1 : i32
          %parallel_loop3A_231 = arith.index_cast %parallel_loop3A_230 : i32 to index
          %parallel_loop3A_232 = arith.index_cast %scan3A_117 : i32 to index
          %parallel_loop3A_233 = arith.index_cast %parallel_loop3A_133 : i32 to index
          %parallel_loop3A_234 = arith.constant 80 : index
          %parallel_loop3A_235 = tpu.vector_load %arg16[%parallel_loop3A_231, %parallel_loop3A_232, %parallel_loop3A_233, %parallel_loop3A_234] {strides = array<i32>} : memref<2x8x32x128xf32, #tpu.memory_space<vmem>>, vector<16xf32>,
          tpu.vector_store %arg16[%parallel_loop3A_231, %parallel_loop3A_232, %parallel_loop3A_233, %parallel_loop3A_234], %parallel_loop3A_229 {strides = array<i32>} : memref<2x8x32x128xf32, #tpu.memory_space<vmem>>, vector<16xf32>,
          %parallel_loop3A_236 = arith.index_cast %squeeze3A_122 : i32 to index
          %parallel_loop3A_237 = arith.index_cast %parallel_loop3A_133 : i32 to index
          %parallel_loop3A_238 = arith.constant 96 : index
          %parallel_loop3A_239 = tpu.vector_load %arg15[%parallel_loop3A_236, %parallel_loop3A_237, %parallel_loop3A_238] {strides = array<i32>} : memref<8x32x128xf32, #tpu.memory_space<vmem>>, vector<16xf32>,
          %parallel_loop3A_240 = arith.index_cast %squeeze3A_126 : i32 to index
          %parallel_loop3A_241 = arith.index_cast %parallel_loop3A_133 : i32 to index
          %parallel_loop3A_242 = arith.constant 96 : index
          %parallel_loop3A_243 = tpu.vector_load %arg15[%parallel_loop3A_240, %parallel_loop3A_241, %parallel_loop3A_242] {strides = array<i32>} : memref<8x32x128xf32, #tpu.memory_space<vmem>>, vector<16xf32>,
          %parallel_loop3A_244 = arith.mulf %gather3A_128, %parallel_loop3A_239 : vector<16xf32>
          %parallel_loop3A_245 = arith.mulf %gather3A_129, %parallel_loop3A_243 : vector<16xf32>
          %parallel_loop3A_246 = arith.addf %parallel_loop3A_244, %parallel_loop3A_245 : vector<16xf32>
          %parallel_loop3A_247 = arith.constant 1 : i32
          %parallel_loop3A_248 = arith.index_cast %parallel_loop3A_247 : i32 to index
          %parallel_loop3A_249 = arith.index_cast %scan3A_117 : i32 to index
          %parallel_loop3A_250 = arith.index_cast %parallel_loop3A_133 : i32 to index
          %parallel_loop3A_251 = arith.constant 96 : index
          %parallel_loop3A_252 = tpu.vector_load %arg16[%parallel_loop3A_248, %parallel_loop3A_249, %parallel_loop3A_250, %parallel_loop3A_251] {strides = array<i32>} : memref<2x8x32x128xf32, #tpu.memory_space<vmem>>, vector<16xf32>,
          tpu.vector_store %arg16[%parallel_loop3A_248, %parallel_loop3A_249, %parallel_loop3A_250, %parallel_loop3A_251], %parallel_loop3A_246 {strides = array<i32>} : memref<2x8x32x128xf32, #tpu.memory_space<vmem>>, vector<16xf32>,
          %parallel_loop3A_253 = arith.index_cast %squeeze3A_122 : i32 to index
          %parallel_loop3A_254 = arith.index_cast %parallel_loop3A_133 : i32 to index
          %parallel_loop3A_255 = arith.constant 112 : index
          %parallel_loop3A_256 = tpu.vector_load %arg15[%parallel_loop3A_253, %parallel_loop3A_254, %parallel_loop3A_255] {strides = array<i32>} : memref<8x32x128xf32, #tpu.memory_space<vmem>>, vector<16xf32>,
          %parallel_loop3A_257 = arith.index_cast %squeeze3A_126 : i32 to index
          %parallel_loop3A_258 = arith.index_cast %parallel_loop3A_133 : i32 to index
          %parallel_loop3A_259 = arith.constant 112 : index
          %parallel_loop3A_260 = tpu.vector_load %arg15[%parallel_loop3A_257, %parallel_loop3A_258, %parallel_loop3A_259] {strides = array<i32>} : memref<8x32x128xf32, #tpu.memory_space<vmem>>, vector<16xf32>,
          %parallel_loop3A_261 = arith.mulf %gather3A_128, %parallel_loop3A_256 : vector<16xf32>
          %parallel_loop3A_262 = arith.mulf %gather3A_129, %parallel_loop3A_260 : vector<16xf32>
          %parallel_loop3A_263 = arith.addf %parallel_loop3A_261, %parallel_loop3A_262 : vector<16xf32>
          %parallel_loop3A_264 = arith.constant 1 : i32
          %parallel_loop3A_265 = arith.index_cast %parallel_loop3A_264 : i32 to index
          %parallel_loop3A_266 = arith.index_cast %scan3A_117 : i32 to index
          %parallel_loop3A_267 = arith.index_cast %parallel_loop3A_133 : i32 to index
          %parallel_loop3A_268 = arith.constant 112 : index
          %parallel_loop3A_269 = tpu.vector_load %arg16[%parallel_loop3A_265, %parallel_loop3A_266, %parallel_loop3A_267, %parallel_loop3A_268] {strides = array<i32>} : memref<2x8x32x128xf32, #tpu.memory_space<vmem>>, vector<16xf32>,
          tpu.vector_store %arg16[%parallel_loop3A_265, %parallel_loop3A_266, %parallel_loop3A_267, %parallel_loop3A_268], %parallel_loop3A_263 {strides = array<i32>} : memref<2x8x32x128xf32, #tpu.memory_space<vmem>>, vector<16xf32>,
        } {sc.loop_unroll_factor = 8 : i64, sc.parallel_access}
      }
      %scan3A_101 = arith.constant 8 : i32
      %dma_start3A_102 = arith.constant 1 : i32
      %dma_start3A_103 = arith.constant 0 : i32
      %dma_start3A_104 = arith.constant 0 : i32
      %dma_start3A_105 = arith.constant 0 : i32
      %dma_start3A_106 = tpu.memref_slice %arg16[%dma_start3A_102, %dma_start3A_103, %dma_start3A_104, %dma_start3A_105] : memref<2x8x32x128xf32, #tpu.memory_space<vmem>> -> memref<1x8x32x128xf32, #tpu.memory_space<vmem>>
      %dma_start3A_107 = tpu.memref_squeeze %dma_start3A_106 : memref<1x8x32x128xf32, #tpu.memory_space<vmem>> -> memref<8x32x128xf32, #tpu.memory_space<vmem>>
      %dma_start3A_108 = arith.constant 0 : i32
      %dma_start3A_109 = tpu.memref_slice %arg5[%mul3A_91, %mul3A_6, %dma_start3A_108] : memref<257x1024x128xf32, #tpu.memory_space<hbm>> -> memref<8x32x128xf32, #tpu.memory_space<hbm>>
      %dma_start3A_110 = arith.constant 0 : i32
      %dma_start3A_111 = tpu.memref_slice %arg5[%mul3A_91, %mul3A_6, %dma_start3A_110] : memref<257x1024x128xf32, #tpu.memory_space<hbm>> -> memref<8x32x128xf32, #tpu.memory_space<hbm>>
      %dma_start3A_112 = arith.constant 0 : i32
      %dma_start3A_113 = arith.constant 0 : i32
      %dma_start3A_114 = arith.constant 0 : i32
      %dma_start3A_115 = tpu.memref_slice %arg16[%dma_start3A_102, %dma_start3A_112, %dma_start3A_113, %dma_start3A_114] : memref<2x8x32x128xf32, #tpu.memory_space<vmem>> -> memref<1x8x32x128xf32, #tpu.memory_space<vmem>>
      %dma_start3A_116 = tpu.memref_squeeze %dma_start3A_115 : memref<1x8x32x128xf32, #tpu.memory_space<vmem>> -> memref<8x32x128xf32, #tpu.memory_space<vmem>>
      tpu.enqueue_dma source(%dma_start3A_116 : memref<8x32x128xf32, #tpu.memory_space<vmem>>) target(%dma_start3A_111 : memref<8x32x128xf32, #tpu.memory_space<hbm>>) target_semaphore(%arg18 : memref<!tpu.dma_semaphore, #tpu.memory_space<semaphore_mem>>)
    }
    %scan3A_11 = arith.constant 16 : i32
    %dma_wait3A = arith.constant 0 : i32
    %dma_wait3A_12 = arith.constant 0 : i32
    %dma_wait3A_13 = arith.constant 0 : i32
    %dma_wait3A_14 = arith.constant 0 : i32
    %dma_wait3A_15 = tpu.memref_slice %arg16[%dma_wait3A, %dma_wait3A_12, %dma_wait3A_13, %dma_wait3A_14] : memref<2x8x32x128xf32, #tpu.memory_space<vmem>> -> memref<1x8x32x128xf32, #tpu.memory_space<vmem>>
    %dma_wait3A_16 = tpu.memref_squeeze %dma_wait3A_15 : memref<1x8x32x128xf32, #tpu.memory_space<vmem>> -> memref<8x32x128xf32, #tpu.memory_space<vmem>>
    %dma_wait3A_17 = arith.constant 0 : i32
    %dma_wait3A_18 = arith.constant 0 : i32
    %dma_wait3A_19 = tpu.memref_slice %arg5[%dma_wait3A_17, %mul3A_6, %dma_wait3A_18] : memref<257x1024x128xf32, #tpu.memory_space<hbm>> -> memref<8x32x128xf32, #tpu.memory_space<hbm>>
    %dma_wait3A_20 = arith.constant 0 : i32
    %dma_wait3A_21 = arith.constant 0 : i32
    %dma_wait3A_22 = tpu.memref_slice %arg5[%dma_wait3A_20, %mul3A_6, %dma_wait3A_21] : memref<257x1024x128xf32, #tpu.memory_space<hbm>> -> memref<8x32x128xf32, #tpu.memory_space<hbm>>
    %dma_wait3A_23 = arith.constant 0 : i32
    %dma_wait3A_24 = arith.constant 0 : i32
    %dma_wait3A_25 = arith.constant 0 : i32
    %dma_wait3A_26 = tpu.memref_slice %arg16[%dma_wait3A, %dma_wait3A_23, %dma_wait3A_24, %dma_wait3A_25] : memref<2x8x32x128xf32, #tpu.memory_space<vmem>> -> memref<1x8x32x128xf32, #tpu.memory_space<vmem>>
    %dma_wait3A_27 = tpu.memref_squeeze %dma_wait3A_26 : memref<1x8x32x128xf32, #tpu.memory_space<vmem>> -> memref<8x32x128xf32, #tpu.memory_space<vmem>>
    tpu.wait_dma2 semaphore(%arg17 : memref<!tpu.dma_semaphore, #tpu.memory_space<semaphore_mem>>) src(%dma_wait3A_27 : memref<8x32x128xf32, #tpu.memory_space<vmem>>) dst(%dma_wait3A_22 : memref<8x32x128xf32, #tpu.memory_space<hbm>>)
    %dma_wait3A_28 = arith.constant 1 : i32
    %dma_wait3A_29 = arith.constant 0 : i32
    %dma_wait3A_30 = arith.constant 0 : i32
    %dma_wait3A_31 = arith.constant 0 : i32
    %dma_wait3A_32 = tpu.memref_slice %arg16[%dma_wait3A_28, %dma_wait3A_29, %dma_wait3A_30, %dma_wait3A_31] : memref<2x8x32x128xf32, #tpu.memory_space<vmem>> -> memref<1x8x32x128xf32, #tpu.memory_space<vmem>>
    %dma_wait3A_33 = tpu.memref_squeeze %dma_wait3A_32 : memref<1x8x32x128xf32, #tpu.memory_space<vmem>> -> memref<8x32x128xf32, #tpu.memory_space<vmem>>
    %dma_wait3A_34 = arith.constant 0 : i32
    %dma_wait3A_35 = arith.constant 0 : i32
    %dma_wait3A_36 = tpu.memref_slice %arg5[%dma_wait3A_34, %mul3A_6, %dma_wait3A_35] : memref<257x1024x128xf32, #tpu.memory_space<hbm>> -> memref<8x32x128xf32, #tpu.memory_space<hbm>>
    %dma_wait3A_37 = arith.constant 0 : i32
    %dma_wait3A_38 = arith.constant 0 : i32
    %dma_wait3A_39 = tpu.memref_slice %arg5[%dma_wait3A_37, %mul3A_6, %dma_wait3A_38] : memref<257x1024x128xf32, #tpu.memory_space<hbm>> -> memref<8x32x128xf32, #tpu.memory_space<hbm>>
    %dma_wait3A_40 = arith.constant 0 : i32
    %dma_wait3A_41 = arith.constant 0 : i32
    %dma_wait3A_42 = arith.constant 0 : i32
    %dma_wait3A_43 = tpu.memref_slice %arg16[%dma_wait3A_28, %dma_wait3A_40, %dma_wait3A_41, %dma_wait3A_42] : memref<2x8x32x128xf32, #tpu.memory_space<vmem>> -> memref<1x8x32x128xf32, #tpu.memory_space<vmem>>
    %dma_wait3A_44 = tpu.memref_squeeze %dma_wait3A_43 : memref<1x8x32x128xf32, #tpu.memory_space<vmem>> -> memref<8x32x128xf32, #tpu.memory_space<vmem>>
    tpu.wait_dma2 semaphore(%arg18 : memref<!tpu.dma_semaphore, #tpu.memory_space<semaphore_mem>>) src(%dma_wait3A_44 : memref<8x32x128xf32, #tpu.memory_space<vmem>>) dst(%dma_wait3A_39 : memref<8x32x128xf32, #tpu.memory_space<hbm>>)
    %get3A = arith.constant 256 : index
    %get3A_45 = tpu.vector_load %arg9[%get3A] {strides = array<i32>} : memref<288xi32, #tpu.memory_space<vmem>>, vector<16xi32>,
    %slice3A = vector.extract_strided_slice %get3A_45 {offsets = [0], sizes = [1], strides = [1]} : vector<16xi32> to vector<1xi32>
    %squeeze3A = vector.extract %slice3A[0] : i32 from vector<1xi32>
    %get3A_46 = arith.constant 256 : index
    %get3A_47 = tpu.vector_load %arg10[%get3A_46] {strides = array<i32>} : memref<288xi32, #tpu.memory_space<vmem>>, vector<16xi32>,
    %slice3A_48 = vector.extract_strided_slice %get3A_47 {offsets = [0], sizes = [1], strides = [1]} : vector<16xi32> to vector<1xi32>
    %squeeze3A_49 = vector.extract %slice3A_48[0] : i32 from vector<1xi32>
    %broadcast_in_dim3A = arith.constant 256 : i32
    %broadcast_in_dim3A_50 = vector.broadcast %broadcast_in_dim3A : i32 to vector<16xi32>
    %gather3A = tpu.vector_load_idx %arg11[%broadcast_in_dim3A_50] : memref<288xf32, #tpu.memory_space<vmem>>[vector<16xi32>], vector<16xf32>,
    %gather3A_51 = tpu.vector_load_idx %arg12[%broadcast_in_dim3A_50] : memref<288xf32, #tpu.memory_space<vmem>>[vector<16xi32>], vector<16xf32>,
    %parallel_loop3A = arith.constant 0 : i32
    %parallel_loop3A_52 = arith.constant 32 : i32
    %parallel_loop3A_53 = arith.constant 1 : i32
    scf.for %parallel_loop3A_56 = %parallel_loop3A to %parallel_loop3A_52 step %parallel_loop3A_53  : i32 {
      %parallel_loop3A_57 = arith.index_cast %squeeze3A : i32 to index
      %parallel_loop3A_58 = arith.index_cast %parallel_loop3A_56 : i32 to index
      %parallel_loop3A_59 = arith.constant 0 : index
      %parallel_loop3A_60 = tpu.vector_load %arg15[%parallel_loop3A_57, %parallel_loop3A_58, %parallel_loop3A_59] {strides = array<i32>} : memref<8x32x128xf32, #tpu.memory_space<vmem>>, vector<16xf32>,
      %parallel_loop3A_61 = arith.index_cast %squeeze3A_49 : i32 to index
      %parallel_loop3A_62 = arith.index_cast %parallel_loop3A_56 : i32 to index
      %parallel_loop3A_63 = arith.constant 0 : index
      %parallel_loop3A_64 = tpu.vector_load %arg15[%parallel_loop3A_61, %parallel_loop3A_62, %parallel_loop3A_63] {strides = array<i32>} : memref<8x32x128xf32, #tpu.memory_space<vmem>>, vector<16xf32>,
      %parallel_loop3A_65 = arith.mulf %gather3A, %parallel_loop3A_60 : vector<16xf32>
      %parallel_loop3A_66 = arith.mulf %gather3A_51, %parallel_loop3A_64 : vector<16xf32>
      %parallel_loop3A_67 = arith.addf %parallel_loop3A_65, %parallel_loop3A_66 : vector<16xf32>
      %parallel_loop3A_68 = arith.constant 0 : i32
      %parallel_loop3A_69 = arith.constant 0 : i32
      %parallel_loop3A_70 = arith.index_cast %parallel_loop3A_68 : i32 to index
      %parallel_loop3A_71 = arith.index_cast %parallel_loop3A_69 : i32 to index
      %parallel_loop3A_72 = arith.index_cast %parallel_loop3A_56 : i32 to index
      %parallel_loop3A_73 = arith.constant 0 : index
      %parallel_loop3A_74 = tpu.vector_load %arg16[%parallel_loop3A_70, %parallel_loop3A_71, %parallel_loop3A_72, %parallel_loop3A_73] {strides = array<i32>} : memref<2x8x32x128xf32, #tpu.memory_space<vmem>>, vector<16xf32>,
      tpu.vector_store %arg16[%parallel_loop3A_70, %parallel_loop3A_71, %parallel_loop3A_72, %parallel_loop3A_73], %parallel_loop3A_67 {strides = array<i32>} : memref<2x8x32x128xf32, #tpu.memory_space<vmem>>, vector<16xf32>,
      %parallel_loop3A_75 = arith.index_cast %squeeze3A : i32 to index
      %parallel_loop3A_76 = arith.index_cast %parallel_loop3A_56 : i32 to index
      %parallel_loop3A_77 = arith.constant 16 : index
      %parallel_loop3A_78 = tpu.vector_load %arg15[%parallel_loop3A_75, %parallel_loop3A_76, %parallel_loop3A_77] {strides = array<i32>} : memref<8x32x128xf32, #tpu.memory_space<vmem>>, vector<16xf32>,
      %parallel_loop3A_79 = arith.index_cast %squeeze3A_49 : i32 to index
      %parallel_loop3A_80 = arith.index_cast %parallel_loop3A_56 : i32 to index
      %parallel_loop3A_81 = arith.constant 16 : index
      %parallel_loop3A_82 = tpu.vector_load %arg15[%parallel_loop3A_79, %parallel_loop3A_80, %parallel_loop3A_81] {strides = array<i32>} : memref<8x32x128xf32, #tpu.memory_space<vmem>>, vector<16xf32>,
      %parallel_loop3A_83 = arith.mulf %gather3A, %parallel_loop3A_78 : vector<16xf32>
      %parallel_loop3A_84 = arith.mulf %gather3A_51, %parallel_loop3A_82 : vector<16xf32>
      %parallel_loop3A_85 = arith.addf %parallel_loop3A_83, %parallel_loop3A_84 : vector<16xf32>
      %parallel_loop3A_86 = arith.constant 0 : i32
      %parallel_loop3A_87 = arith.constant 0 : i32
      %parallel_loop3A_88 = arith.index_cast %parallel_loop3A_86 : i32 to index
      %parallel_loop3A_89 = arith.index_cast %parallel_loop3A_87 : i32 to index
      %parallel_loop3A_90 = arith.index_cast %parallel_loop3A_56 : i32 to index
      %parallel_loop3A_91 = arith.constant 16 : index
      %parallel_loop3A_92 = tpu.vector_load %arg16[%parallel_loop3A_88, %parallel_loop3A_89, %parallel_loop3A_90, %parallel_loop3A_91] {strides = array<i32>} : memref<2x8x32x128xf32, #tpu.memory_space<vmem>>, vector<16xf32>,
      tpu.vector_store %arg16[%parallel_loop3A_88, %parallel_loop3A_89, %parallel_loop3A_90, %parallel_loop3A_91], %parallel_loop3A_85 {strides = array<i32>} : memref<2x8x32x128xf32, #tpu.memory_space<vmem>>, vector<16xf32>,
      %parallel_loop3A_93 = arith.index_cast %squeeze3A : i32 to index
      %parallel_loop3A_94 = arith.index_cast %parallel_loop3A_56 : i32 to index
      %parallel_loop3A_95 = arith.constant 32 : index
      %parallel_loop3A_96 = tpu.vector_load %arg15[%parallel_loop3A_93, %parallel_loop3A_94, %parallel_loop3A_95] {strides = array<i32>} : memref<8x32x128xf32, #tpu.memory_space<vmem>>, vector<16xf32>,
      %parallel_loop3A_97 = arith.index_cast %squeeze3A_49 : i32 to index
      %parallel_loop3A_98 = arith.index_cast %parallel_loop3A_56 : i32 to index
      %parallel_loop3A_99 = arith.constant 32 : index
      %parallel_loop3A_100 = tpu.vector_load %arg15[%parallel_loop3A_97, %parallel_loop3A_98, %parallel_loop3A_99] {strides = array<i32>} : memref<8x32x128xf32, #tpu.memory_space<vmem>>, vector<16xf32>,
      %parallel_loop3A_101 = arith.mulf %gather3A, %parallel_loop3A_96 : vector<16xf32>
      %parallel_loop3A_102 = arith.mulf %gather3A_51, %parallel_loop3A_100 : vector<16xf32>
      %parallel_loop3A_103 = arith.addf %parallel_loop3A_101, %parallel_loop3A_102 : vector<16xf32>
      %parallel_loop3A_104 = arith.constant 0 : i32
      %parallel_loop3A_105 = arith.constant 0 : i32
      %parallel_loop3A_106 = arith.index_cast %parallel_loop3A_104 : i32 to index
      %parallel_loop3A_107 = arith.index_cast %parallel_loop3A_105 : i32 to index
      %parallel_loop3A_108 = arith.index_cast %parallel_loop3A_56 : i32 to index
      %parallel_loop3A_109 = arith.constant 32 : index
      %parallel_loop3A_110 = tpu.vector_load %arg16[%parallel_loop3A_106, %parallel_loop3A_107, %parallel_loop3A_108, %parallel_loop3A_109] {strides = array<i32>} : memref<2x8x32x128xf32, #tpu.memory_space<vmem>>, vector<16xf32>,
      tpu.vector_store %arg16[%parallel_loop3A_106, %parallel_loop3A_107, %parallel_loop3A_108, %parallel_loop3A_109], %parallel_loop3A_103 {strides = array<i32>} : memref<2x8x32x128xf32, #tpu.memory_space<vmem>>, vector<16xf32>,
      %parallel_loop3A_111 = arith.index_cast %squeeze3A : i32 to index
      %parallel_loop3A_112 = arith.index_cast %parallel_loop3A_56 : i32 to index
      %parallel_loop3A_113 = arith.constant 48 : index
      %parallel_loop3A_114 = tpu.vector_load %arg15[%parallel_loop3A_111, %parallel_loop3A_112, %parallel_loop3A_113] {strides = array<i32>} : memref<8x32x128xf32, #tpu.memory_space<vmem>>, vector<16xf32>,
      %parallel_loop3A_115 = arith.index_cast %squeeze3A_49 : i32 to index
      %parallel_loop3A_116 = arith.index_cast %parallel_loop3A_56 : i32 to index
      %parallel_loop3A_117 = arith.constant 48 : index
      %parallel_loop3A_118 = tpu.vector_load %arg15[%parallel_loop3A_115, %parallel_loop3A_116, %parallel_loop3A_117] {strides = array<i32>} : memref<8x32x128xf32, #tpu.memory_space<vmem>>, vector<16xf32>,
      %parallel_loop3A_119 = arith.mulf %gather3A, %parallel_loop3A_114 : vector<16xf32>
      %parallel_loop3A_120 = arith.mulf %gather3A_51, %parallel_loop3A_118 : vector<16xf32>
      %parallel_loop3A_121 = arith.addf %parallel_loop3A_119, %parallel_loop3A_120 : vector<16xf32>
      %parallel_loop3A_122 = arith.constant 0 : i32
      %parallel_loop3A_123 = arith.constant 0 : i32
      %parallel_loop3A_124 = arith.index_cast %parallel_loop3A_122 : i32 to index
      %parallel_loop3A_125 = arith.index_cast %parallel_loop3A_123 : i32 to index
      %parallel_loop3A_126 = arith.index_cast %parallel_loop3A_56 : i32 to index
      %parallel_loop3A_127 = arith.constant 48 : index
      %parallel_loop3A_128 = tpu.vector_load %arg16[%parallel_loop3A_124, %parallel_loop3A_125, %parallel_loop3A_126, %parallel_loop3A_127] {strides = array<i32>} : memref<2x8x32x128xf32, #tpu.memory_space<vmem>>, vector<16xf32>,
      tpu.vector_store %arg16[%parallel_loop3A_124, %parallel_loop3A_125, %parallel_loop3A_126, %parallel_loop3A_127], %parallel_loop3A_121 {strides = array<i32>} : memref<2x8x32x128xf32, #tpu.memory_space<vmem>>, vector<16xf32>,
      %parallel_loop3A_129 = arith.index_cast %squeeze3A : i32 to index
      %parallel_loop3A_130 = arith.index_cast %parallel_loop3A_56 : i32 to index
      %parallel_loop3A_131 = arith.constant 64 : index
      %parallel_loop3A_132 = tpu.vector_load %arg15[%parallel_loop3A_129, %parallel_loop3A_130, %parallel_loop3A_131] {strides = array<i32>} : memref<8x32x128xf32, #tpu.memory_space<vmem>>, vector<16xf32>,
      %parallel_loop3A_133 = arith.index_cast %squeeze3A_49 : i32 to index
      %parallel_loop3A_134 = arith.index_cast %parallel_loop3A_56 : i32 to index
      %parallel_loop3A_135 = arith.constant 64 : index
      %parallel_loop3A_136 = tpu.vector_load %arg15[%parallel_loop3A_133, %parallel_loop3A_134, %parallel_loop3A_135] {strides = array<i32>} : memref<8x32x128xf32, #tpu.memory_space<vmem>>, vector<16xf32>,
      %parallel_loop3A_137 = arith.mulf %gather3A, %parallel_loop3A_132 : vector<16xf32>
      %parallel_loop3A_138 = arith.mulf %gather3A_51, %parallel_loop3A_136 : vector<16xf32>
      %parallel_loop3A_139 = arith.addf %parallel_loop3A_137, %parallel_loop3A_138 : vector<16xf32>
      %parallel_loop3A_140 = arith.constant 0 : i32
      %parallel_loop3A_141 = arith.constant 0 : i32
      %parallel_loop3A_142 = arith.index_cast %parallel_loop3A_140 : i32 to index
      %parallel_loop3A_143 = arith.index_cast %parallel_loop3A_141 : i32 to index
      %parallel_loop3A_144 = arith.index_cast %parallel_loop3A_56 : i32 to index
      %parallel_loop3A_145 = arith.constant 64 : index
      %parallel_loop3A_146 = tpu.vector_load %arg16[%parallel_loop3A_142, %parallel_loop3A_143, %parallel_loop3A_144, %parallel_loop3A_145] {strides = array<i32>} : memref<2x8x32x128xf32, #tpu.memory_space<vmem>>, vector<16xf32>,
      tpu.vector_store %arg16[%parallel_loop3A_142, %parallel_loop3A_143, %parallel_loop3A_144, %parallel_loop3A_145], %parallel_loop3A_139 {strides = array<i32>} : memref<2x8x32x128xf32, #tpu.memory_space<vmem>>, vector<16xf32>,
      %parallel_loop3A_147 = arith.index_cast %squeeze3A : i32 to index
      %parallel_loop3A_148 = arith.index_cast %parallel_loop3A_56 : i32 to index
      %parallel_loop3A_149 = arith.constant 80 : index
      %parallel_loop3A_150 = tpu.vector_load %arg15[%parallel_loop3A_147, %parallel_loop3A_148, %parallel_loop3A_149] {strides = array<i32>} : memref<8x32x128xf32, #tpu.memory_space<vmem>>, vector<16xf32>,
      %parallel_loop3A_151 = arith.index_cast %squeeze3A_49 : i32 to index
      %parallel_loop3A_152 = arith.index_cast %parallel_loop3A_56 : i32 to index
      %parallel_loop3A_153 = arith.constant 80 : index
      %parallel_loop3A_154 = tpu.vector_load %arg15[%parallel_loop3A_151, %parallel_loop3A_152, %parallel_loop3A_153] {strides = array<i32>} : memref<8x32x128xf32, #tpu.memory_space<vmem>>, vector<16xf32>,
      %parallel_loop3A_155 = arith.mulf %gather3A, %parallel_loop3A_150 : vector<16xf32>
      %parallel_loop3A_156 = arith.mulf %gather3A_51, %parallel_loop3A_154 : vector<16xf32>
      %parallel_loop3A_157 = arith.addf %parallel_loop3A_155, %parallel_loop3A_156 : vector<16xf32>
      %parallel_loop3A_158 = arith.constant 0 : i32
      %parallel_loop3A_159 = arith.constant 0 : i32
      %parallel_loop3A_160 = arith.index_cast %parallel_loop3A_158 : i32 to index
      %parallel_loop3A_161 = arith.index_cast %parallel_loop3A_159 : i32 to index
      %parallel_loop3A_162 = arith.index_cast %parallel_loop3A_56 : i32 to index
      %parallel_loop3A_163 = arith.constant 80 : index
      %parallel_loop3A_164 = tpu.vector_load %arg16[%parallel_loop3A_160, %parallel_loop3A_161, %parallel_loop3A_162, %parallel_loop3A_163] {strides = array<i32>} : memref<2x8x32x128xf32, #tpu.memory_space<vmem>>, vector<16xf32>,
      tpu.vector_store %arg16[%parallel_loop3A_160, %parallel_loop3A_161, %parallel_loop3A_162, %parallel_loop3A_163], %parallel_loop3A_157 {strides = array<i32>} : memref<2x8x32x128xf32, #tpu.memory_space<vmem>>, vector<16xf32>,
      %parallel_loop3A_165 = arith.index_cast %squeeze3A : i32 to index
      %parallel_loop3A_166 = arith.index_cast %parallel_loop3A_56 : i32 to index
      %parallel_loop3A_167 = arith.constant 96 : index
      %parallel_loop3A_168 = tpu.vector_load %arg15[%parallel_loop3A_165, %parallel_loop3A_166, %parallel_loop3A_167] {strides = array<i32>} : memref<8x32x128xf32, #tpu.memory_space<vmem>>, vector<16xf32>,
      %parallel_loop3A_169 = arith.index_cast %squeeze3A_49 : i32 to index
      %parallel_loop3A_170 = arith.index_cast %parallel_loop3A_56 : i32 to index
      %parallel_loop3A_171 = arith.constant 96 : index
      %parallel_loop3A_172 = tpu.vector_load %arg15[%parallel_loop3A_169, %parallel_loop3A_170, %parallel_loop3A_171] {strides = array<i32>} : memref<8x32x128xf32, #tpu.memory_space<vmem>>, vector<16xf32>,
      %parallel_loop3A_173 = arith.mulf %gather3A, %parallel_loop3A_168 : vector<16xf32>
      %parallel_loop3A_174 = arith.mulf %gather3A_51, %parallel_loop3A_172 : vector<16xf32>
      %parallel_loop3A_175 = arith.addf %parallel_loop3A_173, %parallel_loop3A_174 : vector<16xf32>
      %parallel_loop3A_176 = arith.constant 0 : i32
      %parallel_loop3A_177 = arith.constant 0 : i32
      %parallel_loop3A_178 = arith.index_cast %parallel_loop3A_176 : i32 to index
      %parallel_loop3A_179 = arith.index_cast %parallel_loop3A_177 : i32 to index
      %parallel_loop3A_180 = arith.index_cast %parallel_loop3A_56 : i32 to index
      %parallel_loop3A_181 = arith.constant 96 : index
      %parallel_loop3A_182 = tpu.vector_load %arg16[%parallel_loop3A_178, %parallel_loop3A_179, %parallel_loop3A_180, %parallel_loop3A_181] {strides = array<i32>} : memref<2x8x32x128xf32, #tpu.memory_space<vmem>>, vector<16xf32>,
      tpu.vector_store %arg16[%parallel_loop3A_178, %parallel_loop3A_179, %parallel_loop3A_180, %parallel_loop3A_181], %parallel_loop3A_175 {strides = array<i32>} : memref<2x8x32x128xf32, #tpu.memory_space<vmem>>, vector<16xf32>,
      %parallel_loop3A_183 = arith.index_cast %squeeze3A : i32 to index
      %parallel_loop3A_184 = arith.index_cast %parallel_loop3A_56 : i32 to index
      %parallel_loop3A_185 = arith.constant 112 : index
      %parallel_loop3A_186 = tpu.vector_load %arg15[%parallel_loop3A_183, %parallel_loop3A_184, %parallel_loop3A_185] {strides = array<i32>} : memref<8x32x128xf32, #tpu.memory_space<vmem>>, vector<16xf32>,
      %parallel_loop3A_187 = arith.index_cast %squeeze3A_49 : i32 to index
      %parallel_loop3A_188 = arith.index_cast %parallel_loop3A_56 : i32 to index
      %parallel_loop3A_189 = arith.constant 112 : index
      %parallel_loop3A_190 = tpu.vector_load %arg15[%parallel_loop3A_187, %parallel_loop3A_188, %parallel_loop3A_189] {strides = array<i32>} : memref<8x32x128xf32, #tpu.memory_space<vmem>>, vector<16xf32>,
      %parallel_loop3A_191 = arith.mulf %gather3A, %parallel_loop3A_186 : vector<16xf32>
      %parallel_loop3A_192 = arith.mulf %gather3A_51, %parallel_loop3A_190 : vector<16xf32>
      %parallel_loop3A_193 = arith.addf %parallel_loop3A_191, %parallel_loop3A_192 : vector<16xf32>
      %parallel_loop3A_194 = arith.constant 0 : i32
      %parallel_loop3A_195 = arith.constant 0 : i32
      %parallel_loop3A_196 = arith.index_cast %parallel_loop3A_194 : i32 to index
      %parallel_loop3A_197 = arith.index_cast %parallel_loop3A_195 : i32 to index
      %parallel_loop3A_198 = arith.index_cast %parallel_loop3A_56 : i32 to index
      %parallel_loop3A_199 = arith.constant 112 : index
      %parallel_loop3A_200 = tpu.vector_load %arg16[%parallel_loop3A_196, %parallel_loop3A_197, %parallel_loop3A_198, %parallel_loop3A_199] {strides = array<i32>} : memref<2x8x32x128xf32, #tpu.memory_space<vmem>>, vector<16xf32>,
      tpu.vector_store %arg16[%parallel_loop3A_196, %parallel_loop3A_197, %parallel_loop3A_198, %parallel_loop3A_199], %parallel_loop3A_193 {strides = array<i32>} : memref<2x8x32x128xf32, #tpu.memory_space<vmem>>, vector<16xf32>,
    } {sc.loop_unroll_factor = 8 : i64, sc.parallel_access}
    %run_scoped3A = arith.constant 0 : i32
    "tpu.region"() ({
      %run_scoped3A_56 = tpu.sem_alloc : memref<!tpu.dma_semaphore, #tpu.memory_space<semaphore_mem>>
      %dma_start3A = arith.constant 0 : i32
      %dma_start3A_57 = arith.constant 0 : i32
      %dma_start3A_58 = arith.constant 0 : i32
      %dma_start3A_59 = tpu.memref_slice %arg16[%run_scoped3A, %dma_start3A, %dma_start3A_57, %dma_start3A_58] : memref<2x8x32x128xf32, #tpu.memory_space<vmem>> -> memref<1x1x32x128xf32, #tpu.memory_space<vmem>>
      %dma_start3A_60 = tpu.memref_squeeze %dma_start3A_59 : memref<1x1x32x128xf32, #tpu.memory_space<vmem>> -> memref<1x32x128xf32, #tpu.memory_space<vmem>>
      %dma_start3A_61 = arith.constant 256 : i32
      %dma_start3A_62 = arith.constant 0 : i32
      %dma_start3A_63 = tpu.memref_slice %arg5[%dma_start3A_61, %mul3A_6, %dma_start3A_62] : memref<257x1024x128xf32, #tpu.memory_space<hbm>> -> memref<1x32x128xf32, #tpu.memory_space<hbm>>
      %dma_start3A_64 = arith.constant 256 : i32
      %dma_start3A_65 = arith.constant 0 : i32
      %dma_start3A_66 = tpu.memref_slice %arg5[%dma_start3A_64, %mul3A_6, %dma_start3A_65] : memref<257x1024x128xf32, #tpu.memory_space<hbm>> -> memref<1x32x128xf32, #tpu.memory_space<hbm>>
      %dma_start3A_67 = arith.constant 0 : i32
      %dma_start3A_68 = arith.constant 0 : i32
      %dma_start3A_69 = arith.constant 0 : i32
      %dma_start3A_70 = tpu.memref_slice %arg16[%run_scoped3A, %dma_start3A_67, %dma_start3A_68, %dma_start3A_69] : memref<2x8x32x128xf32, #tpu.memory_space<vmem>> -> memref<1x1x32x128xf32, #tpu.memory_space<vmem>>
      %dma_start3A_71 = tpu.memref_squeeze %dma_start3A_70 : memref<1x1x32x128xf32, #tpu.memory_space<vmem>> -> memref<1x32x128xf32, #tpu.memory_space<vmem>>
      tpu.enqueue_dma source(%dma_start3A_71 : memref<1x32x128xf32, #tpu.memory_space<vmem>>) target(%dma_start3A_66 : memref<1x32x128xf32, #tpu.memory_space<hbm>>) target_semaphore(%run_scoped3A_56 : memref<!tpu.dma_semaphore, #tpu.memory_space<semaphore_mem>>)
      %dma_wait3A_72 = arith.constant 0 : i32
      %dma_wait3A_73 = arith.constant 0 : i32
      %dma_wait3A_74 = arith.constant 0 : i32
      %dma_wait3A_75 = tpu.memref_slice %arg16[%run_scoped3A, %dma_wait3A_72, %dma_wait3A_73, %dma_wait3A_74] : memref<2x8x32x128xf32, #tpu.memory_space<vmem>> -> memref<1x1x32x128xf32, #tpu.memory_space<vmem>>
      %dma_wait3A_76 = tpu.memref_squeeze %dma_wait3A_75 : memref<1x1x32x128xf32, #tpu.memory_space<vmem>> -> memref<1x32x128xf32, #tpu.memory_space<vmem>>
      %dma_wait3A_77 = arith.constant 256 : i32
      %dma_wait3A_78 = arith.constant 0 : i32
      %dma_wait3A_79 = tpu.memref_slice %arg5[%dma_wait3A_77, %mul3A_6, %dma_wait3A_78] : memref<257x1024x128xf32, #tpu.memory_space<hbm>> -> memref<1x32x128xf32, #tpu.memory_space<hbm>>
      %dma_wait3A_80 = arith.constant 256 : i32
      %dma_wait3A_81 = arith.constant 0 : i32
      %dma_wait3A_82 = tpu.memref_slice %arg5[%dma_wait3A_80, %mul3A_6, %dma_wait3A_81] : memref<257x1024x128xf32, #tpu.memory_space<hbm>> -> memref<1x32x128xf32, #tpu.memory_space<hbm>>
      %dma_wait3A_83 = arith.constant 0 : i32
      %dma_wait3A_84 = arith.constant 0 : i32
      %dma_wait3A_85 = arith.constant 0 : i32
      %dma_wait3A_86 = tpu.memref_slice %arg16[%run_scoped3A, %dma_wait3A_83, %dma_wait3A_84, %dma_wait3A_85] : memref<2x8x32x128xf32, #tpu.memory_space<vmem>> -> memref<1x1x32x128xf32, #tpu.memory_space<vmem>>
      %dma_wait3A_87 = tpu.memref_squeeze %dma_wait3A_86 : memref<1x1x32x128xf32, #tpu.memory_space<vmem>> -> memref<1x32x128xf32, #tpu.memory_space<vmem>>
      tpu.wait_dma2 semaphore(%run_scoped3A_56 : memref<!tpu.dma_semaphore, #tpu.memory_space<semaphore_mem>>) src(%dma_wait3A_87 : memref<1x32x128xf32, #tpu.memory_space<vmem>>) dst(%dma_wait3A_82 : memref<1x32x128xf32, #tpu.memory_space<hbm>>)
      tpu.yield
    }) : () -> ()
    %eq3A = arith.constant 0 : i32
    %eq3A_54 = arith.cmpi eq, %add3A, %eq3A : i32
    %convert_element_type3A = arith.extui %eq3A_54 : i1 to i32
    %cond3A = arith.constant 0 : i32
    %cond3A_55 = arith.cmpi ne, %convert_element_type3A, %cond3A : i32
    scf.if %cond3A_55 {
      %scan3A_56 = arith.constant 0 : i32
      %scan3A_57 = arith.constant 18 : i32
      %scan3A_58 = arith.addi %scan3A_56, %scan3A_57 : i32
      %scan3A_59 = arith.constant 1 : i32
      scf.for %scan3A_61 = %scan3A_56 to %scan3A_58 step %scan3A_59  : i32 {
        %mul3A_62 = arith.constant 16 : i32
        %mul3A_63 = arith.muli %scan3A_61, %mul3A_62 : i32
        %get3A_64 = arith.index_cast %mul3A_63 : i32 to index
        %get3A_65 = tpu.vector_load %arg9[%get3A_64] {strides = array<i32>} : memref<288xi32, #tpu.memory_space<vmem>>, vector<16xi32>,
        %gather3A_66 = tpu.vector_load_idx %arg8[%get3A_65] : memref<16xf32, #tpu.memory_space<vmem>>[vector<16xi32>], vector<16xf32>,
        %get3A_67 = arith.index_cast %mul3A_63 : i32 to index
        %get3A_68 = tpu.vector_load %arg10[%get3A_67] {strides = array<i32>} : memref<288xi32, #tpu.memory_space<vmem>>, vector<16xi32>,
        %gather3A_69 = tpu.vector_load_idx %arg8[%get3A_68] : memref<16xf32, #tpu.memory_space<vmem>>[vector<16xi32>], vector<16xf32>,
        %get3A_70 = arith.index_cast %mul3A_63 : i32 to index
        %get3A_71 = tpu.vector_load %arg13[%get3A_70] {strides = array<i32>} : memref<288xf32, #tpu.memory_space<vmem>>, vector<16xf32>,
        %mul3A_72 = arith.mulf %get3A_71, %gather3A_66 : vector<16xf32>
        %get3A_73 = arith.index_cast %mul3A_63 : i32 to index
        %get3A_74 = tpu.vector_load %arg12[%get3A_73] {strides = array<i32>} : memref<288xf32, #tpu.memory_space<vmem>>, vector<16xf32>,
        %mul3A_75 = arith.mulf %get3A_74, %gather3A_69 : vector<16xf32>
        %add3A_76 = arith.addf %mul3A_72, %mul3A_75 : vector<16xf32>
        %swap3A = arith.index_cast %mul3A_63 : i32 to index
        %swap3A_77 = tpu.vector_load %arg14[%swap3A] {strides = array<i32>} : memref<288xf32, #tpu.memory_space<vmem>>, vector<16xf32>,
        tpu.vector_store %arg14[%swap3A], %add3A_76 {strides = array<i32>} : memref<288xf32, #tpu.memory_space<vmem>>, vector<16xf32>,
      }
      %scan3A_60 = arith.constant 18 : i32
      "tpu.region"() ({
        %run_scoped3A_61 = tpu.sem_alloc : memref<!tpu.dma_semaphore, #tpu.memory_space<semaphore_mem>>
        %dma_start3A = arith.constant 0 : i32
        %dma_start3A_62 = tpu.memref_slice %arg14[%dma_start3A] : memref<288xf32, #tpu.memory_space<vmem>> -> memref<257xf32, #tpu.memory_space<vmem>>
        %dma_start3A_63 = arith.constant 0 : i32
        %dma_start3A_64 = tpu.memref_slice %arg14[%dma_start3A_63] : memref<288xf32, #tpu.memory_space<vmem>> -> memref<257xf32, #tpu.memory_space<vmem>>
        tpu.enqueue_dma source(%dma_start3A_64 : memref<257xf32, #tpu.memory_space<vmem>>) target(%arg6 : memref<257xf32, #tpu.memory_space<hbm>>) target_semaphore(%run_scoped3A_61 : memref<!tpu.dma_semaphore, #tpu.memory_space<semaphore_mem>>)
        %dma_wait3A_65 = arith.constant 0 : i32
        %dma_wait3A_66 = tpu.memref_slice %arg14[%dma_wait3A_65] : memref<288xf32, #tpu.memory_space<vmem>> -> memref<257xf32, #tpu.memory_space<vmem>>
        %dma_wait3A_67 = arith.constant 0 : i32
        %dma_wait3A_68 = tpu.memref_slice %arg14[%dma_wait3A_67] : memref<288xf32, #tpu.memory_space<vmem>> -> memref<257xf32, #tpu.memory_space<vmem>>
        tpu.wait_dma2 semaphore(%run_scoped3A_61 : memref<!tpu.dma_semaphore, #tpu.memory_space<semaphore_mem>>) src(%dma_wait3A_68 : memref<257xf32, #tpu.memory_space<vmem>>) dst(%arg6 : memref<257xf32, #tpu.memory_space<hbm>>)
        tpu.yield
      }) : () -> ()
    } else {
    }
    return
  }
}

</mosaic_0001>

<sc_bundles>
// kernel: kernel.3.cloned.1.call-start
scs
__scs_entry_jumppad:
0x0: {  	(pc) =	sbr.rel $0x88, $3  }
0x1: {  	(tag) =	ssettag $0x0;
	lr =	simm.s32 $0x1  }
0x2: {  	[smem:$0x3F9E] =	sst lr;
	_ =	strace $0xD0000000  }
0x3: {  	_ = 	snop  }
0x4: {  	_ = 	snop  }
0x5: {  	_ = 	snop  }
0x6: {  	_ = 	snop  }
0x7: {  	_ = 	snop  }
__scs_overlays_trampoline_lowered:
0x8: {  	[smem:$0x3FAD] =	sst s0  }
0x9: {  	[smem:$0x3FAE] =	sst s1  }
0xa: {  	[smem:$0x3FAF] =	sst s2  }
0xb: {  	[smem:$0x3FB0] =	sst s3  }
0xc: {  	[smem:$0x3FB1] =	sst s4  }
0xd: {  	[smem:$0x3FB2] =	sst s5  }
0xe: {  	[smem:$0x3FB3] =	sst s6  }
0xf: {  	[smem:$0x3FB4] =	sst s7  }
0x10: {  	[smem:$0x3FB5] =	sst s8  }
0x11: {  	[smem:$0x3FB6] =	sst s9;
	s0 =	simm.s32 @!p0 $0x0  }
0x12: {  	s1 =	sld [smem:$0x3F9C];
	s0 =	simm.s32 @p0 $0x1  }
0x13: {  	[smem:$0x3FB7] =	sst s0;
	s0 =	simm.s32 @!p1 $0x0  }
0x14: {  	s2 =	sld [smem:$0x3F9B];
	s0 =	simm.s32 @p1 $0x1  }
0x15: {  	[smem:$0x3FB8] =	sst s0;
	s0 =	simm.s32 @!p2 $0x0  }
0x16: {  	s3 =	sld [smem:$0x3FDB];
	s0 =	simm.s32 @p2 $0x1  }
0x17: {  	s4 =	simm.s32 $0x1BF5;
	[smem:$0x3FBA] =	sst s0  }
0x18: {  	s0 =	sld [smem:$0x3F9D];
	_ =	swait.ge [sflag:s4], $0x0  }
0x19: {  	s7 =	sld [smem:$0x3F9E]  }
0x1a: {  	s8 =	sadd.s32 $0xFFFFE003, lr  }
0x1b: {  	s9 =	sadd.s32 $0xFFFFFEF7, lr;
	s5 =	simm.s32 $0xFFFFFFFF;
	p2 =	slt.u32 s8, $0xFFFFF086  }
0x1c: {  	p1 =	slt.u32 s9, $0xF7A;
	s5 =	simm.s32 @!p2 $0x0  }
0x1d: {  	s5 =	simm.s32 @p1 $0x1;
	p0 =	seq.s32 s7, s2  }
0x1e: {  	s7 =	smul.u32 @!p0 $0xF7A, s2;
	p2 =	seq.s32 @!p0 s5, $0x0  }
0x1f: {  	s9 =	smul.u32 $0xF7A, s1;
	s8 =	simm.s32 @!p0 $0x1BF5;
	p2 =	por !p2, p0  }
0x20: {  	[sflag:s8] =	ssyncset.s32 @!p0 $0xFFFFF086;
	s6 =	sadd.s32 @!p0 s3, s7;
	s7 =	simm.s32 @!p0 $0x108  }
0x21: {  	s3 =	sadd.s32 s3, s9;
	s6 =	sadd.s32 @!p0 $0x88, s6;
	s7 =	simm.s32 @p2 $0x1082  }
0x22: {  	[simem:s7], [sflag:s8] =	dma.local @!p0 [hbm:s6], $0xF7A  }
0x23: {  	s9 =	sor.u32 $0xD0000000, s2;
	s6 =	simm.s32 $0x108;
	_ =	swait.ge @!p0 [sflag:s8], $0x0  }
0x24: {  	s3 =	sadd.s32 $0x88, s3;
	s6 =	simm.s32 @!p1 $0x1082;
	[sflag:s4] =	ssyncset.s32 $0xFFFFF086  }
0x25: {  	[simem:s6], [sflag:s4] =	dma.local [hbm:s3], $0xF7A  }
0x26: {  	[smem:$0x3F9E] =	sst s1;
	(tag) =	ssettag s2;
	_ =	strace s9  }
0x27: {  	s1 =	sld [smem:$0x3FAE]  }
0x28: {  	s2 =	sld [smem:$0x3FAF]  }
0x29: {  	s4 =	sld [smem:$0x3FB1]  }
0x2a: {  	p0 =	seq.s32 s5, $0x0;
	s5 =	sld [smem:$0x3FB2]  }
0x2b: {  	s6 =	sld [smem:$0x3FB3]  }
0x2c: {  	s7 =	sld [smem:$0x3FB4]  }
0x2d: {  	s3 =	simm.s32 $0x108;
	s8 =	sld [smem:$0x3FB5]  }
0x2e: {  	s3 =	simm.s32 @!p0 $0x1082;
	s9 =	sld [smem:$0x3FB6]  }
0x2f: {  	lr =	sadd.s32 s0, s3;
	s0 =	sld [smem:$0x3FAD]  }
0x30: {  	s3 =	sld [smem:$0x3FB0]  }
0x31: {  	[smem:$0x3FB9] =	sst s10  }
0x32: {  	s10 =	sld [smem:$0x3FB7];
	_ =	sdelay $0x3  }
0x33: {  	p0 =	seq.s32 s10, $0x1;
	s10 =	sld [smem:$0x3FB9];
	_ =	sdelay $0x3  }
0x34: {  	[smem:$0x3FB9] =	sst s10  }
0x35: {  	s10 =	sld [smem:$0x3FB8];
	_ =	sdelay $0x3  }
0x36: {  	p1 =	seq.s32 s10, $0x1;
	s10 =	sld [smem:$0x3FB9];
	_ =	sdelay $0x3  }
0x37: {  	[smem:$0x3FB9] =	sst s10  }
0x38: {  	s10 =	sld [smem:$0x3FBA]  }
0x39: {  	_ = 	snop;
	(pc) =	sbr.ind lr, $3  }
0x3a: {  	_ = 	snop  }
0x3b: {  	_ = 	snop  }
0x3c: {  	p2 =	seq.s32 s10, $0x1;
	s10 =	sld [smem:$0x3FB9]  }
0x3d: {  	_ =	shalt  }
0x3e: {  	_ =	shalt  }
0x3f: {  	_ =	shalt  }
0x40: {  	_ =	shalt  }
0x41: {  	_ =	shalt  }
0x42: {  	_ =	shalt  }
0x43: {  	_ =	shalt  }
0x44: {  	_ =	shalt  }
0x45: {  	_ =	shalt  }
0x46: {  	_ =	shalt  }
0x47: {  	_ =	shalt  }
0x48: {  	_ =	shalt  }
0x49: {  	_ =	shalt  }
0x4a: {  	_ =	shalt  }
0x4b: {  	_ =	shalt  }
0x4c: {  	_ =	shalt  }
0x4d: {  	_ =	shalt  }
0x4e: {  	_ =	shalt  }
0x4f: {  	_ =	shalt  }
0x50: {  	_ =	shalt  }
0x51: {  	_ =	shalt  }
0x52: {  	_ =	shalt  }
0x53: {  	_ =	shalt  }
0x54: {  	_ =	shalt  }
0x55: {  	_ =	shalt  }
0x56: {  	_ =	shalt  }
0x57: {  	_ =	shalt  }
0x58: {  	_ =	shalt  }
0x59: {  	_ =	shalt  }
0x5a: {  	_ =	shalt  }
0x5b: {  	_ =	shalt  }
0x5c: {  	_ =	shalt  }
0x5d: {  	_ =	shalt  }
0x5e: {  	_ =	shalt  }
0x5f: {  	_ =	shalt  }
0x60: {  	_ =	shalt  }
0x61: {  	_ =	shalt  }
0x62: {  	_ =	shalt  }
0x63: {  	_ =	shalt  }
0x64: {  	_ =	shalt  }
0x65: {  	_ =	shalt  }
0x66: {  	_ =	shalt  }
0x67: {  	_ =	shalt  }
0x68: {  	_ =	shalt  }
0x69: {  	_ =	shalt  }
0x6a: {  	_ =	shalt  }
0x6b: {  	_ =	shalt  }
0x6c: {  	_ =	shalt  }
0x6d: {  	_ =	shalt  }
0x6e: {  	_ =	shalt  }
0x6f: {  	_ =	shalt  }
0x70: {  	_ =	shalt  }
0x71: {  	_ =	shalt  }
0x72: {  	_ =	shalt  }
0x73: {  	_ =	shalt  }
0x74: {  	_ =	shalt  }
0x75: {  	_ =	shalt  }
0x76: {  	_ =	shalt  }
0x77: {  	_ =	shalt  }
0x78: {  	_ =	shalt  }
0x79: {  	_ =	shalt  }
0x7a: {  	_ =	shalt  }
0x7b: {  	_ =	shalt  }
0x7c: {  	_ =	shalt  }
0x7d: {  	_ =	shalt  }
0x7e: {  	_ =	shalt  }
0x7f: {  	_ =	shalt  }
0x80: {  	_ =	shalt  }
0x81: {  	_ =	shalt  }
0x82: {  	_ =	shalt  }
0x83: {  	_ =	shalt  }
0x84: {  	_ =	shalt  }
0x85: {  	_ =	shalt  }
0x86: {  	_ =	shalt  }
0x87: {  	_ =	shalt  }
.Lfunc_end0:
.L_simem_size_0:
called_computation_lowered:
.L_overlay_start_0:
0x88: {  	s2 =	sld [smem:$0x3FD9]  }
0x89: {  	s3 =	sld [smem:$0x3FFE];
	_ =	sdelay $0x1  }
0x8a: {  	s1 =	srdreg.scid  }
0x8b: {  	s0 =	sand.u32 $0x1, s1  }
0x8c: {  	s14 =	sshll.u32 s0, $0xA;
	s2 =	sadd.s32 s3, s2  }
0x8d: {  	s2 =	sadd.s32 s2, s14  }
0x8e: {  	[smem:$0x3FC5] =	sst s2  }
0x8f: {  	_ = 	snop  }
0x90: {  	s2 =	sld [smem:$0x3FD0];
	_ =	sdelay $0x2  }
0x91: {  	s4 =	simm.s32 $0xA;
	s5 =	simm.s32 $0x10;
	s15 =	sld [smem:$0x3FC9]  }
0x92: {  	[smem:s5], [sflag:s4] =	dma.local [hbm:s2], $0x1  }
0x93: {  	_ =	swait.eq [sflag:s4], $0x1  }
0x94: {  	[sflag:s4] =	ssyncset.done $0x0  }
0x95: {  	s16 =	sld [smem:$0x10];
	[sflag:s4] =	ssyncadd.s32 $0xFFFFFFFF  }
0x96: {  	s17 =	sld [smem:$0x11];
	(tm) =	ssettm $0x1  }
0x97: {  	s18 =	sld [smem:$0x3FFB];
	_ =	sdelay $0x3  }
0x98: {  	_ =	strace s18  }
0x99: {  	s5 =	sld [smem:$0x3FFC];
	_ =	sdelay $0x3  }
0x9a: {  	_ =	strace s5  }
0x9b: {  	s5 =	sld [smem:$0x3FFD];
	_ =	sdelay $0x3  }
0x9c: {  	_ =	strace s5  }
0x9d: {  	_ =	strace $0x8FFFFFFF  }
0x9e: {  	s19 =	sld [smem:$0x3FDB];
	_ =	sdelay $0x1  }
0x9f: {  	s6 =	simm.s32 $_scs_section_size  }
0xa0: {  	s7 =	simm.s32 $_size__tile_overlayer_lowered;
	s8 =	simm.s32 $_tile_overlayer_lowered  }
0xa1: {  	s22 =	simm.s32 $0x1BFF;
	s21 =	sshll.u32 s8, $0x1;
	s5 =	sadd.s32 s6, s19  }
0xa2: {  	s9 =	simm.s32 $0x0;
	s20 =	sshll.u32 s7, $0x1;
	s7 =	sadd.s32 s21, s5  }
0xa3: {  	[timem:s9], [sflag:s22] =	dma.local [hbm:s7], s20  }
0xa4: {  	_ =	swait.ge [sflag:s22], s20  }
0xa5: {  	s6 =	ssub.s32 $0x0, s20;
	[sflag:s22] =	ssyncset.done $0x0  }
0xa6: {  	[sflag:s22] =	ssyncadd.s32 s6;
	_ =	sdelay $0x1  }
0xa7: {  	s23 =	simm.s32 $0x1B8B  }
0xa8: {  	_ =	swait.ge [sflag:s23], $0x1  }
0xa9: {  	[sflag:s23] =	ssyncset.done $0x0  }
0xaa: {  	s25 =	simm.s32 $0x1B8E;
	s24 =	sld [smem:$0x3FFE];
	[sflag:s23] =	ssyncadd.s32 $0xFFFFFFFF  }
0xab: {  	s26 =	simm.s32 $execute0_lowered;
	[smem:$0x3FD2] =	sst s25  }
0xac: {  	s7 =	sshll.u32 s26, $0x1;
	_ =	strace $0x80000046;
	[dreg:$0x1] =	wrdreg $0xFFFFFFFF  }
0xad: {  	s28 =	simm.s32 $_size_execute0_lowered;
	s5 =	sadd.s32 s5, s7;
	[dreg:$0x0] =	wrdreg $0x0  }
0xae: {  	s7 =	sshll.u32 s28, $0x1;
	[dreg:$0x2] =	wrdreg s5  }
0xaf: {  	[dreg:$0x3] =	wrdreg s7  }
0xb0: {  	[dreg:$0x4] =	wrdreg $0xC0  }
0xb1: {  	_ =	task [dreg:s9], $0x5FFFF  }
0xb2: {  	[dreg:$0x1] =	wrdreg $0xFFFFFFFF  }
0xb3: {  	[dreg:$0x0] =	wrdreg $0x60  }
0xb4: {  	[dreg:$0x2] =	wrdreg s15  }
0xb5: {  	[dreg:$0x3] =	wrdreg s17  }
0xb6: {  	[dreg:$0x4] =	wrdreg s24  }
0xb7: {  	[dreg:$0x5] =	wrdreg s16  }
0xb8: {  	[dreg:$0x6] =	wrdreg $0x9  }
0xb9: {  	_ =	task.clear_ibuf [dreg:s9], $0x7FFFF;
	_ =	strace $0x90000046  }
0xba: {  	s29 =	simm.s32 $0x9;
	_ =	strace $0x80000048  }
0xbb: {  	_ =	swait.ge [sflag:s29], $0x1  }
0xbc: {  	[sflag:s29] =	ssyncadd.s32 $0xFFFFFFFF  }
0xbd: {  	_ =	strace $0x90000048  }
0xbe: {  	_ =	sfence  }
0xbf: {  	s30 =	sld [smem:$0x0];
	_ =	sdelay $0x2  }
0xc0: {  	s31 =	sshll.u32 s1, $0xD;
	s1 =	sshrl.u32 s1, $0x2  }
0xc1: {  	s3 =	sand.u32 $0x4000, s31;
	s1 =	sadd.s32 s1, s30  }
0xc2: {  	s0 =	sor.u32 s3, s0;
	s1 =	sshll.u32 s1, $0x11  }
0xc3: {  	s0 =	sor.u32 s1, s0  }
0xc4: {  	s0 =	sadd.s32 $0x8F2B, s0  }
0xc5: {  	[sflag:s0] =	ssyncadd.remote.s32 $0x1  }
0xc6: {  	_ =	sfence.sel $0xFFFF  }
0xc7: {  	[dreg:$0x0] =	wrdreg $0xFFFFFFFF;
	(pc) =	sbr.abs _section_cstart, $3  }
0xc8: {  	[dreg:$0x1] =	wrdreg $0xFFFFFFFF  }
0xc9: {  	_ =	task.clear_ibuf [dreg:s9], $0x2FFFF;
	_ =	strace $0x9FFFFFFF  }
0xca: {  	(tm) =	ssettm $0x7FFFFFFF  }
0xcb: {  	_ =	shalt  }
tec
execute0_lowered:
.L_overlay_start_1:
0x0: {  	(tag) =	ssettag $0x1  }
0x1: {  	s0 =	rddreg [dreg:$0x0]  }
0x2: {  	s1 =	rddreg [dreg:$0x1]  }
0x3: {  	s2 =	rddreg [dreg:$0x2]  }
0x4: {  	s3 =	rddreg [dreg:$0x3];
	s4 =	simm.s32 $0x0  }
0x5: {  	s5 =	srdreg.scid;
	s6 =	stileid.u32;
	s11 =	simm.s32 $0x3  }
0x6: {  	s12 =	simm.s32 $0x80;
	s13 =	simm.s32 $0x1000;
	s14 =	simm.s32 $0x20000  }
0x7: {  	s15 =	simm.s32 $0xA00;
	s16 =	simm.s32 $0x400;
	s17 =	simm.s32 $0x580  }
0x8: {  	s18 =	simm.s32 $0x8A00;
	s19 =	simm.s32 $0x10A00;
	s20 =	simm.s32 $0x1  }
0x9: {  	s21 =	simm.s32 $0x2;
	s23 =	simm.s32 $0x0;
	[smem:$0x7FF] =	sst s4  }
0xa: {  	s5 =	sand.u32 $0x1, s5;
	s6 =	sshll.u32 s6, $0x1;
	_ =	strace $0x80000047  }
.Ltmp0:
0xb: {  	s7 =	ssub.s32 $0x2, s5;
	s22 =	sor.u32 s5, s6;
	(pc) =	sbr.rel .LBB2_1-.Ltmp0, $4  }
0xc: {  	v0 =	vlaneseq.u32;
	s5 =	sadd.s32 $0x800, s2;
	s2 =	sadd.s32 $0xA00, s2;
	s8 =	sshrl.u32 s7, $0x1  }
0xd: {  	v2 =	vmul.u32 $0xFFFFFFFF, v0;
	s9 =	sshll.u32 s22, $0x9;
	[dreg:$0x5] =	wrdreg s2;
	p0 =	sne.s32 s22, $0x0  }
0xe: {  	s31 =	ssub.s32 s7, s8;
	s10 =	sadd.s32 s9, s3;
	s7 =	sshll.u32 s22, $0xC  }
0xf: {  	v1 =	vimm.s32 $0x0;
	v3 =	vimm.s32 $0x100;
	v2 =	vadd.s32 $0x101, v2;
	s8 =	sadd.s32 s0, s9;
	s9 =	sadd.s32 $0x400000, s10;
	s10 =	smax.u32 s31, $0x1  }
.LBB2_19:
0x10: {  	s23 =	sadd.s32 $0x1, s23  }
0x11: {  	p1 =	sne.s32 s23, s10  }
.Ltmp1:
0x12: {  	_ = 	snop;
	(pc) =	sbr.rel @!p1 .LBB2_20-.Ltmp1, $1  }
0x13: {  	_ =	sdelay $0x3  }
.LBB2_1:
0x14: {  	[tilespmem:s4], [sflag:$0x3] =	stream.linear.gather [hbm4b:s1+s4], $0x80, $0x38;
	[tilespmem:$0x18A00] =	vst v63  }
0x15: {  	_ =	swait.ge [sflag:s11], $0x80  }
0x16: {  	[sflag:s11] =	ssyncset.done $0x0  }
0x17: {  	[sflag:s11] =	ssyncadd.s32 $0xFFFFFF80  }
0x18: {  	[tilespmem:s12], [sflag:$0x3] =	stream.linear.gather [hbm4b:s5+s4], $0x80, $0x38;
	[tilespmem:$0x18A00] =	vst v63  }
0x19: {  	_ =	swait.ge [sflag:s11], $0x80  }
0x1a: {  	[sflag:s11] =	ssyncset.done $0x0  }
0x1b: {  	[sflag:s11] =	ssyncadd.s32 $0xFFFFFF80  }
0x1c: {  	v4 =	vld [tilespmem:$0x0];
	_ =	sdelay $0x4  }
0x1d: {  	v5 =	vbroadcast v4, $0x2  }
0x1e: {  	v7 =	vor.u32 s4, v0;
	v6 =	vbroadcast v4, $0x4;
	v8 =	vbroadcast v4, $0x0  }
0x1f: {  	v9 =	vbroadcast v4, $0x1;
	(v2sf) =	vpush v4, $0x0;
	v10 =	vbroadcast v4, $0x5  }
0x20: {  	(v2sf) =	vpush v4, $0x7;
	vm1 =	vle.s32 v5, v7;
	v5 =	vbroadcast v4, $0x3  }
0x21: {  	vm0 =	vgt.s32 v8, v7;
	vm2 =	vle.s32 v9, v7;
	vm3 =	vle.s32 v6, v7  }
0x22: {  	v9 =	vbroadcast v4, $0x7;
	v6 =	vsel vm0, $0xFFFFFFFF, v1;
	v8 =	vsel vm2, $0x1, v1  }
0x23: {  	vm2 =	vle.s32 v5, v7;
	v5 =	vadd.s32 v8, v6;
	v6 =	vsel vm1, $0x1, v1  }
0x24: {  	v8 =	vbroadcast v4, $0x6;
	v5 =	vadd.s32 v6, v5;
	v6 =	vsel vm2, $0x1, v1  }
0x25: {  	vm1 =	vle.s32 v10, v7;
	v5 =	vadd.s32 v6, v5;
	v6 =	vsel vm3, $0x1, v1  }
0x26: {  	v5 =	vadd.s32 v6, v5;
	v6 =	vsel vm1, $0x1, v1;
	vm1 =	vle.s32 v8, v7  }
0x27: {  	v5 =	vadd.s32 v6, v5;
	v6 =	vsel vm1, $0x1, v1;
	vm1 =	vle.s32 v9, v7  }
0x28: {  	v4 =	vadd.s32 v6, v5;
	v5 =	vsel vm1, $0x1, v1  }
0x29: {  	v4 =	vadd.s32 v5, v4  }
0x2a: {  	vm1 =	vgt.s32 v4, $0x0  }
0x2b: {  	v8 =	vnsel vm1, $0x0, v4  }
0x2c: {  	v5 =	vmin.u32 v8, $0x6  }
0x2d: {  	v10 =	vadd.s32 $0x1, v5;
	_ =	sdelay $0x3  }
0x2e: {  	v5 =	vld.idx.msk [tilespmem:v8+s4+$0x0], $0xffff  }
0x2f: {  	v6 =	vld.idx.msk [tilespmem:v10+s4+$0x0], $0xffff;
	_ =	sdelay $0x1  }
0x30: {  	s0 =	spop (v2sf)  }
0x31: {  	p1 =	sgt.s32 s0, $0x1  }
0x32: {  	s2 =	spop (v2sf);
	s0 =	simm.s32 @!p1 $0x1  }
0x33: {  	s2 =	ssub.s32 $0x101, s2;
	s0 =	scvt.s32.f32 s0;
	v11 =	vsub.s32 v6, v5  }
0x34: {  	s2 =	scvt.s32.f32 s2;
	vm1 =	vgt.s32 v11, $0x1  }
0x35: {  	v12 =	vmov s0;
	v11 =	vnsel vm1, $0x1, v11  }
0x36: {  	v62 =	vmov s2;
	(erf) = vrcp.f32 v12;
	v11 =	vcvt.s32.f32 v11  }
0x37: {  	(erf) = vrcp.f32 v62  }
0x38: {  	(erf) = vrcp.f32 v11;
	_ =	sdelay $0x4  }
0x39: {  	vm1 =	veq.s32 v7, v5;
	v5 =	vsub.s32 v7, v5  }
0x3a: {  	v13 =	vcvt.s32.f32 v7;
	v11 =	vmov s4  }
0x3b: {  	vm2 =	vgt.s32 v4, $0xFFFFFFFF;
	v6 =	vsub.s32 v6, v7;
	v63 =	vpop (erf);
	v11 =	vsub.s32 v2, v11  }
0x3c: {  	vm1 =	vmand vm1, vm2;
	v4 =	vcvt.s32.f32 v11;
	v11 =	vcvt.s32.f32 v5;
	v5 =	vpop (erf)  }
0x3d: {  	s25 =	simm.s32 $0x100;
	s24 =	simm.s32 $0x280;
	s26 =	simm.s32 $0x10;
	vm3 =	vgt.s32 v7, v9;
	v6 =	vcvt.s32.f32 v6;
	vm2 =	vmor vm0, vm1;
	v7 =	vpop (erf)  }
0x3e: {  	s28 =	simm.s32 $0x590;
	s29 =	simm.s32 $0x710;
	s31 =	simm.s32 $0x400;
	vm2 =	vmor vm3, vm2;
	v5 =	vmul.f32 v4, v5;
	v4 =	vmul.f32 v11, v7  }
0x3f: {  	s30 =	simm.s32 $0x580;
	[tilespmem:s25+$0x0] =	vst v8;
	s0 =	simm.s32 $0x700;
	s2 =	simm.s32 $0x400;
	v8 =	vsel vm2, v8, v10;
	v7 =	vmul.f32 v6, v7;
	v6 =	vmul.f32 v13, v63  }
.LBB2_2:
0x40: {  	s25 =	sadd.s32 $0x10, s25  }
0x41: {  	[tilespmem:s24+$0x0] =	vst v8;
	v8 =	vsel vm2, $0x3F800000, v7;
	v5 =	vsel vm3, v5, v7;
	s24 =	sadd.s32 $0x10, s24;
	s2 =	sadd.s32 $0x10, s2;
	s22 =	smov.u32 s26  }
0x42: {  	p1 =	sne.s32 s26, $0x110;
	s26 =	sadd.s32 $0x10, s26;
	v4 =	vsel vm2, $0x0, v4;
	[tilespmem:s31+$0x0] =	vst v8;
	v5 =	vsel vm0, v6, v5;
	s31 =	smov.u32 s2  }
0x43: {  	[tilespmem:s30+$0x0] =	vst v4;
	v4 =	vsel vm1, $0x3F800000, v5;
	s30 =	smov.u32 s28  }
0x44: {  	[tilespmem:s0+$0x0] =	vst v4;
	s0 =	smov.u32 s29  }
0x45: {  	v4 =	vld [tilespmem:$0x0];
	_ =	sdelay $0x4  }
0x46: {  	v5 =	vbroadcast v4, $0x2;
	v6 =	vbroadcast v4, $0x4;
	(v2sf) =	vpush v4, $0x0  }
0x47: {  	v7 =	vor.u32 s22, v0;
	v8 =	vbroadcast v4, $0x0;
	v9 =	vbroadcast v4, $0x1  }
0x48: {  	v10 =	vbroadcast v4, $0x5;
	vm1 =	vle.s32 v5, v7;
	v5 =	vbroadcast v4, $0x3  }
0x49: {  	vm0 =	vgt.s32 v8, v7;
	vm2 =	vle.s32 v9, v7;
	vm3 =	vle.s32 v6, v7  }
0x4a: {  	v6 =	vsel vm0, $0xFFFFFFFF, v1;
	v8 =	vsel vm2, $0x1, v1;
	vm2 =	vle.s32 v5, v7  }
0x4b: {  	v5 =	vadd.s32 v8, v6;
	v6 =	vsel vm1, $0x1, v1;
	vm1 =	vle.s32 v10, v7  }
0x4c: {  	v8 =	vbroadcast v4, $0x6;
	v5 =	vadd.s32 v6, v5;
	v6 =	vsel vm2, $0x1, v1  }
0x4d: {  	v9 =	vbroadcast v4, $0x7;
	v5 =	vadd.s32 v6, v5;
	v6 =	vsel vm3, $0x1, v1  }
0x4e: {  	v5 =	vadd.s32 v6, v5;
	v6 =	vsel vm1, $0x1, v1;
	vm1 =	vle.s32 v8, v7  }
0x4f: {  	v5 =	vadd.s32 v6, v5;
	v6 =	vsel vm1, $0x1, v1;
	vm1 =	vle.s32 v9, v7  }
0x50: {  	v5 =	vadd.s32 v6, v5;
	v6 =	vsel vm1, $0x1, v1;
	(v2sf) =	vpush v4, $0x7  }
0x51: {  	v4 =	vadd.s32 v6, v5  }
0x52: {  	vm1 =	vgt.s32 v4, $0x0  }
0x53: {  	v8 =	vnsel vm1, $0x0, v4  }
0x54: {  	v5 =	vmin.u32 v8, $0x6  }
0x55: {  	v10 =	vadd.s32 $0x1, v5;
	s6 =	spop (v2sf)  }
0x56: {  	p2 =	sgt.s32 s6, $0x1  }
0x57: {  	s6 =	simm.s32 @!p2 $0x1  }
0x58: {  	s6 =	scvt.s32.f32 s6  }
0x59: {  	v5 =	vld.idx.msk [tilespmem:v8+s4+$0x0], $0xffff  }
0x5a: {  	v6 =	vld.idx.msk [tilespmem:v10+s4+$0x0], $0xffff;
	v11 =	vmov s6  }
0x5b: {  	(erf) = vrcp.f32 v11;
	_ =	sdelay $0x3  }
0x5c: {  	vm1 =	veq.s32 v7, v5;
	v11 =	vsub.s32 v7, v5;
	s6 =	spop (v2sf)  }
0x5d: {  	v5 =	vsub.s32 v6, v5;
	v6 =	vsub.s32 v6, v7;
	s6 =	ssub.s32 $0x101, s6  }
0x5e: {  	vm2 =	vgt.s32 v5, $0x1;
	s6 =	scvt.s32.f32 s6  }
0x5f: {  	v5 =	vnsel vm2, $0x1, v5  }
0x60: {  	v5 =	vcvt.s32.f32 v5;
	v12 =	vmov s6  }
0x61: {  	v13 =	vpop (erf);
	(erf) = vrcp.f32 v12  }
0x62: {  	(erf) = vrcp.f32 v5;
	_ =	sdelay $0x4  }
0x63: {  	v5 =	vmov s22  }
0x64: {  	v14 =	vsub.s32 v2, v5  }
.Ltmp2:
0x65: {  	vm2 =	vgt.s32 v4, $0xFFFFFFFF;
	v12 =	vcvt.s32.f32 v7;
	v4 =	vcvt.s32.f32 v14;
	(pc) =	sbr.rel @p1 .LBB2_2-.Ltmp2, $4  }
0x66: {  	v11 =	vcvt.s32.f32 v11;
	v6 =	vcvt.s32.f32 v6;
	vm1 =	vmand vm1, vm2;
	v5 =	vpop (erf)  }
0x67: {  	vm3 =	vgt.s32 v7, v9;
	vm2 =	vmor vm0, vm1;
	v5 =	vmul.f32 v4, v5;
	v7 =	vpop (erf)  }
0x68: {  	vm2 =	vmor vm3, vm2;
	v4 =	vmul.f32 v11, v7;
	v7 =	vmul.f32 v6, v7  }
0x69: {  	s28 =	sadd.s32 $0x10, s28;
	s29 =	sadd.s32 $0x10, s29;
	v6 =	vmul.f32 v12, v13;
	[tilespmem:s25+$0x0] =	vst v8;
	v8 =	vsel vm2, v8, v10  }
0x6a: {  	[tilespmem:s24+$0x0] =	vst v8;
	v63 =	vsel vm2, $0x3F800000, v7;
	v5 =	vsel vm3, v5, v7  }
0x6b: {  	v4 =	vsel vm2, $0x0, v4;
	[tilespmem:s31+$0x0] =	vst v63;
	v5 =	vsel vm0, v6, v5  }
0x6c: {  	[tilespmem:s30+$0x0] =	vst v4;
	v4 =	vsel vm1, $0x3F800000, v5  }
0x6d: {  	[tilespmem:s0+$0x0] =	vst v4  }
0x6e: {  	[tilespmem:s15], [sflag:$0x3] =	stream.strided.gather [hbm4b:s8+s13], $0x8000, s14, s13, $0x38;
	[tilespmem:$0x18A00] =	vst v63  }
0x6f: {  	_ =	swait.ge [sflag:s11], $0x8000  }
0x70: {  	[sflag:s11] =	ssyncset.done $0x0  }
0x71: {  	s24 =	simm.s32 $0x0;
	[sflag:s11] =	ssyncadd.s32 $0xFFFF8000  }
.LBB2_4:
0x72: {  	p1 =	seq.s32 s24, $0x0  }
0x73: {  	s0 =	simm.s32 @!p1 $0x1  }
0x74: {  	_ =	swait.ge @!p1 [sflag:s0], $0x8000  }
0x75: {  	s25 =	sshll.u32 s24, $0x4;
	[sflag:s0] =	ssyncset.done @!p1 $0x0  }
0x76: {  	s26 =	simm.s32 $0x8C00;
	s28 =	simm.s32 $0x0;
	[sflag:s0] =	ssyncadd.s32 @!p1 $0xFFFF8000  }
.LBB2_5:
0x77: {  	s0 =	sor.u32 s25, s28  }
0x78: {  	v4 =	vld [tilespmem:s0+$0x100]  }
0x79: {  	v5 =	vld [tilespmem:s0+$0x280];
	_ =	sdelay $0x3  }
0x7a: {  	(v2sf) =	vpush v4, $0x0  }
0x7b: {  	(v2sf) =	vpush v5, $0x0;
	_ =	sdelay $0xa  }
0x7c: {  	v5 =	vmov s0;
	_ =	sdelay $0x2  }
0x7d: {  	s22 =	spop (v2sf)  }
0x7e: {  	s2 =	spop (v2sf);
	s0 =	sshll.u32 s22, $0xE  }
0x7f: {  	v4 =	vld.idx.msk [tilespmem:v5+s16+$0x0], $0xffff;
	s2 =	sshll.u32 s2, $0xE;
	s0 =	sshra.s32 s0, $0x2  }
0x80: {  	v5 =	vld.idx.msk [tilespmem:v5+s17+$0x0], $0xffff;
	s0 =	sor.u32 $0xC00, s0;
	s2 =	sshra.s32 s2, $0x2  }
0x81: {  	s29 =	sor.u32 $0xC00, s2;
	v6 =	vld [tilespmem:s0+$0x180]  }
0x82: {  	v7 =	vld [tilespmem:s29+$0x180]  }
0x83: {  	v9 =	vld [tilespmem:s0+$0xFFFFFE80]  }
0x84: {  	v11 =	vld [tilespmem:s0+$0xFFFFFF00]  }
0x85: {  	v13 =	vld [tilespmem:s0+$0xFFFFFF80]  }
0x86: {  	v17 =	vld [tilespmem:s0+$0x80]  }
0x87: {  	v10 =	vld [tilespmem:s29+$0xFFFFFE80];
	v6 =	vmul.f32 v6, v4;
	v7 =	vmul.f32 v7, v5  }
0x88: {  	v12 =	vld [tilespmem:s29+$0xFFFFFF00]  }
0x89: {  	v14 =	vld [tilespmem:s29+$0xFFFFFF80];
	v6 =	vadd.f32 v7, v6  }
0x8a: {  	v15 =	vld [tilespmem:s29+$0x0]  }
0x8b: {  	v7 =	vld [tilespmem:s0+$0x0];
	[tilespmem:s26+$0x180] =	vst v6  }
0x8c: {  	v6 =	vld [tilespmem:s0+$0x190]  }
0x8d: {  	v16 =	vld [tilespmem:s29+$0x190]  }
0x8e: {  	v8 =	vld [tilespmem:s29+$0xFFFFFE00];
	v9 =	vmul.f32 v9, v4;
	v10 =	vmul.f32 v10, v5  }
0x8f: {  	v18 =	vld [tilespmem:s29+$0x80];
	v13 =	vmul.f32 v13, v4;
	v14 =	vmul.f32 v14, v5  }
0x90: {  	v19 =	vld [tilespmem:s29+$0x100];
	v11 =	vmul.f32 v11, v4;
	v9 =	vadd.f32 v10, v9;
	v10 =	vmul.f32 v12, v5  }
0x91: {  	v12 =	vld [tilespmem:s0+$0x100];
	v13 =	vadd.f32 v14, v13;
	v14 =	vmul.f32 v15, v5;
	v7 =	vmul.f32 v7, v4  }
0x92: {  	[tilespmem:s26+$0xFFFFFE80] =	vst v9;
	v9 =	vadd.f32 v10, v11;
	v10 =	vld [tilespmem:s0+$0xFFFFFE00];
	v6 =	vmul.f32 v6, v4;
	v11 =	vmul.f32 v16, v5  }
0x93: {  	[tilespmem:s26+$0xFFFFFF80] =	vst v13;
	v26 =	vld [tilespmem:s0+$0xFFFFFE90];
	v7 =	vadd.f32 v14, v7  }
0x94: {  	v27 =	vld [tilespmem:s29+$0xFFFFFF90];
	[tilespmem:s26+$0xFFFFFF00] =	vst v9;
	v6 =	vadd.f32 v11, v6  }
0x95: {  	v9 =	vld [tilespmem:s29+$0xFFFFFE90];
	[tilespmem:s26+$0x0] =	vst v7  }
0x96: {  	v15 =	vld [tilespmem:s29+$0xFFFFFF10];
	v14 =	vmul.f32 v17, v4;
	v7 =	vmul.f32 v18, v5;
	[tilespmem:s26+$0x190] =	vst v6  }
0x97: {  	v6 =	vmul.f32 v8, v5;
	v8 =	vmul.f32 v10, v4;
	v10 =	vld [tilespmem:s0+$0x1A0]  }
0x98: {  	v12 =	vmul.f32 v12, v4;
	v7 =	vadd.f32 v7, v14;
	v14 =	vmul.f32 v19, v5;
	v13 =	vld [tilespmem:s29+$0x1A0]  }
0x99: {  	v11 =	vld [tilespmem:s0+$0xFFFFFF10]  }
0x9a: {  	[tilespmem:s26+$0x80] =	vst v7;
	v7 =	vadd.f32 v14, v12;
	v12 =	vld [tilespmem:s29+$0x10];
	v6 =	vadd.f32 v6, v8  }
0x9b: {  	v8 =	vld [tilespmem:s0+$0xFFFFFF90]  }
0x9c: {  	v14 =	vld [tilespmem:s0+$0x90];
	[tilespmem:s26+$0xFFFFFE00] =	vst v6  }
0x9d: {  	v28 =	vld [tilespmem:s0+$0xFFFFFE10];
	v10 =	vmul.f32 v10, v4;
	v13 =	vmul.f32 v13, v5  }
0x9e: {  	v15 =	vmul.f32 v15, v5;
	v11 =	vmul.f32 v11, v4;
	v29 =	vld [tilespmem:s29+$0xFFFFFE10]  }
0x9f: {  	[tilespmem:s26+$0x100] =	vst v7;
	v7 =	vld [tilespmem:s29+$0x90];
	v10 =	vadd.f32 v13, v10  }
0xa0: {  	v6 =	vld [tilespmem:s0+$0x10];
	v11 =	vadd.f32 v15, v11;
	v15 =	vmul.f32 v27, v5;
	v8 =	vmul.f32 v8, v4  }
0xa1: {  	v9 =	vmul.f32 v9, v5;
	v30 =	vld [tilespmem:s0+$0x110];
	v13 =	vmul.f32 v26, v4;
	[tilespmem:s26+$0x1A0] =	vst v10  }
0xa2: {  	v8 =	vadd.f32 v15, v8;
	v31 =	vld [tilespmem:s0+$0x1B0]  }
0xa3: {  	[tilespmem:s26+$0xFFFFFF10] =	vst v11;
	v9 =	vadd.f32 v9, v13;
	v10 =	vmul.f32 v28, v4;
	v13 =	vmul.f32 v29, v5;
	v32 =	vld [tilespmem:s29+$0x1B0]  }
0xa4: {  	v35 =	vld [tilespmem:s0+$0xFFFFFF20];
	[tilespmem:s26+$0xFFFFFF90] =	vst v8  }
0xa5: {  	v8 =	vmul.f32 v12, v5;
	v12 =	vld [tilespmem:s29+$0xFFFFFF20];
	[tilespmem:s26+$0xFFFFFE90] =	vst v9;
	v9 =	vadd.f32 v13, v10  }
0xa6: {  	v10 =	vld [tilespmem:s29+$0x110]  }
0xa7: {  	v6 =	vmul.f32 v6, v4;
	v36 =	vld [tilespmem:s0+$0xFFFFFFA0];
	[tilespmem:s26+$0xFFFFFE10] =	vst v9  }
0xa8: {  	v33 =	vld [tilespmem:s0+$0xFFFFFE20];
	v15 =	vmul.f32 v31, v4;
	v34 =	vmul.f32 v32, v5  }
0xa9: {  	v6 =	vadd.f32 v8, v6;
	v11 =	vld [tilespmem:s29+$0xFFFFFE20]  }
0xaa: {  	v14 =	vmul.f32 v14, v4;
	v7 =	vmul.f32 v7, v5;
	v13 =	vld [tilespmem:s0+$0xFFFFFEA0];
	v15 =	vadd.f32 v34, v15  }
0xab: {  	v9 =	vld [tilespmem:s29+$0xFFFFFEA0];
	[tilespmem:s26+$0x10] =	vst v6  }
0xac: {  	v16 =	vmul.f32 v30, v4;
	v8 =	vld [tilespmem:s29+$0xFFFFFFA0];
	v6 =	vadd.f32 v7, v14;
	v7 =	vmul.f32 v10, v5;
	[tilespmem:s26+$0x1B0] =	vst v15  }
0xad: {  	v15 =	vld [tilespmem:s0+$0x1C0]  }
0xae: {  	[tilespmem:s26+$0x90] =	vst v6;
	v6 =	vadd.f32 v7, v16;
	v7 =	vmul.f32 v33, v4;
	v11 =	vmul.f32 v11, v5;
	v10 =	vld [tilespmem:s29+$0x1C0]  }
0xaf: {  	v14 =	vld [tilespmem:s0+$0x20]  }
0xb0: {  	v37 =	vld [tilespmem:s29+$0x20];
	v13 =	vmul.f32 v13, v4;
	v9 =	vmul.f32 v9, v5;
	[tilespmem:s26+$0x110] =	vst v6;
	v6 =	vadd.f32 v11, v7  }
0xb1: {  	v11 =	vld [tilespmem:s0+$0x120]  }
0xb2: {  	v9 =	vadd.f32 v9, v13;
	[tilespmem:s26+$0xFFFFFE20] =	vst v6;
	v6 =	vld [tilespmem:s29+$0x120]  }
0xb3: {  	v13 =	vld [tilespmem:s0+$0xFFFFFE30];
	v15 =	vmul.f32 v15, v4;
	v10 =	vmul.f32 v10, v5  }
0xb4: {  	[tilespmem:s26+$0xFFFFFEA0] =	vst v9;
	v9 =	vmul.f32 v12, v5;
	v12 =	vld [tilespmem:s29+$0xFFFFFE30]  }
0xb5: {  	v38 =	vld [tilespmem:s0+$0xA0];
	v10 =	vadd.f32 v10, v15  }
0xb6: {  	v7 =	vld [tilespmem:s29+$0xA0];
	v15 =	vmul.f32 v35, v4  }
0xb7: {  	v39 =	vld [tilespmem:s0+$0xFFFFFEB0];
	v11 =	vmul.f32 v11, v4;
	v6 =	vmul.f32 v6, v5;
	[tilespmem:s26+$0x1C0] =	vst v10  }
0xb8: {  	v8 =	vmul.f32 v8, v5;
	v10 =	vmul.f32 v36, v4;
	v9 =	vadd.f32 v9, v15;
	v15 =	vld [tilespmem:s0+$0x1D0]  }
0xb9: {  	v13 =	vmul.f32 v13, v4;
	v12 =	vmul.f32 v12, v5;
	v40 =	vld [tilespmem:s29+$0x1D0];
	v6 =	vadd.f32 v6, v11  }
0xba: {  	[tilespmem:s26+$0xFFFFFF20] =	vst v9;
	v8 =	vadd.f32 v8, v10;
	v9 =	vmul.f32 v14, v4;
	v10 =	vmul.f32 v37, v5;
	v14 =	vld [tilespmem:s29+$0xFFFFFEB0]  }
0xbb: {  	v12 =	vadd.f32 v12, v13;
	v41 =	vld [tilespmem:s0+$0xFFFFFF30];
	[tilespmem:s26+$0x120] =	vst v6  }
0xbc: {  	[tilespmem:s26+$0xFFFFFFA0] =	vst v8;
	v9 =	vadd.f32 v10, v9;
	v10 =	vld [tilespmem:s29+$0xFFFFFF30]  }
0xbd: {  	v7 =	vmul.f32 v7, v5;
	v8 =	vmul.f32 v38, v4;
	[tilespmem:s26+$0xFFFFFE30] =	vst v12;
	v44 =	vld [tilespmem:s29+$0x130]  }
0xbe: {  	v42 =	vld [tilespmem:s0+$0xFFFFFFB0];
	[tilespmem:s26+$0x20] =	vst v9;
	v9 =	vmul.f32 v15, v4;
	v15 =	vmul.f32 v40, v5  }
0xbf: {  	v45 =	vld [tilespmem:s0+$0xFFFFFE40]  }
0xc0: {  	v7 =	vadd.f32 v7, v8;
	v8 =	vld [tilespmem:s29+$0xFFFFFFB0];
	v9 =	vadd.f32 v15, v9  }
0xc1: {  	v43 =	vld [tilespmem:s0+$0x30]  }
0xc2: {  	v19 =	vmul.f32 v39, v4;
	v6 =	vmul.f32 v14, v5;
	v14 =	vld [tilespmem:s0+$0x130];
	[tilespmem:s26+$0x1D0] =	vst v9  }
0xc3: {  	v9 =	vld [tilespmem:s0+$0x1E0]  }
0xc4: {  	v12 =	vmul.f32 v41, v4;
	v6 =	vadd.f32 v6, v19;
	v10 =	vmul.f32 v10, v5;
	v13 =	vld [tilespmem:s29+$0x1E0]  }
0xc5: {  	[tilespmem:s26+$0xA0] =	vst v7;
	v7 =	vld [tilespmem:s29+$0x30]  }
0xc6: {  	v15 =	vld [tilespmem:s0+$0xB0];
	v17 =	vmul.f32 v42, v4;
	[tilespmem:s26+$0xFFFFFEB0] =	vst v6;
	v6 =	vadd.f32 v10, v12;
	v8 =	vmul.f32 v8, v5  }
0xc7: {  	v11 =	vld [tilespmem:s29+$0xB0]  }
0xc8: {  	v10 =	vld [tilespmem:s29+$0xFFFFFE40];
	[tilespmem:s26+$0xFFFFFF30] =	vst v6;
	v6 =	vadd.f32 v8, v17  }
0xc9: {  	v46 =	vld [tilespmem:s0+$0xFFFFFF40];
	v9 =	vmul.f32 v9, v4;
	v13 =	vmul.f32 v13, v5  }
0xca: {  	[tilespmem:s26+$0xFFFFFFB0] =	vst v6;
	v6 =	vld [tilespmem:s29+$0xFFFFFF40]  }
0xcb: {  	v12 =	vld [tilespmem:s0+$0xFFFFFEC0];
	v9 =	vadd.f32 v13, v9  }
0xcc: {  	v8 =	vld [tilespmem:s29+$0xFFFFFEC0];
	v7 =	vmul.f32 v7, v5;
	v13 =	vmul.f32 v43, v4  }
0xcd: {  	v47 =	vld [tilespmem:s0+$0xFFFFFFC0];
	[tilespmem:s26+$0x1E0] =	vst v9  }
0xce: {  	v11 =	vmul.f32 v11, v5;
	v9 =	vmul.f32 v15, v4;
	v7 =	vadd.f32 v7, v13;
	v13 =	vld [tilespmem:s0+$0x1F0]  }
0xcf: {  	v17 =	vmul.f32 v46, v4;
	v6 =	vmul.f32 v6, v5;
	v15 =	vld [tilespmem:s29+$0x1F0]  }
0xd0: {  	[tilespmem:s26+$0x30] =	vst v7;
	v7 =	vadd.f32 v11, v9;
	v9 =	vmul.f32 v14, v4;
	v11 =	vmul.f32 v44, v5;
	v14 =	vld [tilespmem:s29+$0xFFFFFFC0]  }
0xd1: {  	v6 =	vadd.f32 v6, v17;
	v48 =	vld [tilespmem:s0+$0x40]  }
0xd2: {  	v10 =	vmul.f32 v10, v5;
	[tilespmem:s26+$0xB0] =	vst v7;
	v7 =	vmul.f32 v45, v4;
	v9 =	vadd.f32 v11, v9;
	v11 =	vld [tilespmem:s29+$0x40]  }
0xd3: {  	[tilespmem:s26+$0xFFFFFF40] =	vst v6;
	v49 =	vld [tilespmem:s0+$0xC0]  }
0xd4: {  	v12 =	vmul.f32 v12, v4;
	v8 =	vmul.f32 v8, v5;
	v52 =	vld [tilespmem:s0+$0xFFFFFF50];
	v7 =	vadd.f32 v10, v7  }
0xd5: {  	[tilespmem:s26+$0x130] =	vst v9;
	v9 =	vld [tilespmem:s29+$0xC0]  }
0xd6: {  	v10 =	vld [tilespmem:s0+$0x140];
	[tilespmem:s26+$0xFFFFFE40] =	vst v7;
	v7 =	vadd.f32 v8, v12  }
0xd7: {  	v6 =	vmul.f32 v48, v4;
	v12 =	vld [tilespmem:s0+$0xFFFFFE50];
	v11 =	vmul.f32 v11, v5  }
0xd8: {  	v18 =	vmul.f32 v47, v4;
	[tilespmem:s26+$0xFFFFFEC0] =	vst v7;
	v7 =	vmul.f32 v14, v5;
	v14 =	vld [tilespmem:s29+$0xFFFFFE50]  }
0xd9: {  	v8 =	vld [tilespmem:s29+$0x140];
	v6 =	vadd.f32 v11, v6  }
0xda: {  	v50 =	vld [tilespmem:s0+$0xFFFFFED0];
	v7 =	vadd.f32 v7, v18  }
0xdb: {  	v51 =	vld [tilespmem:s29+$0xFFFFFED0];
	[tilespmem:s26+$0x40] =	vst v6  }
0xdc: {  	v19 =	vmul.f32 v49, v4;
	[tilespmem:s26+$0xFFFFFFC0] =	vst v7;
	v7 =	vmul.f32 v9, v5;
	v9 =	vld [tilespmem:s29+$0xFFFFFF50]  }
0xdd: {  	v53 =	vld [tilespmem:s0+$0x50];
	v12 =	vmul.f32 v12, v4;
	v14 =	vmul.f32 v14, v5  }
0xde: {  	v10 =	vmul.f32 v10, v4;
	v11 =	vld [tilespmem:s0+$0xFFFFFFD0];
	v6 =	vadd.f32 v7, v19;
	v7 =	vmul.f32 v8, v5  }
0xdf: {  	v8 =	vld [tilespmem:s29+$0xFFFFFFD0];
	v12 =	vadd.f32 v14, v12  }
0xe0: {  	[tilespmem:s26+$0xC0] =	vst v6;
	v6 =	vadd.f32 v7, v10;
	v7 =	vld [tilespmem:s29+$0x50]  }
0xe1: {  	v10 =	vld [tilespmem:s0+$0xD0];
	[tilespmem:s26+$0xFFFFFE50] =	vst v12  }
0xe2: {  	v17 =	vmul.f32 v50, v4;
	v14 =	vmul.f32 v51, v5;
	[tilespmem:s26+$0x140] =	vst v6;
	v6 =	vld [tilespmem:s29+$0xD0]  }
0xe3: {  	v55 =	vld [tilespmem:s0+$0xFFFFFE60]  }
0xe4: {  	v18 =	vmul.f32 v52, v4;
	v12 =	vadd.f32 v14, v17;
	v9 =	vmul.f32 v9, v5;
	v54 =	vld [tilespmem:s0+$0x150]  }
0xe5: {  	v14 =	vld [tilespmem:s29+$0x150]  }
0xe6: {  	v11 =	vmul.f32 v11, v4;
	[tilespmem:s26+$0xFFFFFED0] =	vst v12;
	v9 =	vadd.f32 v9, v18;
	v8 =	vmul.f32 v8, v5;
	v12 =	vld [tilespmem:s29+$0xFFFFFE60]  }
0xe7: {  	v56 =	vld [tilespmem:s0+$0xFFFFFEE0]  }
0xe8: {  	v19 =	vmul.f32 v53, v4;
	[tilespmem:s26+$0xFFFFFF50] =	vst v9;
	v8 =	vadd.f32 v8, v11;
	v7 =	vmul.f32 v7, v5;
	v9 =	vld [tilespmem:s29+$0xFFFFFEE0]  }
0xe9: {  	v11 =	vld [tilespmem:s0+$0xFFFFFF60]  }
0xea: {  	v10 =	vmul.f32 v10, v4;
	[tilespmem:s26+$0xFFFFFFD0] =	vst v8;
	v7 =	vadd.f32 v7, v19;
	v6 =	vmul.f32 v6, v5;
	v8 =	vld [tilespmem:s29+$0xFFFFFF60]  }
0xeb: {  	v17 =	vmul.f32 v55, v4;
	v57 =	vld [tilespmem:s0+$0xFFFFFFE0];
	v12 =	vmul.f32 v12, v5  }
0xec: {  	v16 =	vmul.f32 v54, v4;
	[tilespmem:s26+$0x50] =	vst v7;
	v6 =	vadd.f32 v6, v10;
	v7 =	vmul.f32 v14, v5;
	v10 =	vld [tilespmem:s29+$0xFFFFFFE0]  }
0xed: {  	v14 =	vld [tilespmem:s0+$0x60];
	v12 =	vadd.f32 v12, v17  }
0xee: {  	[tilespmem:s26+$0xD0] =	vst v6;
	v6 =	vadd.f32 v7, v16;
	v7 =	vld [tilespmem:s29+$0x60]  }
0xef: {  	v58 =	vld [tilespmem:s0+$0xE0];
	[tilespmem:s26+$0xFFFFFE60] =	vst v12  }
0xf0: {  	v18 =	vmul.f32 v56, v4;
	v9 =	vmul.f32 v9, v5;
	[tilespmem:s26+$0x150] =	vst v6;
	v6 =	vld [tilespmem:s29+$0xE0]  }
0xf1: {  	v60 =	vld [tilespmem:s0+$0xFFFFFE70]  }
0xf2: {  	v11 =	vmul.f32 v11, v4;
	v9 =	vadd.f32 v9, v18;
	v8 =	vmul.f32 v8, v5;
	v59 =	vld [tilespmem:s0+$0x160]  }
0xf3: {  	v12 =	vld [tilespmem:s29+$0x160]  }
0xf4: {  	v19 =	vmul.f32 v57, v4;
	[tilespmem:s26+$0xFFFFFEE0] =	vst v9;
	v8 =	vadd.f32 v8, v11;
	v9 =	vmul.f32 v10, v5;
	v10 =	vld [tilespmem:s29+$0xFFFFFE70]  }
0xf5: {  	v11 =	vld [tilespmem:s0+$0xFFFFFEF0];
	v14 =	vmul.f32 v14, v4;
	v7 =	vmul.f32 v7, v5  }
0xf6: {  	[tilespmem:s26+$0xFFFFFF60] =	vst v8;
	v8 =	vadd.f32 v9, v19;
	v9 =	vld [tilespmem:s29+$0xFFFFFEF0]  }
0xf7: {  	v61 =	vld [tilespmem:s0+$0xFFFFFF70];
	v16 =	vmul.f32 v58, v4;
	v7 =	vadd.f32 v7, v14;
	v6 =	vmul.f32 v6, v5  }
0xf8: {  	v13 =	vmul.f32 v13, v4;
	[tilespmem:s26+$0xFFFFFFE0] =	vst v8;
	v8 =	vld [tilespmem:s29+$0xFFFFFF70];
	v14 =	vmul.f32 v15, v5  }
0xf9: {  	v15 =	vld [tilespmem:s0+$0xFFFFFFF0];
	v12 =	vmul.f32 v12, v5;
	[tilespmem:s26+$0x60] =	vst v7;
	v7 =	vmul.f32 v59, v4;
	v6 =	vadd.f32 v6, v16  }
0xfa: {  	v62 =	vld [tilespmem:s29+$0xFFFFFFF0];
	v10 =	vmul.f32 v10, v5;
	v13 =	vadd.f32 v14, v13;
	v14 =	vmul.f32 v60, v4  }
0xfb: {  	v11 =	vmul.f32 v11, v4;
	v63 =	vld [tilespmem:s0+$0x70];
	v9 =	vmul.f32 v9, v5;
	[tilespmem:s26+$0xE0] =	vst v6;
	v12 =	vadd.f32 v12, v7  }
0xfc: {  	v6 =	vld [tilespmem:s29+$0x70];
	[tilespmem:s26+$0x1F0] =	vst v13;
	v10 =	vadd.f32 v10, v14  }
0xfd: {  	v7 =	vld [tilespmem:s0+$0xF0];
	v13 =	vadd.f32 v9, v11;
	v14 =	vmul.f32 v8, v5;
	[tilespmem:s26+$0x160] =	vst v12;
	v12 =	vmul.f32 v61, v4  }
0xfe: {  	v8 =	vld [tilespmem:s29+$0xF0]  }
0xff: {  	v11 =	vmul.f32 v15, v4;
	v9 =	vld [tilespmem:s0+$0x170];
	[tilespmem:s26+$0xFFFFFEF0] =	vst v13;
	v13 =	vadd.f32 v14, v12;
	v14 =	vmul.f32 v62, v5  }
0x100: {  	s31 =	simm.s32 $0x0;
	s30 =	smov.u32 s26;
	[tilespmem:s26+$0xFFFFFE70] =	vst v10;
	v10 =	vld [tilespmem:s29+$0x170];
	s0 =	sadd.s32 $0x400, s0;
	v12 =	vmul.f32 v63, v4  }
.LBB2_6:
0x101: {  	v15 =	vld [tilespmem:s0+$0x180];
	[tilespmem:s30+$0xFFFFFF70] =	vst v13;
	v11 =	vadd.f32 v14, v11;
	v6 =	vmul.f32 v6, v5;
	s29 =	sadd.s32 $0x400, s29  }
0x102: {  	v13 =	vld [tilespmem:s29+$0x180];
	v7 =	vmul.f32 v7, v4  }
0x103: {  	v14 =	vld [tilespmem:s29+$0xFFFFFE00];
	[tilespmem:s30+$0xFFFFFFF0] =	vst v11;
	v6 =	vadd.f32 v6, v12;
	v8 =	vmul.f32 v8, v5  }
0x104: {  	v11 =	vld [tilespmem:s0+$0xFFFFFE80];
	v9 =	vmul.f32 v9, v4  }
0x105: {  	v12 =	vld [tilespmem:s29+$0xFFFFFE80];
	[tilespmem:s30+$0x70] =	vst v6;
	v6 =	vadd.f32 v8, v7;
	v7 =	vmul.f32 v10, v5  }
0x106: {  	v8 =	vld [tilespmem:s0+$0xFFFFFF00]  }
0x107: {  	v15 =	vmul.f32 v15, v4;
	v10 =	vld [tilespmem:s29+$0xFFFFFF00];
	v13 =	vmul.f32 v13, v5;
	[tilespmem:s30+$0xF0] =	vst v6;
	v6 =	vadd.f32 v7, v9  }
0x108: {  	v7 =	vmul.f32 v14, v5;
	v9 =	vld [tilespmem:s0+$0xFFFFFF80]  }
0x109: {  	s31 =	sadd.s32 $0x8, s31;
	v11 =	vmul.f32 v11, v4;
	v14 =	vld [tilespmem:s29+$0xFFFFFF80];
	v13 =	vadd.f32 v13, v15;
	[tilespmem:s30+$0x170] =	vst v6  }
0x10a: {  	p2 =	slt.u32 s31, $0x18;
	s30 =	sadd.s32 $0x400, s30;
	v6 =	vmul.f32 v12, v5;
	v12 =	vld [tilespmem:s0+$0x0]  }
0x10b: {  	v8 =	vmul.f32 v8, v4;
	v15 =	vld [tilespmem:s29+$0x0];
	[tilespmem:s30+$0x180] =	vst v13  }
0x10c: {  	v6 =	vadd.f32 v6, v11;
	v10 =	vmul.f32 v10, v5;
	v11 =	vld [tilespmem:s0+$0x190]  }
0x10d: {  	v9 =	vmul.f32 v9, v4;
	v13 =	vld [tilespmem:s29+$0x190]  }
0x10e: {  	[tilespmem:s30+$0xFFFFFE80] =	vst v6;
	v6 =	vadd.f32 v10, v8;
	v8 =	vmul.f32 v14, v5;
	v10 =	vld [tilespmem:s0+$0x80]  }
0x10f: {  	v12 =	vmul.f32 v12, v4;
	v14 =	vld [tilespmem:s29+$0x80]  }
0x110: {  	[tilespmem:s30+$0xFFFFFF00] =	vst v6;
	v6 =	vadd.f32 v8, v9;
	v8 =	vmul.f32 v15, v5;
	v9 =	vld [tilespmem:s0+$0x100]  }
0x111: {  	v15 =	vld [tilespmem:s29+$0x100]  }
0x112: {  	v16 =	vld [tilespmem:s0+$0xFFFFFE00];
	[tilespmem:s30+$0xFFFFFF80] =	vst v6;
	v6 =	vadd.f32 v8, v12;
	v8 =	vmul.f32 v11, v4;
	v11 =	vmul.f32 v13, v5  }
0x113: {  	v12 =	vld [tilespmem:s0+$0xFFFFFE90];
	v10 =	vmul.f32 v10, v4  }
0x114: {  	v13 =	vld [tilespmem:s29+$0xFFFFFE90];
	[tilespmem:s30+$0x0] =	vst v6;
	v6 =	vmul.f32 v14, v5;
	v8 =	vadd.f32 v11, v8  }
0x115: {  	v11 =	vld [tilespmem:s0+$0xFFFFFF10];
	v9 =	vmul.f32 v9, v4  }
0x116: {  	v14 =	vld [tilespmem:s29+$0xFFFFFF10];
	v6 =	vadd.f32 v6, v10;
	v10 =	vmul.f32 v15, v5;
	[tilespmem:s30+$0x190] =	vst v8  }
0x117: {  	v8 =	vmul.f32 v16, v4;
	v15 =	vld [tilespmem:s0+$0x1A0]  }
0x118: {  	v12 =	vmul.f32 v12, v4;
	[tilespmem:s30+$0x80] =	vst v6;
	v6 =	vadd.f32 v10, v9;
	v9 =	vld [tilespmem:s29+$0x1A0]  }
0x119: {  	v7 =	vadd.f32 v7, v8;
	v8 =	vmul.f32 v13, v5;
	v10 =	vld [tilespmem:s0+$0xFFFFFF90]  }
0x11a: {  	v11 =	vmul.f32 v11, v4;
	v13 =	vld [tilespmem:s29+$0xFFFFFF90];
	[tilespmem:s30+$0x100] =	vst v6  }
0x11b: {  	[tilespmem:s30+$0xFFFFFE00] =	vst v7;
	v6 =	vadd.f32 v8, v12;
	v7 =	vmul.f32 v14, v5;
	v8 =	vld [tilespmem:s0+$0x10]  }
0x11c: {  	v12 =	vld [tilespmem:s0+$0xFFFFFE10]  }
0x11d: {  	v14 =	vld [tilespmem:s29+$0xFFFFFE10];
	[tilespmem:s30+$0xFFFFFE90] =	vst v6;
	v6 =	vadd.f32 v7, v11;
	v7 =	vmul.f32 v15, v4;
	v9 =	vmul.f32 v9, v5  }
0x11e: {  	v10 =	vmul.f32 v10, v4;
	v11 =	vld [tilespmem:s29+$0x10]  }
0x11f: {  	[tilespmem:s30+$0xFFFFFF10] =	vst v6;
	v6 =	vmul.f32 v13, v5;
	v13 =	vld [tilespmem:s0+$0x90];
	v7 =	vadd.f32 v9, v7  }
0x120: {  	v8 =	vmul.f32 v8, v4;
	v9 =	vld [tilespmem:s29+$0x90]  }
0x121: {  	v12 =	vmul.f32 v12, v4;
	v6 =	vadd.f32 v6, v10;
	v10 =	vld [tilespmem:s0+$0x110];
	[tilespmem:s30+$0x1A0] =	vst v7  }
0x122: {  	v7 =	vmul.f32 v14, v5;
	v14 =	vld [tilespmem:s0+$0x1B0]  }
0x123: {  	[tilespmem:s30+$0xFFFFFF90] =	vst v6;
	v6 =	vmul.f32 v11, v5;
	v11 =	vld [tilespmem:s29+$0x1B0]  }
0x124: {  	v7 =	vadd.f32 v7, v12;
	v12 =	vmul.f32 v13, v4;
	v13 =	vld [tilespmem:s29+$0x110]  }
0x125: {  	v15 =	vld [tilespmem:s0+$0xFFFFFEA0];
	v6 =	vadd.f32 v6, v8;
	v8 =	vmul.f32 v9, v5  }
0x126: {  	[tilespmem:s30+$0xFFFFFE10] =	vst v7;
	v7 =	vld [tilespmem:s29+$0xFFFFFEA0];
	v9 =	vmul.f32 v10, v4  }
0x127: {  	v10 =	vld [tilespmem:s0+$0xFFFFFE20];
	[tilespmem:s30+$0x10] =	vst v6;
	v6 =	vadd.f32 v8, v12  }
0x128: {  	v12 =	vmul.f32 v14, v4;
	v8 =	vld [tilespmem:s29+$0xFFFFFE20];
	v11 =	vmul.f32 v11, v5  }
0x129: {  	v14 =	vld [tilespmem:s0+$0xFFFFFF20];
	[tilespmem:s30+$0x90] =	vst v6;
	v6 =	vmul.f32 v13, v5  }
0x12a: {  	v13 =	vmul.f32 v15, v4;
	v15 =	vld [tilespmem:s29+$0xFFFFFF20];
	v11 =	vadd.f32 v11, v12  }
0x12b: {  	v7 =	vmul.f32 v7, v5;
	v12 =	vld [tilespmem:s0+$0xFFFFFFA0];
	v6 =	vadd.f32 v6, v9  }
0x12c: {  	v9 =	vmul.f32 v10, v4;
	v10 =	vld [tilespmem:s29+$0xFFFFFFA0];
	[tilespmem:s30+$0x1B0] =	vst v11  }
0x12d: {  	v8 =	vmul.f32 v8, v5;
	v7 =	vadd.f32 v7, v13;
	[tilespmem:s30+$0x110] =	vst v6;
	v6 =	vld [tilespmem:s0+$0x1C0]  }
0x12e: {  	v11 =	vmul.f32 v14, v4;
	v13 =	vld [tilespmem:s29+$0x1C0]  }
0x12f: {  	v8 =	vadd.f32 v8, v9;
	[tilespmem:s30+$0xFFFFFEA0] =	vst v7;
	v7 =	vmul.f32 v15, v5;
	v9 =	vld [tilespmem:s0+$0x20]  }
0x130: {  	v12 =	vmul.f32 v12, v4;
	v14 =	vld [tilespmem:s29+$0x20]  }
0x131: {  	[tilespmem:s30+$0xFFFFFE20] =	vst v8;
	v7 =	vadd.f32 v7, v11;
	v8 =	vmul.f32 v10, v5;
	v10 =	vld [tilespmem:s0+$0xA0]  }
0x132: {  	v11 =	vld [tilespmem:s29+$0xA0]  }
0x133: {  	v6 =	vmul.f32 v6, v4;
	[tilespmem:s30+$0xFFFFFF20] =	vst v7;
	v7 =	vadd.f32 v8, v12;
	v8 =	vld [tilespmem:s0+$0x120];
	v12 =	vmul.f32 v13, v5  }
0x134: {  	v9 =	vmul.f32 v9, v4;
	v13 =	vld [tilespmem:s29+$0x120]  }
0x135: {  	v15 =	vld [tilespmem:s0+$0xFFFFFE30];
	[tilespmem:s30+$0xFFFFFFA0] =	vst v7;
	v7 =	vmul.f32 v14, v5;
	v6 =	vadd.f32 v12, v6  }
0x136: {  	v12 =	vld [tilespmem:s29+$0xFFFFFE30];
	v10 =	vmul.f32 v10, v4  }
0x137: {  	v14 =	vld [tilespmem:s0+$0xFFFFFEB0];
	v7 =	vadd.f32 v7, v9;
	v9 =	vmul.f32 v11, v5;
	[tilespmem:s30+$0x1C0] =	vst v6  }
0x138: {  	v6 =	vmul.f32 v8, v4;
	v8 =	vld [tilespmem:s0+$0x1D0]  }
0x139: {  	[tilespmem:s30+$0x20] =	vst v7;
	v7 =	vadd.f32 v9, v10;
	v9 =	vmul.f32 v13, v5;
	v10 =	vld [tilespmem:s29+$0x1D0]  }
0x13a: {  	v11 =	vmul.f32 v15, v4;
	v13 =	vld [tilespmem:s29+$0xFFFFFEB0]  }
0x13b: {  	v12 =	vmul.f32 v12, v5;
	v15 =	vld [tilespmem:s0+$0xFFFFFF30];
	[tilespmem:s30+$0xA0] =	vst v7;
	v6 =	vadd.f32 v9, v6  }
0x13c: {  	v7 =	vmul.f32 v14, v4;
	v9 =	vld [tilespmem:s29+$0xFFFFFF30]  }
0x13d: {  	v11 =	vadd.f32 v12, v11;
	v12 =	vld [tilespmem:s0+$0xFFFFFFB0];
	[tilespmem:s30+$0x120] =	vst v6  }
0x13e: {  	v8 =	vmul.f32 v8, v4;
	v6 =	vld [tilespmem:s29+$0xFFFFFFB0];
	v10 =	vmul.f32 v10, v5  }
0x13f: {  	[tilespmem:s30+$0xFFFFFE30] =	vst v11;
	v11 =	vmul.f32 v13, v5;
	v13 =	vld [tilespmem:s0+$0x30]  }
0x140: {  	v14 =	vmul.f32 v15, v4;
	v15 =	vld [tilespmem:s29+$0x30];
	v8 =	vadd.f32 v10, v8  }
0x141: {  	v7 =	vadd.f32 v11, v7;
	v9 =	vmul.f32 v9, v5;
	v10 =	vld [tilespmem:s0+$0xB0]  }
0x142: {  	v11 =	vmul.f32 v12, v4;
	v12 =	vld [tilespmem:s29+$0xB0];
	[tilespmem:s30+$0x1D0] =	vst v8  }
0x143: {  	[tilespmem:s30+$0xFFFFFEB0] =	vst v7;
	v7 =	vadd.f32 v9, v14;
	v6 =	vmul.f32 v6, v5;
	v8 =	vld [tilespmem:s0+$0x1E0]  }
0x144: {  	v9 =	vmul.f32 v13, v4;
	v13 =	vld [tilespmem:s29+$0x1E0]  }
0x145: {  	[tilespmem:s30+$0xFFFFFF30] =	vst v7;
	v6 =	vadd.f32 v6, v11;
	v7 =	vmul.f32 v15, v5;
	v11 =	vld [tilespmem:s0+$0x130]  }
0x146: {  	v10 =	vmul.f32 v10, v4;
	v14 =	vld [tilespmem:s29+$0x130]  }
0x147: {  	v15 =	vld [tilespmem:s0+$0xFFFFFE40];
	[tilespmem:s30+$0xFFFFFFB0] =	vst v6;
	v6 =	vadd.f32 v7, v9;
	v7 =	vmul.f32 v12, v5  }
0x148: {  	v9 =	vld [tilespmem:s29+$0xFFFFFE40]  }
0x149: {  	v12 =	vld [tilespmem:s0+$0xFFFFFEC0];
	[tilespmem:s30+$0x30] =	vst v6;
	v6 =	vadd.f32 v7, v10;
	v7 =	vmul.f32 v8, v4;
	v8 =	vmul.f32 v13, v5  }
0x14a: {  	v10 =	vld [tilespmem:s29+$0xFFFFFEC0];
	v11 =	vmul.f32 v11, v4  }
0x14b: {  	v13 =	vld [tilespmem:s0+$0xFFFFFF40];
	[tilespmem:s30+$0xB0] =	vst v6;
	v6 =	vmul.f32 v14, v5;
	v7 =	vadd.f32 v8, v7  }
0x14c: {  	v8 =	vmul.f32 v15, v4;
	v14 =	vld [tilespmem:s29+$0xFFFFFF40]  }
0x14d: {  	v9 =	vmul.f32 v9, v5;
	v15 =	vld [tilespmem:s0+$0xFFFFFFC0];
	v6 =	vadd.f32 v6, v11;
	[tilespmem:s30+$0x1E0] =	vst v7  }
0x14e: {  	v7 =	vmul.f32 v12, v4;
	v11 =	vld [tilespmem:s0+$0x1F0]  }
0x14f: {  	v8 =	vadd.f32 v9, v8;
	v9 =	vmul.f32 v10, v5;
	[tilespmem:s30+$0x130] =	vst v6;
	v6 =	vld [tilespmem:s29+$0x1F0]  }
0x150: {  	v10 =	vmul.f32 v13, v4;
	v12 =	vld [tilespmem:s29+$0xFFFFFFC0]  }
0x151: {  	[tilespmem:s30+$0xFFFFFE40] =	vst v8;
	v7 =	vadd.f32 v9, v7;
	v8 =	vmul.f32 v14, v5;
	v9 =	vld [tilespmem:s0+$0x40]  }
0x152: {  	v13 =	vmul.f32 v15, v4;
	v14 =	vld [tilespmem:s29+$0x40]  }
0x153: {  	[tilespmem:s30+$0xFFFFFEC0] =	vst v7;
	v7 =	vadd.f32 v8, v10;
	v8 =	vld [tilespmem:s0+$0xC0]  }
0x154: {  	v11 =	vmul.f32 v11, v4;
	v10 =	vld [tilespmem:s29+$0xC0];
	v6 =	vmul.f32 v6, v5  }
0x155: {  	[tilespmem:s30+$0xFFFFFF40] =	vst v7;
	v7 =	vmul.f32 v12, v5;
	v12 =	vld [tilespmem:s0+$0x140]  }
0x156: {  	v9 =	vmul.f32 v9, v4;
	v15 =	vld [tilespmem:s29+$0x140];
	v6 =	vadd.f32 v6, v11  }
0x157: {  	v11 =	vld [tilespmem:s0+$0xFFFFFE50];
	v7 =	vadd.f32 v7, v13;
	v13 =	vmul.f32 v14, v5  }
0x158: {  	v14 =	vld [tilespmem:s29+$0xFFFFFE50];
	v8 =	vmul.f32 v8, v4;
	[tilespmem:s30+$0x1F0] =	vst v6  }
0x159: {  	v6 =	vld [tilespmem:s0+$0xFFFFFED0];
	[tilespmem:s30+$0xFFFFFFC0] =	vst v7;
	v7 =	vadd.f32 v13, v9;
	v9 =	vmul.f32 v10, v5  }
0x15a: {  	v10 =	vld [tilespmem:s29+$0xFFFFFED0];
	v12 =	vmul.f32 v12, v4  }
0x15b: {  	v13 =	vld [tilespmem:s0+$0xFFFFFF50];
	[tilespmem:s30+$0x40] =	vst v7;
	v7 =	vadd.f32 v9, v8;
	v8 =	vmul.f32 v15, v5  }
0x15c: {  	v9 =	vmul.f32 v11, v4;
	v11 =	vld [tilespmem:s29+$0xFFFFFF50]  }
0x15d: {  	v14 =	vmul.f32 v14, v5;
	v15 =	vld [tilespmem:s0+$0xFFFFFFD0];
	[tilespmem:s30+$0xC0] =	vst v7;
	v7 =	vadd.f32 v8, v12  }
0x15e: {  	v6 =	vmul.f32 v6, v4;
	v8 =	vld [tilespmem:s29+$0xFFFFFFD0]  }
0x15f: {  	v9 =	vadd.f32 v14, v9;
	v10 =	vmul.f32 v10, v5;
	v12 =	vld [tilespmem:s0+$0x50];
	[tilespmem:s30+$0x140] =	vst v7  }
0x160: {  	v7 =	vmul.f32 v13, v4;
	v13 =	vld [tilespmem:s29+$0x50]  }
0x161: {  	[tilespmem:s30+$0xFFFFFE50] =	vst v9;
	v6 =	vadd.f32 v10, v6;
	v9 =	vmul.f32 v11, v5;
	v10 =	vld [tilespmem:s0+$0xD0]  }
0x162: {  	v11 =	vmul.f32 v15, v4;
	v14 =	vld [tilespmem:s29+$0xD0]  }
0x163: {  	[tilespmem:s30+$0xFFFFFED0] =	vst v6;
	v6 =	vadd.f32 v9, v7;
	v7 =	vmul.f32 v8, v5;
	v8 =	vld [tilespmem:s0+$0x150]  }
0x164: {  	v9 =	vmul.f32 v12, v4;
	v12 =	vld [tilespmem:s29+$0x150]  }
0x165: {  	v15 =	vld [tilespmem:s0+$0xFFFFFE60];
	[tilespmem:s30+$0xFFFFFF50] =	vst v6;
	v6 =	vadd.f32 v7, v11;
	v7 =	vmul.f32 v13, v5  }
0x166: {  	v11 =	vld [tilespmem:s29+$0xFFFFFE60];
	v10 =	vmul.f32 v10, v4  }
0x167: {  	v13 =	vld [tilespmem:s0+$0xFFFFFEE0];
	[tilespmem:s30+$0xFFFFFFD0] =	vst v6;
	v6 =	vadd.f32 v7, v9;
	v7 =	vmul.f32 v14, v5  }
0x168: {  	v9 =	vld [tilespmem:s29+$0xFFFFFEE0];
	v8 =	vmul.f32 v8, v4  }
0x169: {  	v14 =	vld [tilespmem:s0+$0xFFFFFF60];
	[tilespmem:s30+$0x50] =	vst v6;
	v6 =	vadd.f32 v7, v10;
	v7 =	vmul.f32 v12, v5  }
0x16a: {  	v10 =	vmul.f32 v15, v4;
	v12 =	vld [tilespmem:s29+$0xFFFFFF60]  }
0x16b: {  	v11 =	vmul.f32 v11, v5;
	v15 =	vld [tilespmem:s0+$0xFFFFFFE0];
	[tilespmem:s30+$0xD0] =	vst v6;
	v6 =	vadd.f32 v7, v8  }
0x16c: {  	v7 =	vmul.f32 v13, v4;
	v8 =	vld [tilespmem:s29+$0xFFFFFFE0]  }
0x16d: {  	v10 =	vadd.f32 v11, v10;
	v9 =	vmul.f32 v9, v5;
	v11 =	vld [tilespmem:s0+$0x60];
	[tilespmem:s30+$0x150] =	vst v6  }
0x16e: {  	v6 =	vmul.f32 v14, v4;
	v13 =	vld [tilespmem:s29+$0x60]  }
0x16f: {  	[tilespmem:s30+$0xFFFFFE60] =	vst v10;
	v7 =	vadd.f32 v9, v7;
	v9 =	vmul.f32 v12, v5;
	v10 =	vld [tilespmem:s0+$0xE0]  }
0x170: {  	v12 =	vmul.f32 v15, v4;
	v14 =	vld [tilespmem:s29+$0xE0]  }
0x171: {  	[tilespmem:s30+$0xFFFFFEE0] =	vst v7;
	v6 =	vadd.f32 v9, v6;
	v7 =	vmul.f32 v8, v5;
	v8 =	vld [tilespmem:s0+$0x160]  }
0x172: {  	v9 =	vmul.f32 v11, v4;
	v11 =	vld [tilespmem:s29+$0x160]  }
0x173: {  	v15 =	vld [tilespmem:s0+$0xFFFFFE70];
	[tilespmem:s30+$0xFFFFFF60] =	vst v6;
	v6 =	vadd.f32 v7, v12;
	v7 =	vmul.f32 v13, v5  }
0x174: {  	v12 =	vld [tilespmem:s29+$0xFFFFFE70];
	v10 =	vmul.f32 v10, v4  }
0x175: {  	v13 =	vld [tilespmem:s0+$0xFFFFFEF0];
	[tilespmem:s30+$0xFFFFFFE0] =	vst v6;
	v6 =	vadd.f32 v7, v9;
	v7 =	vmul.f32 v14, v5  }
0x176: {  	v9 =	vld [tilespmem:s29+$0xFFFFFEF0];
	v8 =	vmul.f32 v8, v4  }
0x177: {  	v14 =	vld [tilespmem:s0+$0xFFFFFF70];
	[tilespmem:s30+$0x60] =	vst v6;
	v6 =	vadd.f32 v7, v10;
	v7 =	vmul.f32 v11, v5  }
0x178: {  	v10 =	vmul.f32 v15, v4;
	v11 =	vld [tilespmem:s29+$0xFFFFFF70]  }
0x179: {  	v12 =	vmul.f32 v12, v5;
	v15 =	vld [tilespmem:s0+$0xFFFFFFF0];
	[tilespmem:s30+$0xE0] =	vst v6;
	v6 =	vadd.f32 v7, v8  }
0x17a: {  	v7 =	vmul.f32 v13, v4;
	v16 =	vld [tilespmem:s29+$0xFFFFFFF0]  }
0x17b: {  	v8 =	vadd.f32 v12, v10;
	v9 =	vmul.f32 v9, v5;
	v10 =	vld [tilespmem:s0+$0x70];
	[tilespmem:s30+$0x160] =	vst v6  }
.Ltmp3:
0x17c: {  	v12 =	vmul.f32 v14, v4;
	v6 =	vld [tilespmem:s29+$0x70];
	(pc) =	sbr.rel @p2 .LBB2_6-.Ltmp3, $4  }
0x17d: {  	[tilespmem:s30+$0xFFFFFE70] =	vst v8;
	v9 =	vadd.f32 v9, v7;
	v13 =	vmul.f32 v11, v5;
	v7 =	vld [tilespmem:s0+$0xF0]  }
0x17e: {  	v11 =	vmul.f32 v15, v4;
	v8 =	vld [tilespmem:s29+$0xF0]  }
0x17f: {  	[tilespmem:s30+$0xFFFFFEF0] =	vst v9;
	v13 =	vadd.f32 v13, v12;
	v14 =	vmul.f32 v16, v5;
	v9 =	vld [tilespmem:s0+$0x170]  }
0x180: {  	s0 =	sadd.s32 $0x400, s0;
	v12 =	vmul.f32 v10, v4;
	v10 =	vld [tilespmem:s29+$0x170]  }
0x181: {  	_ =	sdelay $0x1  }
0x182: {  	v6 =	vmul.f32 v6, v5;
	s28 =	sadd.s32 $0x1, s28  }
0x183: {  	v11 =	vadd.f32 v14, v11;
	v7 =	vmul.f32 v7, v4;
	p2 =	sne.s32 s28, $0x8;
	v8 =	vmul.f32 v8, v5  }
.Ltmp4:
0x184: {  	[tilespmem:s30+$0xFFFFFF70] =	vst v13;
	v6 =	vadd.f32 v6, v12;
	v4 =	vmul.f32 v9, v4;
	v5 =	vmul.f32 v10, v5;
	(pc) =	sbr.rel @p2 .LBB2_5-.Ltmp4, $4  }
0x185: {  	[tilespmem:s30+$0xFFFFFFF0] =	vst v11;
	v7 =	vadd.f32 v8, v7  }
0x186: {  	[tilespmem:s30+$0x70] =	vst v6;
	v4 =	vadd.f32 v5, v4  }
0x187: {  	[tilespmem:s30+$0xF0] =	vst v7  }
0x188: {  	s26 =	sadd.s32 $0x1000, s26;
	[tilespmem:s30+$0x170] =	vst v4  }
0x189: {  	s0 =	sshll.u32 s24, $0x15  }
0x18a: {  	s0 =	sor.u32 s7, s0  }
0x18b: {  	s0 =	sshrl.u32 s0, $0x3  }
0x18c: {  	s0 =	sadd.s32 s3, s0  }
0x18d: {  	[hbm4b:s0+s13] =	stream.strided.scatter [tilespmem:s18], [sflag:$0x1], $0x8000, s14, s13, $0x38;
	[tilespmem:$0x18A00] =	vst v63  }
0x18e: {  	s0 =	simm.s32 @!p1 $0x2  }
0x18f: {  	_ =	swait.ge @!p1 [sflag:s0], $0x8000  }
0x190: {  	s25 =	sor.u32 $0x8, s25;
	[sflag:s0] =	ssyncset.done @!p1 $0x0  }
0x191: {  	s26 =	simm.s32 $0x0;
	s28 =	simm.s32 $0x8A00;
	[sflag:s0] =	ssyncadd.s32 @!p1 $0xFFFF8000  }
.LBB2_9:
0x192: {  	s0 =	sor.u32 s25, s26  }
0x193: {  	v4 =	vld [tilespmem:s0+$0x100];
	_ =	sdelay $0x3  }
0x194: {  	v5 =	vld [tilespmem:s0+$0x280]  }
0x195: {  	(v2sf) =	vpush v4, $0x0;
	_ =	sdelay $0x3  }
0x196: {  	(v2sf) =	vpush v5, $0x0;
	_ =	sdelay $0xa  }
0x197: {  	s2 =	spop (v2sf)  }
0x198: {  	s2 =	sshll.u32 s2, $0xE  }
0x199: {  	v5 =	vmov s0;
	s2 =	sshra.s32 s2, $0x2  }
0x19a: {  	s2 =	sor.u32 $0xDF0, s2  }
0x19b: {  	s6 =	spop (v2sf);
	v8 =	vmov s2  }
0x19c: {  	s31 =	sshll.u32 s6, $0xE  }
0x19d: {  	s0 =	sshra.s32 s31, $0x2  }
0x19e: {  	v4 =	vld.idx.msk [tilespmem:v5+s16+$0x0], $0xffff;
	s0 =	sor.u32 $0xC00, s0  }
0x19f: {  	s29 =	simm.s32 $0x0;
	v5 =	vld.idx.msk [tilespmem:v5+s17+$0x0], $0xffff;
	v7 =	vmov s0  }
0x1a0: {  	v9 =	vld.idx.msk [tilespmem:v8+s29+$0xFFFFFF90 ss:$0x1], $0xffff  }
0x1a1: {  	v11 =	vld.idx.msk [tilespmem:v8+s29+$0xFFFFFC10 ss:$0x1], $0xffff  }
0x1a2: {  	v13 =	vld.idx.msk [tilespmem:v8+s29+$0xFFFFFC90 ss:$0x1], $0xffff  }
0x1a3: {  	v15 =	vld.idx.msk [tilespmem:v8+s29+$0xFFFFFD10 ss:$0x1], $0xffff  }
0x1a4: {  	v10 =	vld.idx.msk [tilespmem:v7+s29+$0x180 ss:$0x1], $0xffff  }
0x1a5: {  	v17 =	vld.idx.msk [tilespmem:v8+s29+$0xFFFFFD90 ss:$0x1], $0xffff  }
0x1a6: {  	v12 =	vld.idx.msk [tilespmem:v7+s29+$0xFFFFFE00 ss:$0x1], $0xffff  }
0x1a7: {  	v21 =	vld.idx.msk [tilespmem:v8+s29+$0xFFFFFE90 ss:$0x1], $0xffff  }
0x1a8: {  	v6 =	vmov s28;
	v14 =	vld.idx.msk [tilespmem:v7+s29+$0xFFFFFE80 ss:$0x1], $0xffff  }
0x1a9: {  	v16 =	vld.idx.msk [tilespmem:v7+s29+$0xFFFFFF00 ss:$0x1], $0xffff;
	v9 =	vmul.f32 v9, v4;
	v10 =	vmul.f32 v10, v5  }
0x1aa: {  	v18 =	vld.idx.msk [tilespmem:v7+s29+$0xFFFFFF80 ss:$0x1], $0xffff  }
0x1ab: {  	v19 =	vld.idx.msk [tilespmem:v7+s29+$0x0 ss:$0x1], $0xffff;
	v11 =	vmul.f32 v11, v4;
	v12 =	vmul.f32 v12, v5;
	v9 =	vadd.f32 v10, v9  }
0x1ac: {  	v10 =	vld.idx.msk [tilespmem:v8+s29+$0xFFFFFE10 ss:$0x1], $0xffff  }
0x1ad: {  	v11 =	vadd.f32 v12, v11;
	v12 =	vld.idx.msk [tilespmem:v7+s29+$0x80 ss:$0x1], $0xffff;
	[tilespmem:v6+s29+$0x8380 ss:$0x1] =	vst.idx.msk $0xffff, v9  }
0x1ae: {  	v13 =	vmul.f32 v13, v4;
	v14 =	vmul.f32 v14, v5;
	v9 =	vld.idx.msk [tilespmem:v8+s29+$0xFFFFFFA0 ss:$0x1], $0xffff  }
0x1af: {  	v20 =	vld.idx.msk [tilespmem:v7+s29+$0x190 ss:$0x1], $0xffff  }
0x1b0: {  	v17 =	vmul.f32 v17, v4;
	v18 =	vmul.f32 v18, v5;
	v13 =	vadd.f32 v14, v13;
	v14 =	vld.idx.msk [tilespmem:v8+s29+$0xFFFFFF10 ss:$0x1], $0xffff  }
0x1b1: {  	v15 =	vmul.f32 v15, v4;
	[tilespmem:v6+s29+$0x8000 ss:$0x1] =	vst.idx.msk $0xffff, v11;
	v11 =	vmul.f32 v16, v5;
	v16 =	vld.idx.msk [tilespmem:v7+s29+$0x100 ss:$0x1], $0xffff  }
0x1b2: {  	v17 =	vadd.f32 v18, v17;
	[tilespmem:v6+s29+$0x8080 ss:$0x1] =	vst.idx.msk $0xffff, v13;
	v13 =	vld.idx.msk [tilespmem:v8+s29+$0xFFFFFC20 ss:$0x1], $0xffff  }
0x1b3: {  	v22 =	vld.idx.msk [tilespmem:v8+s29+$0xFFFFFCA0 ss:$0x1], $0xffff;
	v11 =	vadd.f32 v11, v15  }
0x1b4: {  	[tilespmem:v6+s29+$0x8180 ss:$0x1] =	vst.idx.msk $0xffff, v17;
	v15 =	vld.idx.msk [tilespmem:v7+s29+$0xFFFFFE10 ss:$0x1], $0xffff;
	v9 =	vmul.f32 v9, v4;
	v20 =	vmul.f32 v20, v5  }
0x1b5: {  	v17 =	vmul.f32 v21, v4;
	v12 =	vmul.f32 v12, v5;
	[tilespmem:v6+s29+$0x8100 ss:$0x1] =	vst.idx.msk $0xffff, v11;
	v11 =	vld.idx.msk [tilespmem:v7+s29+$0xFFFFFE90 ss:$0x1], $0xffff  }
0x1b6: {  	v18 =	vld.idx.msk [tilespmem:v7+s29+$0xFFFFFF10 ss:$0x1], $0xffff;
	v9 =	vadd.f32 v20, v9  }
0x1b7: {  	v19 =	vmul.f32 v19, v5;
	v10 =	vmul.f32 v10, v4;
	v12 =	vadd.f32 v12, v17;
	v17 =	vld.idx.msk [tilespmem:v7+s29+$0xFFFFFF90 ss:$0x1], $0xffff  }
0x1b8: {  	v14 =	vmul.f32 v14, v4;
	v16 =	vmul.f32 v16, v5;
	v20 =	vld.idx.msk [tilespmem:v8+s29+$0xFFFFFD20 ss:$0x1], $0xffff;
	[tilespmem:v6+s29+$0x8390 ss:$0x1] =	vst.idx.msk $0xffff, v9  }
0x1b9: {  	v13 =	vmul.f32 v13, v4;
	v15 =	vmul.f32 v15, v5;
	v9 =	vadd.f32 v19, v10;
	v10 =	vld.idx.msk [tilespmem:v8+s29+$0xFFFFFFB0 ss:$0x1], $0xffff  }
0x1ba: {  	[tilespmem:v6+s29+$0x8280 ss:$0x1] =	vst.idx.msk $0xffff, v12;
	v12 =	vadd.f32 v16, v14;
	v19 =	vld.idx.msk [tilespmem:v7+s29+$0x1A0 ss:$0x1], $0xffff  }
0x1bb: {  	v13 =	vadd.f32 v15, v13;
	v15 =	vld.idx.msk [tilespmem:v8+s29+$0xFFFFFEA0 ss:$0x1], $0xffff  }
0x1bc: {  	[tilespmem:v6+s29+$0x8300 ss:$0x1] =	vst.idx.msk $0xffff, v12;
	v12 =	vld.idx.msk [tilespmem:v7+s29+$0x90 ss:$0x1], $0xffff  }
0x1bd: {  	v47 =	vld.idx.msk [tilespmem:v8+s29+$0xFFFFFF20 ss:$0x1], $0xffff  }
0x1be: {  	[tilespmem:v6+s29+$0x8010 ss:$0x1] =	vst.idx.msk $0xffff, v13;
	v13 =	vld.idx.msk [tilespmem:v7+s29+$0x110 ss:$0x1], $0xffff  }
0x1bf: {  	[tilespmem:v6+s29+$0x8200 ss:$0x1] =	vst.idx.msk $0xffff, v9;
	v9 =	vld.idx.msk [tilespmem:v8+s29+$0xFFFFFDA0 ss:$0x1], $0xffff;
	v10 =	vmul.f32 v10, v4;
	v16 =	vmul.f32 v19, v5  }
0x1c0: {  	v46 =	vld.idx.msk [tilespmem:v8+s29+$0xFFFFFE20 ss:$0x1], $0xffff  }
0x1c1: {  	v11 =	vmul.f32 v11, v5;
	v14 =	vld.idx.msk [tilespmem:v7+s29+$0x10 ss:$0x1], $0xffff;
	v19 =	vmul.f32 v22, v4;
	v10 =	vadd.f32 v16, v10  }
0x1c2: {  	v18 =	vmul.f32 v18, v5;
	v16 =	vmul.f32 v20, v4;
	v20 =	vld.idx.msk [tilespmem:v8+s29+$0xFFFFFC30 ss:$0x1], $0xffff  }
0x1c3: {  	v11 =	vadd.f32 v11, v19;
	v19 =	vld.idx.msk [tilespmem:v7+s29+$0xFFFFFE20 ss:$0x1], $0xffff;
	[tilespmem:v6+s29+$0x83A0 ss:$0x1] =	vst.idx.msk $0xffff, v10  }
0x1c4: {  	v10 =	vadd.f32 v18, v16;
	v16 =	vld.idx.msk [tilespmem:v8+s29+$0xFFFFFFC0 ss:$0x1], $0xffff  }
0x1c5: {  	v9 =	vmul.f32 v9, v4;
	[tilespmem:v6+s29+$0x8090 ss:$0x1] =	vst.idx.msk $0xffff, v11;
	v11 =	vmul.f32 v17, v5;
	v17 =	vld.idx.msk [tilespmem:v7+s29+$0x1B0 ss:$0x1], $0xffff  }
0x1c6: {  	v14 =	vmul.f32 v14, v5;
	v18 =	vmul.f32 v46, v4;
	v48 =	vld.idx.msk [tilespmem:v8+s29+$0xFFFFFCB0 ss:$0x1], $0xffff  }
0x1c7: {  	[tilespmem:v6+s29+$0x8110 ss:$0x1] =	vst.idx.msk $0xffff, v10;
	v9 =	vadd.f32 v11, v9;
	v10 =	vld.idx.msk [tilespmem:v7+s29+$0xFFFFFEA0 ss:$0x1], $0xffff  }
0x1c8: {  	v13 =	vmul.f32 v13, v5;
	v11 =	vadd.f32 v14, v18;
	v18 =	vmul.f32 v47, v4;
	v14 =	vld.idx.msk [tilespmem:v8+s29+$0xFFFFFD30 ss:$0x1], $0xffff  }
0x1c9: {  	v15 =	vmul.f32 v15, v4;
	[tilespmem:v6+s29+$0x8190 ss:$0x1] =	vst.idx.msk $0xffff, v9;
	v9 =	vmul.f32 v12, v5;
	v12 =	vld.idx.msk [tilespmem:v7+s29+$0xFFFFFF20 ss:$0x1], $0xffff  }
0x1ca: {  	[tilespmem:v6+s29+$0x8210 ss:$0x1] =	vst.idx.msk $0xffff, v11;
	v13 =	vadd.f32 v13, v18;
	v11 =	vld.idx.msk [tilespmem:v8+s29+$0xFFFFFDB0 ss:$0x1], $0xffff  }
0x1cb: {  	v49 =	vld.idx.msk [tilespmem:v8+s29+$0xFFFFFE30 ss:$0x1], $0xffff;
	v9 =	vadd.f32 v9, v15  }
0x1cc: {  	v15 =	vld.idx.msk [tilespmem:v7+s29+$0xFFFFFFA0 ss:$0x1], $0xffff;
	v16 =	vmul.f32 v16, v4;
	v17 =	vmul.f32 v17, v5;
	[tilespmem:v6+s29+$0x8310 ss:$0x1] =	vst.idx.msk $0xffff, v13  }
0x1cd: {  	v50 =	vld.idx.msk [tilespmem:v8+s29+$0xFFFFFF30 ss:$0x1], $0xffff  }
0x1ce: {  	[tilespmem:v6+s29+$0x8290 ss:$0x1] =	vst.idx.msk $0xffff, v9;
	v9 =	vld.idx.msk [tilespmem:v7+s29+$0x20 ss:$0x1], $0xffff;
	v16 =	vadd.f32 v17, v16  }
0x1cf: {  	v19 =	vmul.f32 v19, v5;
	v18 =	vmul.f32 v20, v4;
	v17 =	vld.idx.msk [tilespmem:v8+s29+$0xFFFFFEB0 ss:$0x1], $0xffff  }
0x1d0: {  	v14 =	vmul.f32 v14, v4;
	v20 =	vld.idx.msk [tilespmem:v7+s29+$0xA0 ss:$0x1], $0xffff;
	v12 =	vmul.f32 v12, v5;
	[tilespmem:v6+s29+$0x83B0 ss:$0x1] =	vst.idx.msk $0xffff, v16  }
0x1d1: {  	v10 =	vmul.f32 v10, v5;
	v16 =	vadd.f32 v19, v18;
	v18 =	vmul.f32 v48, v4;
	v13 =	vld.idx.msk [tilespmem:v8+s29+$0xFFFFFFD0 ss:$0x1], $0xffff  }
0x1d2: {  	v19 =	vld.idx.msk [tilespmem:v7+s29+$0x1C0 ss:$0x1], $0xffff;
	v12 =	vadd.f32 v12, v14  }
0x1d3: {  	[tilespmem:v6+s29+$0x8020 ss:$0x1] =	vst.idx.msk $0xffff, v16;
	v10 =	vadd.f32 v10, v18;
	v16 =	vld.idx.msk [tilespmem:v7+s29+$0x120 ss:$0x1], $0xffff  }
0x1d4: {  	v14 =	vld.idx.msk [tilespmem:v8+s29+$0xFFFFFC40 ss:$0x1], $0xffff;
	[tilespmem:v6+s29+$0x8120 ss:$0x1] =	vst.idx.msk $0xffff, v12  }
0x1d5: {  	v11 =	vmul.f32 v11, v4;
	[tilespmem:v6+s29+$0x80A0 ss:$0x1] =	vst.idx.msk $0xffff, v10;
	v10 =	vmul.f32 v15, v5;
	v15 =	vld.idx.msk [tilespmem:v7+s29+$0xFFFFFE30 ss:$0x1], $0xffff  }
0x1d6: {  	v51 =	vld.idx.msk [tilespmem:v8+s29+$0xFFFFFD40 ss:$0x1], $0xffff  }
0x1d7: {  	v12 =	vld.idx.msk [tilespmem:v8+s29+$0xFFFFFCC0 ss:$0x1], $0xffff;
	v10 =	vadd.f32 v10, v11;
	v13 =	vmul.f32 v13, v4;
	v18 =	vmul.f32 v19, v5  }
0x1d8: {  	v9 =	vmul.f32 v9, v5;
	v11 =	vld.idx.msk [tilespmem:v7+s29+$0xFFFFFEB0 ss:$0x1], $0xffff  }
0x1d9: {  	v19 =	vmul.f32 v49, v4;
	[tilespmem:v6+s29+$0x81A0 ss:$0x1] =	vst.idx.msk $0xffff, v10;
	v10 =	vld.idx.msk [tilespmem:v7+s29+$0xFFFFFF30 ss:$0x1], $0xffff;
	v13 =	vadd.f32 v18, v13  }
0x1da: {  	v17 =	vmul.f32 v17, v4;
	v18 =	vmul.f32 v20, v5;
	v20 =	vld.idx.msk [tilespmem:v8+s29+$0xFFFFFDC0 ss:$0x1], $0xffff  }
0x1db: {  	v9 =	vadd.f32 v9, v19;
	v19 =	vld.idx.msk [tilespmem:v7+s29+$0xFFFFFFB0 ss:$0x1], $0xffff;
	[tilespmem:v6+s29+$0x83C0 ss:$0x1] =	vst.idx.msk $0xffff, v13  }
0x1dc: {  	v14 =	vmul.f32 v14, v4;
	v15 =	vmul.f32 v15, v5;
	v13 =	vadd.f32 v18, v17;
	v17 =	vld.idx.msk [tilespmem:v8+s29+$0xFFFFFFE0 ss:$0x1], $0xffff  }
0x1dd: {  	v16 =	vmul.f32 v16, v5;
	[tilespmem:v6+s29+$0x8220 ss:$0x1] =	vst.idx.msk $0xffff, v9;
	v9 =	vmul.f32 v50, v4;
	v18 =	vld.idx.msk [tilespmem:v7+s29+$0x1D0 ss:$0x1], $0xffff  }
0x1de: {  	v52 =	vld.idx.msk [tilespmem:v8+s29+$0xFFFFFE40 ss:$0x1], $0xffff;
	v14 =	vadd.f32 v15, v14  }
0x1df: {  	[tilespmem:v6+s29+$0x82A0 ss:$0x1] =	vst.idx.msk $0xffff, v13;
	v9 =	vadd.f32 v16, v9;
	v13 =	vld.idx.msk [tilespmem:v7+s29+$0x30 ss:$0x1], $0xffff  }
0x1e0: {  	v15 =	vld.idx.msk [tilespmem:v8+s29+$0xFFFFFEC0 ss:$0x1], $0xffff;
	[tilespmem:v6+s29+$0x8030 ss:$0x1] =	vst.idx.msk $0xffff, v14  }
0x1e1: {  	v12 =	vmul.f32 v12, v4;
	v11 =	vmul.f32 v11, v5;
	[tilespmem:v6+s29+$0x8320 ss:$0x1] =	vst.idx.msk $0xffff, v9;
	v9 =	vld.idx.msk [tilespmem:v7+s29+$0xB0 ss:$0x1], $0xffff  }
0x1e2: {  	v53 =	vld.idx.msk [tilespmem:v8+s29+$0xFFFFFC50 ss:$0x1], $0xffff  }
0x1e3: {  	v11 =	vadd.f32 v11, v12;
	v14 =	vld.idx.msk [tilespmem:v8+s29+$0xFFFFFF40 ss:$0x1], $0xffff;
	v16 =	vmul.f32 v17, v4;
	v17 =	vmul.f32 v18, v5  }
0x1e4: {  	v10 =	vmul.f32 v10, v5;
	v12 =	vld.idx.msk [tilespmem:v7+s29+$0x130 ss:$0x1], $0xffff  }
0x1e5: {  	[tilespmem:v6+s29+$0x80B0 ss:$0x1] =	vst.idx.msk $0xffff, v11;
	v11 =	vld.idx.msk [tilespmem:v7+s29+$0xFFFFFE40 ss:$0x1], $0xffff;
	v18 =	vmul.f32 v51, v4;
	v16 =	vadd.f32 v17, v16  }
0x1e6: {  	v19 =	vmul.f32 v19, v5;
	v17 =	vmul.f32 v20, v4;
	v20 =	vld.idx.msk [tilespmem:v8+s29+$0xFFFFFCD0 ss:$0x1], $0xffff  }
0x1e7: {  	v10 =	vadd.f32 v10, v18;
	v18 =	vld.idx.msk [tilespmem:v7+s29+$0xFFFFFEC0 ss:$0x1], $0xffff;
	[tilespmem:v6+s29+$0x83D0 ss:$0x1] =	vst.idx.msk $0xffff, v16  }
0x1e8: {  	v15 =	vmul.f32 v15, v4;
	v9 =	vmul.f32 v9, v5;
	v16 =	vadd.f32 v19, v17;
	v17 =	vld.idx.msk [tilespmem:v8+s29+$0xFFFFFFF0 ss:$0x1], $0xffff  }
0x1e9: {  	v13 =	vmul.f32 v13, v5;
	[tilespmem:v6+s29+$0x8130 ss:$0x1] =	vst.idx.msk $0xffff, v10;
	v10 =	vmul.f32 v52, v4;
	v19 =	vld.idx.msk [tilespmem:v7+s29+$0x1E0 ss:$0x1], $0xffff  }
0x1ea: {  	v54 =	vld.idx.msk [tilespmem:v8+s29+$0xFFFFFD50 ss:$0x1], $0xffff;
	v9 =	vadd.f32 v9, v15  }
0x1eb: {  	[tilespmem:v6+s29+$0x81B0 ss:$0x1] =	vst.idx.msk $0xffff, v16;
	v10 =	vadd.f32 v13, v10;
	v13 =	vld.idx.msk [tilespmem:v7+s29+$0xFFFFFF40 ss:$0x1], $0xffff  }
0x1ec: {  	v15 =	vld.idx.msk [tilespmem:v8+s29+$0xFFFFFDD0 ss:$0x1], $0xffff;
	[tilespmem:v6+s29+$0x82B0 ss:$0x1] =	vst.idx.msk $0xffff, v9  }
0x1ed: {  	v14 =	vmul.f32 v14, v4;
	[tilespmem:v6+s29+$0x8230 ss:$0x1] =	vst.idx.msk $0xffff, v10;
	v10 =	vmul.f32 v12, v5;
	v12 =	vld.idx.msk [tilespmem:v7+s29+$0xFFFFFFC0 ss:$0x1], $0xffff  }
0x1ee: {  	v55 =	vld.idx.msk [tilespmem:v8+s29+$0xFFFFFED0 ss:$0x1], $0xffff  }
0x1ef: {  	v9 =	vld.idx.msk [tilespmem:v8+s29+$0xFFFFFE50 ss:$0x1], $0xffff;
	v10 =	vadd.f32 v10, v14;
	v16 =	vmul.f32 v17, v4;
	v17 =	vmul.f32 v19, v5  }
0x1f0: {  	v11 =	vmul.f32 v11, v5;
	v14 =	vld.idx.msk [tilespmem:v7+s29+$0x40 ss:$0x1], $0xffff  }
0x1f1: {  	v19 =	vmul.f32 v53, v4;
	[tilespmem:v6+s29+$0x8330 ss:$0x1] =	vst.idx.msk $0xffff, v10;
	v10 =	vld.idx.msk [tilespmem:v7+s29+$0xC0 ss:$0x1], $0xffff;
	v16 =	vadd.f32 v17, v16  }
0x1f2: {  	v18 =	vmul.f32 v18, v5;
	v17 =	vmul.f32 v20, v4;
	v20 =	vld.idx.msk [tilespmem:v8+s29+$0xFFFFFF50 ss:$0x1], $0xffff  }
0x1f3: {  	v11 =	vadd.f32 v11, v19;
	v19 =	vld.idx.msk [tilespmem:v7+s29+$0x140 ss:$0x1], $0xffff;
	[tilespmem:v6+s29+$0x83E0 ss:$0x1] =	vst.idx.msk $0xffff, v16  }
0x1f4: {  	v16 =	vadd.f32 v18, v17;
	v17 =	vld.idx.msk [tilespmem:v8+s29+$0x0 ss:$0x1], $0xffff  }
0x1f5: {  	v13 =	vmul.f32 v13, v5;
	[tilespmem:v6+s29+$0x8040 ss:$0x1] =	vst.idx.msk $0xffff, v11;
	v11 =	vmul.f32 v54, v4;
	v18 =	vld.idx.msk [tilespmem:v7+s29+$0x1F0 ss:$0x1], $0xffff  }
0x1f6: {  	[tilespmem:v6+s29+$0x80C0 ss:$0x1] =	vst.idx.msk $0xffff, v16;
	v16 =	vld.idx.msk [tilespmem:v8+s29+$0xFFFFFC60 ss:$0x1], $0xffff  }
0x1f7: {  	v15 =	vmul.f32 v15, v4;
	v12 =	vmul.f32 v12, v5;
	v11 =	vadd.f32 v13, v11;
	v13 =	vld.idx.msk [tilespmem:v7+s29+$0xFFFFFE50 ss:$0x1], $0xffff  }
0x1f8: {  	v9 =	vmul.f32 v9, v4;
	v56 =	vld.idx.msk [tilespmem:v8+s29+$0xFFFFFCE0 ss:$0x1], $0xffff  }
0x1f9: {  	[tilespmem:v6+s29+$0x8140 ss:$0x1] =	vst.idx.msk $0xffff, v11;
	v11 =	vadd.f32 v12, v15;
	v12 =	vmul.f32 v14, v5;
	v14 =	vld.idx.msk [tilespmem:v7+s29+$0xFFFFFED0 ss:$0x1], $0xffff  }
0x1fa: {  	v10 =	vmul.f32 v10, v5;
	v57 =	vld.idx.msk [tilespmem:v8+s29+$0xFFFFFD60 ss:$0x1], $0xffff  }
0x1fb: {  	v15 =	vmul.f32 v55, v4;
	[tilespmem:v6+s29+$0x81C0 ss:$0x1] =	vst.idx.msk $0xffff, v11;
	v9 =	vadd.f32 v12, v9;
	v11 =	vld.idx.msk [tilespmem:v7+s29+$0xFFFFFF50 ss:$0x1], $0xffff  }
0x1fc: {  	v19 =	vmul.f32 v19, v5;
	v12 =	vmul.f32 v20, v4;
	v20 =	vld.idx.msk [tilespmem:v8+s29+$0xFFFFFDE0 ss:$0x1], $0xffff  }
0x1fd: {  	[tilespmem:v6+s29+$0x8240 ss:$0x1] =	vst.idx.msk $0xffff, v9;
	v9 =	vadd.f32 v10, v15;
	v10 =	vld.idx.msk [tilespmem:v7+s29+$0xFFFFFFD0 ss:$0x1], $0xffff  }
0x1fe: {  	v12 =	vadd.f32 v19, v12;
	v15 =	vld.idx.msk [tilespmem:v8+s29+$0xFFFFFE60 ss:$0x1], $0xffff  }
0x1ff: {  	v16 =	vmul.f32 v16, v4;
	[tilespmem:v6+s29+$0x82C0 ss:$0x1] =	vst.idx.msk $0xffff, v9;
	v9 =	vmul.f32 v13, v5;
	v13 =	vld.idx.msk [tilespmem:v7+s29+$0x50 ss:$0x1], $0xffff  }
0x200: {  	[tilespmem:v6+s29+$0x8340 ss:$0x1] =	vst.idx.msk $0xffff, v12;
	v12 =	vld.idx.msk [tilespmem:v8+s29+$0xFFFFFEE0 ss:$0x1], $0xffff  }
0x201: {  	v19 =	vmul.f32 v56, v4;
	v14 =	vmul.f32 v14, v5;
	v59 =	vld.idx.msk [tilespmem:v8+s29+$0xFFFFFF60 ss:$0x1], $0xffff;
	v9 =	vadd.f32 v9, v16  }
0x202: {  	v58 =	vmul.f32 v57, v4;
	v16 =	vld.idx.msk [tilespmem:v7+s29+$0xD0 ss:$0x1], $0xffff  }
0x203: {  	v11 =	vmul.f32 v11, v5;
	[tilespmem:v6+s29+$0x8050 ss:$0x1] =	vst.idx.msk $0xffff, v9;
	v9 =	vadd.f32 v14, v19;
	v14 =	vld.idx.msk [tilespmem:v7+s29+$0x150 ss:$0x1], $0xffff  }
0x204: {  	v19 =	vmul.f32 v20, v4;
	v20 =	vld.idx.msk [tilespmem:v8+s29+$0xFFFFFC70 ss:$0x1], $0xffff  }
0x205: {  	v10 =	vmul.f32 v10, v5;
	[tilespmem:v6+s29+$0x80D0 ss:$0x1] =	vst.idx.msk $0xffff, v9;
	v9 =	vadd.f32 v11, v58;
	v11 =	vld.idx.msk [tilespmem:v7+s29+$0xFFFFFE60 ss:$0x1], $0xffff  }
0x206: {  	v15 =	vmul.f32 v15, v4;
	v60 =	vld.idx.msk [tilespmem:v8+s29+$0xFFFFFCF0 ss:$0x1], $0xffff  }
0x207: {  	[tilespmem:v6+s29+$0x8150 ss:$0x1] =	vst.idx.msk $0xffff, v9;
	v9 =	vadd.f32 v10, v19;
	v10 =	vmul.f32 v13, v5;
	v13 =	vld.idx.msk [tilespmem:v7+s29+$0xFFFFFEE0 ss:$0x1], $0xffff  }
0x208: {  	v12 =	vmul.f32 v12, v4;
	v19 =	vld.idx.msk [tilespmem:v8+s29+$0xFFFFFD70 ss:$0x1], $0xffff  }
0x209: {  	[tilespmem:v6+s29+$0x81D0 ss:$0x1] =	vst.idx.msk $0xffff, v9;
	v9 =	vadd.f32 v10, v15;
	v10 =	vmul.f32 v16, v5;
	v15 =	vld.idx.msk [tilespmem:v7+s29+$0xFFFFFF60 ss:$0x1], $0xffff  }
0x20a: {  	v16 =	vmul.f32 v59, v4;
	v61 =	vld.idx.msk [tilespmem:v8+s29+$0xFFFFFDF0 ss:$0x1], $0xffff  }
0x20b: {  	[tilespmem:v6+s29+$0x8250 ss:$0x1] =	vst.idx.msk $0xffff, v9;
	v9 =	vadd.f32 v10, v12;
	v10 =	vmul.f32 v14, v5;
	v12 =	vld.idx.msk [tilespmem:v7+s29+$0xFFFFFFE0 ss:$0x1], $0xffff  }
0x20c: {  	v14 =	vmul.f32 v20, v4;
	v20 =	vld.idx.msk [tilespmem:v8+s29+$0xFFFFFE70 ss:$0x1], $0xffff  }
0x20d: {  	v11 =	vmul.f32 v11, v5;
	[tilespmem:v6+s29+$0x82D0 ss:$0x1] =	vst.idx.msk $0xffff, v9;
	v9 =	vadd.f32 v10, v16;
	v10 =	vld.idx.msk [tilespmem:v7+s29+$0x60 ss:$0x1], $0xffff  }
0x20e: {  	v13 =	vmul.f32 v13, v5;
	v62 =	vld.idx.msk [tilespmem:v8+s29+$0xFFFFFEF0 ss:$0x1], $0xffff  }
0x20f: {  	v16 =	vmul.f32 v60, v4;
	v11 =	vadd.f32 v11, v14;
	[tilespmem:v6+s29+$0x8350 ss:$0x1] =	vst.idx.msk $0xffff, v9;
	v9 =	vld.idx.msk [tilespmem:v7+s29+$0xE0 ss:$0x1], $0xffff  }
0x210: {  	v14 =	vmul.f32 v17, v4;
	v17 =	vmul.f32 v19, v4;
	v19 =	vld.idx.msk [tilespmem:v8+s29+$0xFFFFFF70 ss:$0x1], $0xffff  }
0x211: {  	[tilespmem:v6+s29+$0x8060 ss:$0x1] =	vst.idx.msk $0xffff, v11;
	v11 =	vadd.f32 v13, v16;
	v13 =	vmul.f32 v15, v5;
	v15 =	vld.idx.msk [tilespmem:v7+s29+$0x160 ss:$0x1], $0xffff  }
0x212: {  	v16 =	vmul.f32 v18, v5;
	v18 =	vmul.f32 v61, v4;
	v63 =	vld.idx.msk [tilespmem:v8+s29+$0xFFFFFC80 ss:$0x1], $0xffff  }
0x213: {  	v12 =	vmul.f32 v12, v5;
	[tilespmem:v6+s29+$0x80E0 ss:$0x1] =	vst.idx.msk $0xffff, v11;
	v11 =	vadd.f32 v13, v17;
	v13 =	vld.idx.msk [tilespmem:v7+s29+$0xFFFFFE70 ss:$0x1], $0xffff  }
0x214: {  	v17 =	vmul.f32 v20, v4;
	v10 =	vmul.f32 v10, v5;
	v20 =	vld.idx.msk [tilespmem:v8+s29+$0xFFFFFD00 ss:$0x1], $0xffff  }
0x215: {  	v14 =	vadd.f32 v16, v14;
	[tilespmem:v6+s29+$0x8160 ss:$0x1] =	vst.idx.msk $0xffff, v11;
	v11 =	vadd.f32 v12, v18;
	v12 =	vld.idx.msk [tilespmem:v7+s29+$0xFFFFFEF0 ss:$0x1], $0xffff  }
0x216: {  	v10 =	vadd.f32 v10, v17;
	v16 =	vld.idx.msk [tilespmem:v8+s29+$0xFFFFFD80 ss:$0x1], $0xffff;
	v17 =	vmul.f32 v62, v4;
	v9 =	vmul.f32 v9, v5  }
0x217: {  	v18 =	vld.idx.msk [tilespmem:v7+s29+$0xFFFFFF70 ss:$0x1], $0xffff;
	[tilespmem:v6+s29+$0x81E0 ss:$0x1] =	vst.idx.msk $0xffff, v11;
	v11 =	vmul.f32 v19, v4  }
0x218: {  	[tilespmem:v6+s29+$0x8260 ss:$0x1] =	vst.idx.msk $0xffff, v10;
	v10 =	vmul.f32 v15, v5;
	v15 =	vld.idx.msk [tilespmem:v8+s29+$0xFFFFFE00 ss:$0x1], $0xffff;
	v17 =	vadd.f32 v9, v17  }
0x219: {  	[tilespmem:v6+s29+$0x83F0 ss:$0x1] =	vst.idx.msk $0xffff, v14;
	v19 =	vmul.f32 v63, v4;
	v13 =	vmul.f32 v13, v5;
	v9 =	vld.idx.msk [tilespmem:v7+s29+$0xFFFFFFF0 ss:$0x1], $0xffff  }
0x21a: {  	v14 =	vadd.f32 v10, v11;
	v10 =	vld.idx.msk [tilespmem:v8+s29+$0xFFFFFE80 ss:$0x1], $0xffff;
	[tilespmem:v6+s29+$0x82E0 ss:$0x1] =	vst.idx.msk $0xffff, v17  }
0x21b: {  	v13 =	vadd.f32 v13, v19;
	v11 =	vld.idx.msk [tilespmem:v7+s29+$0x70 ss:$0x1], $0xffff;
	v17 =	vmul.f32 v20, v4;
	v19 =	vmul.f32 v12, v5  }
0x21c: {  	v12 =	vld.idx.msk [tilespmem:v8+s29+$0xFFFFFF00 ss:$0x1], $0xffff;
	v16 =	vmul.f32 v16, v4;
	[tilespmem:v6+s29+$0x8360 ss:$0x1] =	vst.idx.msk $0xffff, v14  }
0x21d: {  	v18 =	vmul.f32 v18, v5;
	[tilespmem:v6+s29+$0x8070 ss:$0x1] =	vst.idx.msk $0xffff, v13;
	v13 =	vld.idx.msk [tilespmem:v7+s29+$0xF0 ss:$0x1], $0xffff;
	v17 =	vadd.f32 v19, v17  }
0x21e: {  	s30 =	simm.s32 $0x0;
	s0 =	simm.s32 $0x1000;
	v15 =	vmul.f32 v15, v4;
	v14 =	vld.idx.msk [tilespmem:v8+s29+$0xFFFFFF80 ss:$0x1], $0xffff  }
.LBB2_10:
0x21f: {  	s2 =	sshra.s32 s0, $0x2;
	[tilespmem:v6+s29+$0x80F0 ss:$0x1] =	vst.idx.msk $0xffff, v17;
	v16 =	vadd.f32 v18, v16;
	v9 =	vmul.f32 v9, v5;
	v17 =	vld.idx.msk [tilespmem:v7+s29+$0x170 ss:$0x1], $0xffff  }
0x220: {  	v10 =	vmul.f32 v10, v4;
	v18 =	vld.idx.msk [tilespmem:v8+s2+$0xFFFFFF90 ss:$0x1], $0xffff  }
0x221: {  	v11 =	vmul.f32 v11, v5;
	v19 =	vld.idx.msk [tilespmem:v7+s2+$0x180 ss:$0x1], $0xffff;
	[tilespmem:v6+s29+$0x8170 ss:$0x1] =	vst.idx.msk $0xffff, v16;
	v9 =	vadd.f32 v9, v15  }
0x222: {  	v12 =	vmul.f32 v12, v4;
	v15 =	vld.idx.msk [tilespmem:v8+s2+$0xFFFFFC10 ss:$0x1], $0xffff  }
0x223: {  	v16 =	vld.idx.msk [tilespmem:v7+s2+$0xFFFFFE00 ss:$0x1], $0xffff;
	[tilespmem:v6+s29+$0x81F0 ss:$0x1] =	vst.idx.msk $0xffff, v9;
	v9 =	vadd.f32 v11, v10;
	v10 =	vmul.f32 v13, v5  }
0x224: {  	v13 =	vmul.f32 v14, v4;
	v11 =	vld.idx.msk [tilespmem:v8+s2+$0xFFFFFC90 ss:$0x1], $0xffff  }
0x225: {  	v14 =	vld.idx.msk [tilespmem:v7+s2+$0xFFFFFE80 ss:$0x1], $0xffff;
	[tilespmem:v6+s29+$0x8270 ss:$0x1] =	vst.idx.msk $0xffff, v9;
	v9 =	vadd.f32 v10, v12;
	v10 =	vmul.f32 v17, v5  }
0x226: {  	v12 =	vld.idx.msk [tilespmem:v8+s2+$0xFFFFFD10 ss:$0x1], $0xffff  }
0x227: {  	s30 =	sadd.s32 $0x8, s30;
	v18 =	vmul.f32 v18, v4;
	v19 =	vmul.f32 v19, v5;
	v17 =	vld.idx.msk [tilespmem:v7+s2+$0xFFFFFF00 ss:$0x1], $0xffff;
	v10 =	vadd.f32 v10, v13  }
0x228: {  	p1 =	slt.u32 s30, $0x18;
	v13 =	vmul.f32 v15, v4;
	v15 =	vld.idx.msk [tilespmem:v8+s2+$0xFFFFFD90 ss:$0x1], $0xffff;
	[tilespmem:v6+s29+$0x82F0 ss:$0x1] =	vst.idx.msk $0xffff, v9  }
0x229: {  	v9 =	vmul.f32 v16, v5;
	v18 =	vadd.f32 v19, v18;
	v16 =	vld.idx.msk [tilespmem:v7+s2+$0xFFFFFF80 ss:$0x1], $0xffff;
	[tilespmem:v6+s29+$0x8370 ss:$0x1] =	vst.idx.msk $0xffff, v10;
	s29 =	smov.u32 s2  }
0x22a: {  	v10 =	vmul.f32 v11, v4;
	v11 =	vld.idx.msk [tilespmem:v8+s29+$0xFFFFFE10 ss:$0x1], $0xffff  }
0x22b: {  	v9 =	vadd.f32 v9, v13;
	v13 =	vmul.f32 v14, v5;
	v14 =	vld.idx.msk [tilespmem:v7+s29+$0x0 ss:$0x1], $0xffff;
	[tilespmem:v6+s29+$0x8380 ss:$0x1] =	vst.idx.msk $0xffff, v18  }
0x22c: {  	v12 =	vmul.f32 v12, v4;
	v18 =	vld.idx.msk [tilespmem:v8+s29+$0xFFFFFFA0 ss:$0x1], $0xffff  }
0x22d: {  	[tilespmem:v6+s29+$0x8000 ss:$0x1] =	vst.idx.msk $0xffff, v9;
	v9 =	vadd.f32 v13, v10;
	v10 =	vmul.f32 v17, v5;
	v13 =	vld.idx.msk [tilespmem:v7+s29+$0x190 ss:$0x1], $0xffff  }
0x22e: {  	v15 =	vmul.f32 v15, v4;
	v17 =	vld.idx.msk [tilespmem:v8+s29+$0xFFFFFE90 ss:$0x1], $0xffff  }
0x22f: {  	[tilespmem:v6+s29+$0x8080 ss:$0x1] =	vst.idx.msk $0xffff, v9;
	v9 =	vadd.f32 v10, v12;
	v10 =	vmul.f32 v16, v5;
	v12 =	vld.idx.msk [tilespmem:v7+s29+$0x80 ss:$0x1], $0xffff  }
0x230: {  	v11 =	vmul.f32 v11, v4;
	v16 =	vld.idx.msk [tilespmem:v8+s29+$0xFFFFFF10 ss:$0x1], $0xffff  }
0x231: {  	[tilespmem:v6+s29+$0x8100 ss:$0x1] =	vst.idx.msk $0xffff, v9;
	v9 =	vadd.f32 v10, v15;
	v10 =	vmul.f32 v14, v5;
	v14 =	vld.idx.msk [tilespmem:v7+s29+$0x100 ss:$0x1], $0xffff  }
0x232: {  	v15 =	vld.idx.msk [tilespmem:v8+s29+$0xFFFFFC20 ss:$0x1], $0xffff  }
0x233: {  	v13 =	vmul.f32 v13, v5;
	v19 =	vld.idx.msk [tilespmem:v7+s29+$0xFFFFFE10 ss:$0x1], $0xffff;
	v10 =	vadd.f32 v10, v11;
	v11 =	vmul.f32 v18, v4  }
0x234: {  	v18 =	vld.idx.msk [tilespmem:v8+s29+$0xFFFFFCA0 ss:$0x1], $0xffff;
	[tilespmem:v6+s29+$0x8180 ss:$0x1] =	vst.idx.msk $0xffff, v9;
	v9 =	vmul.f32 v17, v4  }
0x235: {  	v17 =	vld.idx.msk [tilespmem:v7+s29+$0xFFFFFE90 ss:$0x1], $0xffff;
	[tilespmem:v6+s29+$0x8200 ss:$0x1] =	vst.idx.msk $0xffff, v10;
	v10 =	vmul.f32 v12, v5;
	v11 =	vadd.f32 v13, v11  }
0x236: {  	v13 =	vmul.f32 v16, v4;
	v12 =	vld.idx.msk [tilespmem:v8+s29+$0xFFFFFD20 ss:$0x1], $0xffff  }
0x237: {  	v16 =	vld.idx.msk [tilespmem:v7+s29+$0xFFFFFF10 ss:$0x1], $0xffff;
	v9 =	vadd.f32 v10, v9;
	v10 =	vmul.f32 v14, v5;
	[tilespmem:v6+s29+$0x8390 ss:$0x1] =	vst.idx.msk $0xffff, v11  }
0x238: {  	v11 =	vmul.f32 v15, v4;
	v14 =	vld.idx.msk [tilespmem:v8+s29+$0xFFFFFFB0 ss:$0x1], $0xffff  }
0x239: {  	v15 =	vmul.f32 v19, v5;
	[tilespmem:v6+s29+$0x8280 ss:$0x1] =	vst.idx.msk $0xffff, v9;
	v9 =	vadd.f32 v10, v13;
	v10 =	vld.idx.msk [tilespmem:v7+s29+$0x1A0 ss:$0x1], $0xffff  }
0x23a: {  	v13 =	vmul.f32 v18, v4;
	v18 =	vld.idx.msk [tilespmem:v8+s29+$0xFFFFFDA0 ss:$0x1], $0xffff  }
0x23b: {  	v11 =	vadd.f32 v15, v11;
	v15 =	vmul.f32 v17, v5;
	v17 =	vld.idx.msk [tilespmem:v7+s29+$0xFFFFFF90 ss:$0x1], $0xffff;
	[tilespmem:v6+s29+$0x8300 ss:$0x1] =	vst.idx.msk $0xffff, v9  }
0x23c: {  	v9 =	vmul.f32 v12, v4;
	v12 =	vld.idx.msk [tilespmem:v8+s29+$0xFFFFFE20 ss:$0x1], $0xffff  }
0x23d: {  	[tilespmem:v6+s29+$0x8010 ss:$0x1] =	vst.idx.msk $0xffff, v11;
	v11 =	vadd.f32 v15, v13;
	v13 =	vmul.f32 v16, v5;
	v15 =	vld.idx.msk [tilespmem:v7+s29+$0x10 ss:$0x1], $0xffff  }
0x23e: {  	v16 =	vld.idx.msk [tilespmem:v8+s29+$0xFFFFFEA0 ss:$0x1], $0xffff  }
0x23f: {  	v14 =	vmul.f32 v14, v4;
	v10 =	vmul.f32 v10, v5;
	v9 =	vadd.f32 v13, v9;
	v13 =	vld.idx.msk [tilespmem:v7+s29+$0x90 ss:$0x1], $0xffff  }
0x240: {  	[tilespmem:v6+s29+$0x8090 ss:$0x1] =	vst.idx.msk $0xffff, v11;
	v11 =	vmul.f32 v18, v4;
	v18 =	vld.idx.msk [tilespmem:v8+s29+$0xFFFFFF20 ss:$0x1], $0xffff  }
0x241: {  	v10 =	vadd.f32 v10, v14;
	[tilespmem:v6+s29+$0x8110 ss:$0x1] =	vst.idx.msk $0xffff, v9;
	v9 =	vmul.f32 v17, v5;
	v17 =	vld.idx.msk [tilespmem:v7+s29+$0x110 ss:$0x1], $0xffff  }
0x242: {  	v12 =	vmul.f32 v12, v4;
	v14 =	vld.idx.msk [tilespmem:v8+s29+$0xFFFFFC30 ss:$0x1], $0xffff  }
0x243: {  	v19 =	vld.idx.msk [tilespmem:v7+s29+$0xFFFFFE20 ss:$0x1], $0xffff;
	v9 =	vadd.f32 v9, v11;
	v11 =	vmul.f32 v15, v5;
	[tilespmem:v6+s29+$0x83A0 ss:$0x1] =	vst.idx.msk $0xffff, v10  }
0x244: {  	v10 =	vmul.f32 v16, v4;
	v15 =	vld.idx.msk [tilespmem:v8+s29+$0xFFFFFFC0 ss:$0x1], $0xffff  }
0x245: {  	[tilespmem:v6+s29+$0x8190 ss:$0x1] =	vst.idx.msk $0xffff, v9;
	v9 =	vadd.f32 v11, v12;
	v11 =	vmul.f32 v13, v5;
	v12 =	vld.idx.msk [tilespmem:v7+s29+$0x1B0 ss:$0x1], $0xffff  }
0x246: {  	v16 =	vmul.f32 v18, v4;
	v13 =	vld.idx.msk [tilespmem:v8+s29+$0xFFFFFCB0 ss:$0x1], $0xffff  }
0x247: {  	v18 =	vld.idx.msk [tilespmem:v7+s29+$0xFFFFFEA0 ss:$0x1], $0xffff;
	[tilespmem:v6+s29+$0x8210 ss:$0x1] =	vst.idx.msk $0xffff, v9;
	v9 =	vadd.f32 v11, v10;
	v10 =	vmul.f32 v17, v5  }
0x248: {  	v11 =	vmul.f32 v14, v4;
	v14 =	vld.idx.msk [tilespmem:v8+s29+$0xFFFFFD30 ss:$0x1], $0xffff  }
0x249: {  	v17 =	vmul.f32 v19, v5;
	v19 =	vld.idx.msk [tilespmem:v7+s29+$0xFFFFFF20 ss:$0x1], $0xffff;
	[tilespmem:v6+s29+$0x8290 ss:$0x1] =	vst.idx.msk $0xffff, v9;
	v9 =	vadd.f32 v10, v16  }
0x24a: {  	v10 =	vld.idx.msk [tilespmem:v8+s29+$0xFFFFFDB0 ss:$0x1], $0xffff  }
0x24b: {  	v12 =	vmul.f32 v12, v5;
	v16 =	vld.idx.msk [tilespmem:v7+s29+$0xFFFFFFA0 ss:$0x1], $0xffff;
	[tilespmem:v6+s29+$0x8310 ss:$0x1] =	vst.idx.msk $0xffff, v9;
	v9 =	vmul.f32 v15, v4  }
0x24c: {  	v11 =	vadd.f32 v17, v11;
	v13 =	vmul.f32 v13, v4;
	v15 =	vld.idx.msk [tilespmem:v8+s29+$0xFFFFFE30 ss:$0x1], $0xffff  }
0x24d: {  	v17 =	vmul.f32 v18, v5;
	v18 =	vld.idx.msk [tilespmem:v7+s29+$0x20 ss:$0x1], $0xffff;
	v9 =	vadd.f32 v12, v9  }
0x24e: {  	[tilespmem:v6+s29+$0x8020 ss:$0x1] =	vst.idx.msk $0xffff, v11;
	v11 =	vmul.f32 v14, v4;
	v12 =	vld.idx.msk [tilespmem:v8+s29+$0xFFFFFEB0 ss:$0x1], $0xffff  }
0x24f: {  	v13 =	vadd.f32 v17, v13;
	v14 =	vmul.f32 v19, v5;
	v17 =	vld.idx.msk [tilespmem:v7+s29+$0xA0 ss:$0x1], $0xffff;
	[tilespmem:v6+s29+$0x83B0 ss:$0x1] =	vst.idx.msk $0xffff, v9  }
0x250: {  	v9 =	vmul.f32 v10, v4;
	v10 =	vld.idx.msk [tilespmem:v8+s29+$0xFFFFFFD0 ss:$0x1], $0xffff  }
0x251: {  	v11 =	vadd.f32 v14, v11;
	[tilespmem:v6+s29+$0x80A0 ss:$0x1] =	vst.idx.msk $0xffff, v13;
	v13 =	vmul.f32 v16, v5;
	v14 =	vld.idx.msk [tilespmem:v7+s29+$0x1C0 ss:$0x1], $0xffff  }
0x252: {  	v15 =	vmul.f32 v15, v4;
	v16 =	vld.idx.msk [tilespmem:v8+s29+$0xFFFFFF30 ss:$0x1], $0xffff  }
0x253: {  	[tilespmem:v6+s29+$0x8120 ss:$0x1] =	vst.idx.msk $0xffff, v11;
	v9 =	vadd.f32 v13, v9;
	v11 =	vmul.f32 v18, v5;
	v13 =	vld.idx.msk [tilespmem:v7+s29+$0x120 ss:$0x1], $0xffff  }
0x254: {  	v12 =	vmul.f32 v12, v4;
	v18 =	vld.idx.msk [tilespmem:v8+s29+$0xFFFFFC40 ss:$0x1], $0xffff  }
0x255: {  	v19 =	vld.idx.msk [tilespmem:v7+s29+$0xFFFFFE30 ss:$0x1], $0xffff;
	[tilespmem:v6+s29+$0x81A0 ss:$0x1] =	vst.idx.msk $0xffff, v9;
	v9 =	vadd.f32 v11, v15;
	v11 =	vmul.f32 v17, v5  }
0x256: {  	v15 =	vld.idx.msk [tilespmem:v8+s29+$0xFFFFFCC0 ss:$0x1], $0xffff  }
0x257: {  	v10 =	vmul.f32 v10, v4;
	v17 =	vld.idx.msk [tilespmem:v7+s29+$0xFFFFFEB0 ss:$0x1], $0xffff;
	v11 =	vadd.f32 v11, v12;
	v12 =	vmul.f32 v14, v5  }
0x258: {  	v14 =	vld.idx.msk [tilespmem:v8+s29+$0xFFFFFD40 ss:$0x1], $0xffff;
	[tilespmem:v6+s29+$0x8220 ss:$0x1] =	vst.idx.msk $0xffff, v9;
	v9 =	vmul.f32 v16, v4  }
0x259: {  	v16 =	vld.idx.msk [tilespmem:v7+s29+$0xFFFFFF30 ss:$0x1], $0xffff;
	[tilespmem:v6+s29+$0x82A0 ss:$0x1] =	vst.idx.msk $0xffff, v11;
	v11 =	vmul.f32 v13, v5;
	v10 =	vadd.f32 v12, v10  }
0x25a: {  	v12 =	vmul.f32 v18, v4;
	v13 =	vld.idx.msk [tilespmem:v8+s29+$0xFFFFFDC0 ss:$0x1], $0xffff  }
0x25b: {  	v18 =	vmul.f32 v19, v5;
	v19 =	vld.idx.msk [tilespmem:v7+s29+$0xFFFFFFB0 ss:$0x1], $0xffff;
	v9 =	vadd.f32 v11, v9;
	[tilespmem:v6+s29+$0x83C0 ss:$0x1] =	vst.idx.msk $0xffff, v10  }
0x25c: {  	v10 =	vmul.f32 v15, v4;
	v11 =	vld.idx.msk [tilespmem:v8+s29+$0xFFFFFFE0 ss:$0x1], $0xffff  }
0x25d: {  	v12 =	vadd.f32 v18, v12;
	v15 =	vmul.f32 v17, v5;
	[tilespmem:v6+s29+$0x8320 ss:$0x1] =	vst.idx.msk $0xffff, v9;
	v9 =	vld.idx.msk [tilespmem:v7+s29+$0x1D0 ss:$0x1], $0xffff  }
0x25e: {  	v14 =	vmul.f32 v14, v4;
	v17 =	vld.idx.msk [tilespmem:v8+s29+$0xFFFFFE40 ss:$0x1], $0xffff  }
0x25f: {  	v10 =	vadd.f32 v15, v10;
	[tilespmem:v6+s29+$0x8030 ss:$0x1] =	vst.idx.msk $0xffff, v12;
	v12 =	vmul.f32 v16, v5;
	v15 =	vld.idx.msk [tilespmem:v7+s29+$0x30 ss:$0x1], $0xffff  }
0x260: {  	v13 =	vmul.f32 v13, v4;
	v16 =	vld.idx.msk [tilespmem:v8+s29+$0xFFFFFEC0 ss:$0x1], $0xffff  }
0x261: {  	[tilespmem:v6+s29+$0x80B0 ss:$0x1] =	vst.idx.msk $0xffff, v10;
	v10 =	vadd.f32 v12, v14;
	v12 =	vmul.f32 v19, v5;
	v14 =	vld.idx.msk [tilespmem:v7+s29+$0xB0 ss:$0x1], $0xffff  }
0x262: {  	v18 =	vld.idx.msk [tilespmem:v8+s29+$0xFFFFFF40 ss:$0x1], $0xffff  }
0x263: {  	v11 =	vmul.f32 v11, v4;
	v9 =	vmul.f32 v9, v5;
	v12 =	vadd.f32 v12, v13;
	v13 =	vld.idx.msk [tilespmem:v7+s29+$0x130 ss:$0x1], $0xffff  }
0x264: {  	v19 =	vld.idx.msk [tilespmem:v8+s29+$0xFFFFFC50 ss:$0x1], $0xffff;
	[tilespmem:v6+s29+$0x8130 ss:$0x1] =	vst.idx.msk $0xffff, v10;
	v10 =	vmul.f32 v17, v4  }
0x265: {  	v9 =	vadd.f32 v9, v11;
	v17 =	vld.idx.msk [tilespmem:v7+s29+$0xFFFFFE40 ss:$0x1], $0xffff;
	[tilespmem:v6+s29+$0x81B0 ss:$0x1] =	vst.idx.msk $0xffff, v12;
	v12 =	vmul.f32 v15, v5  }
0x266: {  	v15 =	vmul.f32 v16, v4;
	v11 =	vld.idx.msk [tilespmem:v8+s29+$0xFFFFFCD0 ss:$0x1], $0xffff  }
0x267: {  	v16 =	vld.idx.msk [tilespmem:v7+s29+$0xFFFFFEC0 ss:$0x1], $0xffff;
	v10 =	vadd.f32 v12, v10;
	v12 =	vmul.f32 v14, v5;
	[tilespmem:v6+s29+$0x83D0 ss:$0x1] =	vst.idx.msk $0xffff, v9  }
0x268: {  	v9 =	vmul.f32 v18, v4;
	v14 =	vld.idx.msk [tilespmem:v8+s29+$0xFFFFFFF0 ss:$0x1], $0xffff  }
0x269: {  	[tilespmem:v6+s29+$0x8230 ss:$0x1] =	vst.idx.msk $0xffff, v10;
	v10 =	vadd.f32 v12, v15;
	v12 =	vmul.f32 v13, v5;
	v13 =	vld.idx.msk [tilespmem:v7+s29+$0x1E0 ss:$0x1], $0xffff  }
0x26a: {  	v15 =	vmul.f32 v19, v4;
	v18 =	vld.idx.msk [tilespmem:v8+s29+$0xFFFFFD50 ss:$0x1], $0xffff  }
0x26b: {  	v17 =	vmul.f32 v17, v5;
	v19 =	vld.idx.msk [tilespmem:v7+s29+$0xFFFFFF40 ss:$0x1], $0xffff;
	[tilespmem:v6+s29+$0x82B0 ss:$0x1] =	vst.idx.msk $0xffff, v10;
	v9 =	vadd.f32 v12, v9  }
0x26c: {  	v10 =	vmul.f32 v11, v4;
	v11 =	vld.idx.msk [tilespmem:v8+s29+$0xFFFFFDD0 ss:$0x1], $0xffff  }
0x26d: {  	v12 =	vadd.f32 v17, v15;
	v15 =	vmul.f32 v16, v5;
	v16 =	vld.idx.msk [tilespmem:v7+s29+$0xFFFFFFC0 ss:$0x1], $0xffff;
	[tilespmem:v6+s29+$0x8330 ss:$0x1] =	vst.idx.msk $0xffff, v9  }
0x26e: {  	v9 =	vld.idx.msk [tilespmem:v8+s29+$0xFFFFFE50 ss:$0x1], $0xffff  }
0x26f: {  	v14 =	vmul.f32 v14, v4;
	v10 =	vadd.f32 v15, v10;
	v13 =	vmul.f32 v13, v5;
	v15 =	vld.idx.msk [tilespmem:v7+s29+$0x40 ss:$0x1], $0xffff  }
0x270: {  	[tilespmem:v6+s29+$0x8040 ss:$0x1] =	vst.idx.msk $0xffff, v12;
	v12 =	vmul.f32 v18, v4;
	v17 =	vld.idx.msk [tilespmem:v8+s29+$0xFFFFFED0 ss:$0x1], $0xffff  }
0x271: {  	v13 =	vadd.f32 v13, v14;
	[tilespmem:v6+s29+$0x80C0 ss:$0x1] =	vst.idx.msk $0xffff, v10;
	v10 =	vmul.f32 v19, v5;
	v18 =	vld.idx.msk [tilespmem:v7+s29+$0xC0 ss:$0x1], $0xffff  }
0x272: {  	v11 =	vmul.f32 v11, v4;
	v14 =	vld.idx.msk [tilespmem:v8+s29+$0xFFFFFF50 ss:$0x1], $0xffff  }
0x273: {  	v10 =	vadd.f32 v10, v12;
	v12 =	vmul.f32 v16, v5;
	v16 =	vld.idx.msk [tilespmem:v7+s29+$0x140 ss:$0x1], $0xffff;
	[tilespmem:v6+s29+$0x83E0 ss:$0x1] =	vst.idx.msk $0xffff, v13  }
0x274: {  	v9 =	vmul.f32 v9, v4;
	v13 =	vld.idx.msk [tilespmem:v8+s29+$0x0 ss:$0x1], $0xffff  }
0x275: {  	[tilespmem:v6+s29+$0x8140 ss:$0x1] =	vst.idx.msk $0xffff, v10;
	v10 =	vadd.f32 v12, v11;
	v11 =	vmul.f32 v15, v5;
	v12 =	vld.idx.msk [tilespmem:v7+s29+$0x1F0 ss:$0x1], $0xffff  }
0x276: {  	v17 =	vmul.f32 v17, v4;
	v15 =	vld.idx.msk [tilespmem:v8+s29+$0xFFFFFC60 ss:$0x1], $0xffff  }
0x277: {  	v19 =	vld.idx.msk [tilespmem:v7+s29+$0xFFFFFE50 ss:$0x1], $0xffff;
	[tilespmem:v6+s29+$0x81C0 ss:$0x1] =	vst.idx.msk $0xffff, v10;
	v9 =	vadd.f32 v11, v9;
	v10 =	vmul.f32 v18, v5  }
0x278: {  	v14 =	vmul.f32 v14, v4;
	v11 =	vld.idx.msk [tilespmem:v8+s29+$0xFFFFFCE0 ss:$0x1], $0xffff  }
0x279: {  	v18 =	vld.idx.msk [tilespmem:v7+s29+$0xFFFFFED0 ss:$0x1], $0xffff;
	[tilespmem:v6+s29+$0x8240 ss:$0x1] =	vst.idx.msk $0xffff, v9;
	v9 =	vadd.f32 v10, v17;
	v10 =	vmul.f32 v16, v5  }
0x27a: {  	v16 =	vld.idx.msk [tilespmem:v8+s29+$0xFFFFFD60 ss:$0x1], $0xffff  }
0x27b: {  	v13 =	vmul.f32 v13, v4;
	v12 =	vmul.f32 v12, v5;
	v17 =	vld.idx.msk [tilespmem:v7+s29+$0xFFFFFF50 ss:$0x1], $0xffff;
	v10 =	vadd.f32 v10, v14  }
0x27c: {  	v14 =	vmul.f32 v15, v4;
	v15 =	vld.idx.msk [tilespmem:v8+s29+$0xFFFFFDE0 ss:$0x1], $0xffff;
	[tilespmem:v6+s29+$0x82C0 ss:$0x1] =	vst.idx.msk $0xffff, v9  }
0x27d: {  	v9 =	vmul.f32 v19, v5;
	v19 =	vld.idx.msk [tilespmem:v7+s29+$0xFFFFFFD0 ss:$0x1], $0xffff;
	[tilespmem:v6+s29+$0x8340 ss:$0x1] =	vst.idx.msk $0xffff, v10;
	v10 =	vadd.f32 v12, v13  }
0x27e: {  	v11 =	vmul.f32 v11, v4;
	v12 =	vld.idx.msk [tilespmem:v8+s29+$0xFFFFFE60 ss:$0x1], $0xffff  }
0x27f: {  	v9 =	vadd.f32 v9, v14;
	v13 =	vmul.f32 v18, v5;
	v14 =	vld.idx.msk [tilespmem:v7+s29+$0x50 ss:$0x1], $0xffff;
	[tilespmem:v6+s29+$0x83F0 ss:$0x1] =	vst.idx.msk $0xffff, v10  }
0x280: {  	v10 =	vmul.f32 v16, v4;
	v16 =	vld.idx.msk [tilespmem:v8+s29+$0xFFFFFEE0 ss:$0x1], $0xffff  }
0x281: {  	[tilespmem:v6+s29+$0x8050 ss:$0x1] =	vst.idx.msk $0xffff, v9;
	v9 =	vadd.f32 v13, v11;
	v11 =	vmul.f32 v17, v5;
	v13 =	vld.idx.msk [tilespmem:v7+s29+$0xD0 ss:$0x1], $0xffff  }
0x282: {  	v15 =	vmul.f32 v15, v4;
	v17 =	vld.idx.msk [tilespmem:v8+s29+$0xFFFFFF60 ss:$0x1], $0xffff  }
0x283: {  	[tilespmem:v6+s29+$0x80D0 ss:$0x1] =	vst.idx.msk $0xffff, v9;
	v9 =	vadd.f32 v11, v10;
	v10 =	vmul.f32 v19, v5;
	v11 =	vld.idx.msk [tilespmem:v7+s29+$0x150 ss:$0x1], $0xffff  }
0x284: {  	v12 =	vmul.f32 v12, v4;
	v18 =	vld.idx.msk [tilespmem:v8+s29+$0xFFFFFC70 ss:$0x1], $0xffff  }
0x285: {  	v19 =	vld.idx.msk [tilespmem:v7+s29+$0xFFFFFE60 ss:$0x1], $0xffff;
	[tilespmem:v6+s29+$0x8150 ss:$0x1] =	vst.idx.msk $0xffff, v9;
	v9 =	vadd.f32 v10, v15;
	v10 =	vmul.f32 v14, v5  }
0x286: {  	v15 =	vmul.f32 v16, v4;
	v14 =	vld.idx.msk [tilespmem:v8+s29+$0xFFFFFCF0 ss:$0x1], $0xffff  }
0x287: {  	v16 =	vld.idx.msk [tilespmem:v7+s29+$0xFFFFFEE0 ss:$0x1], $0xffff;
	[tilespmem:v6+s29+$0x81D0 ss:$0x1] =	vst.idx.msk $0xffff, v9;
	v9 =	vadd.f32 v10, v12;
	v10 =	vmul.f32 v13, v5  }
0x288: {  	v13 =	vmul.f32 v17, v4;
	v12 =	vld.idx.msk [tilespmem:v8+s29+$0xFFFFFD70 ss:$0x1], $0xffff  }
0x289: {  	v17 =	vld.idx.msk [tilespmem:v7+s29+$0xFFFFFF60 ss:$0x1], $0xffff;
	[tilespmem:v6+s29+$0x8250 ss:$0x1] =	vst.idx.msk $0xffff, v9;
	v9 =	vadd.f32 v10, v15;
	v10 =	vmul.f32 v11, v5  }
0x28a: {  	v11 =	vmul.f32 v18, v4;
	v15 =	vld.idx.msk [tilespmem:v8+s29+$0xFFFFFDF0 ss:$0x1], $0xffff  }
0x28b: {  	v18 =	vmul.f32 v19, v5;
	v19 =	vld.idx.msk [tilespmem:v7+s29+$0xFFFFFFE0 ss:$0x1], $0xffff;
	[tilespmem:v6+s29+$0x82D0 ss:$0x1] =	vst.idx.msk $0xffff, v9;
	v9 =	vadd.f32 v10, v13  }
0x28c: {  	v10 =	vmul.f32 v14, v4;
	v13 =	vld.idx.msk [tilespmem:v8+s29+$0xFFFFFE70 ss:$0x1], $0xffff  }
0x28d: {  	v11 =	vadd.f32 v18, v11;
	v14 =	vmul.f32 v16, v5;
	v16 =	vld.idx.msk [tilespmem:v7+s29+$0x60 ss:$0x1], $0xffff;
	[tilespmem:v6+s29+$0x8350 ss:$0x1] =	vst.idx.msk $0xffff, v9  }
0x28e: {  	v9 =	vmul.f32 v12, v4;
	v12 =	vld.idx.msk [tilespmem:v8+s29+$0xFFFFFEF0 ss:$0x1], $0xffff  }
0x28f: {  	v10 =	vadd.f32 v14, v10;
	[tilespmem:v6+s29+$0x8060 ss:$0x1] =	vst.idx.msk $0xffff, v11;
	v11 =	vmul.f32 v17, v5;
	v14 =	vld.idx.msk [tilespmem:v7+s29+$0xE0 ss:$0x1], $0xffff  }
0x290: {  	v15 =	vmul.f32 v15, v4;
	v17 =	vld.idx.msk [tilespmem:v8+s29+$0xFFFFFF70 ss:$0x1], $0xffff  }
0x291: {  	[tilespmem:v6+s29+$0x80E0 ss:$0x1] =	vst.idx.msk $0xffff, v10;
	v9 =	vadd.f32 v11, v9;
	v10 =	vmul.f32 v19, v5;
	v11 =	vld.idx.msk [tilespmem:v7+s29+$0x160 ss:$0x1], $0xffff  }
0x292: {  	v13 =	vmul.f32 v13, v4;
	v18 =	vld.idx.msk [tilespmem:v8+s29+$0xFFFFFC80 ss:$0x1], $0xffff  }
0x293: {  	v19 =	vld.idx.msk [tilespmem:v7+s29+$0xFFFFFE70 ss:$0x1], $0xffff;
	[tilespmem:v6+s29+$0x8160 ss:$0x1] =	vst.idx.msk $0xffff, v9;
	v9 =	vadd.f32 v10, v15;
	v10 =	vmul.f32 v16, v5  }
0x294: {  	v12 =	vmul.f32 v12, v4;
	v15 =	vld.idx.msk [tilespmem:v8+s29+$0xFFFFFD00 ss:$0x1], $0xffff  }
0x295: {  	v16 =	vld.idx.msk [tilespmem:v7+s29+$0xFFFFFEF0 ss:$0x1], $0xffff;
	[tilespmem:v6+s29+$0x81E0 ss:$0x1] =	vst.idx.msk $0xffff, v9;
	v9 =	vadd.f32 v10, v13;
	v10 =	vmul.f32 v14, v5  }
0x296: {  	v14 =	vmul.f32 v17, v4;
	v13 =	vld.idx.msk [tilespmem:v8+s29+$0xFFFFFD80 ss:$0x1], $0xffff  }
0x297: {  	v11 =	vmul.f32 v11, v5;
	v20 =	vld.idx.msk [tilespmem:v7+s29+$0xFFFFFF70 ss:$0x1], $0xffff;
	[tilespmem:v6+s29+$0x8260 ss:$0x1] =	vst.idx.msk $0xffff, v9;
	v10 =	vadd.f32 v10, v12  }
0x298: {  	v12 =	vmul.f32 v18, v4;
	v21 =	vld.idx.msk [tilespmem:v8+s29+$0xFFFFFE00 ss:$0x1], $0xffff  }
0x299: {  	v17 =	vmul.f32 v19, v5;
	v14 =	vadd.f32 v11, v14;
	v9 =	vld.idx.msk [tilespmem:v7+s29+$0xFFFFFFF0 ss:$0x1], $0xffff;
	[tilespmem:v6+s29+$0x82E0 ss:$0x1] =	vst.idx.msk $0xffff, v10  }
.Ltmp5:
0x29a: {  	v15 =	vmul.f32 v15, v4;
	v10 =	vld.idx.msk [tilespmem:v8+s29+$0xFFFFFE80 ss:$0x1], $0xffff;
	(pc) =	sbr.rel @p1 .LBB2_10-.Ltmp5, $4  }
0x29b: {  	v17 =	vadd.f32 v17, v12;
	v18 =	vmul.f32 v16, v5;
	v11 =	vld.idx.msk [tilespmem:v7+s29+$0x70 ss:$0x1], $0xffff;
	[tilespmem:v6+s29+$0x8360 ss:$0x1] =	vst.idx.msk $0xffff, v14  }
0x29c: {  	v16 =	vmul.f32 v13, v4;
	v12 =	vld.idx.msk [tilespmem:v8+s29+$0xFFFFFF00 ss:$0x1], $0xffff  }
0x29d: {  	[tilespmem:v6+s29+$0x8070 ss:$0x1] =	vst.idx.msk $0xffff, v17;
	v17 =	vadd.f32 v18, v15;
	v18 =	vmul.f32 v20, v5;
	v13 =	vld.idx.msk [tilespmem:v7+s29+$0xF0 ss:$0x1], $0xffff  }
0x29e: {  	s0 =	sadd.s32 $0x1000, s0;
	v15 =	vmul.f32 v21, v4;
	v14 =	vld.idx.msk [tilespmem:v8+s29+$0xFFFFFF80 ss:$0x1], $0xffff  }
0x29f: {  	_ =	sdelay $0x3  }
0x2a0: {  	v7 =	vld.idx.msk [tilespmem:v7+s29+$0x170 ss:$0x1], $0xffff  }
0x2a1: {  	v8 =	vadd.f32 v18, v16  }
0x2a2: {  	[tilespmem:v6+s29+$0x80F0 ss:$0x1] =	vst.idx.msk $0xffff, v17;
	v9 =	vmul.f32 v9, v5  }
0x2a3: {  	v10 =	vmul.f32 v10, v4;
	s26 =	sadd.s32 $0x1, s26;
	v60 =	vmul.f32 v11, v5;
	[tilespmem:v6+s29+$0x8170 ss:$0x1] =	vst.idx.msk $0xffff, v8  }
0x2a4: {  	p1 =	sne.s32 s26, $0x8;
	v9 =	vadd.f32 v9, v15;
	v61 =	vmul.f32 v12, v4;
	v62 =	vmul.f32 v13, v5  }
.Ltmp6:
0x2a5: {  	v8 =	vadd.f32 v60, v10;
	v4 =	vmul.f32 v14, v4;
	v5 =	vmul.f32 v7, v5;
	(pc) =	sbr.rel @p1 .LBB2_9-.Ltmp6, $4  }
0x2a6: {  	[tilespmem:v6+s29+$0x81F0 ss:$0x1] =	vst.idx.msk $0xffff, v9;
	v63 =	vadd.f32 v62, v61  }
0x2a7: {  	[tilespmem:v6+s29+$0x8270 ss:$0x1] =	vst.idx.msk $0xffff, v8;
	v4 =	vadd.f32 v5, v4  }
0x2a8: {  	[tilespmem:v6+s29+$0x82F0 ss:$0x1] =	vst.idx.msk $0xffff, v63  }
0x2a9: {  	s28 =	sadd.s32 $0x1000, s28;
	[tilespmem:v6+s29+$0x8370 ss:$0x1] =	vst.idx.msk $0xffff, v4  }
0x2aa: {  	s24 =	sadd.s32 $0x1, s24  }
0x2ab: {  	p1 =	sne.s32 s24, $0x10  }
.Ltmp7:
0x2ac: {  	s0 =	sshll.u32 s25, $0x11;
	(pc) =	sbr.rel @p1 .LBB2_4-.Ltmp7, $4  }
0x2ad: {  	s0 =	sor.u32 s7, s0  }
0x2ae: {  	s0 =	sshrl.u32 s0, $0x3  }
0x2af: {  	s0 =	sadd.s32 s3, s0  }
0x2b0: {  	[hbm4b:s0+s13] =	stream.strided.scatter [tilespmem:s19], [sflag:$0x2], $0x8000, s14, s13, $0x38;
	[tilespmem:$0x18A00] =	vst v63  }
0x2b1: {  	_ =	swait.ge [sflag:s20], $0x8000  }
0x2b2: {  	[sflag:s20] =	ssyncset.done $0x0  }
0x2b3: {  	[sflag:s20] =	ssyncadd.s32 $0xFFFF8000  }
0x2b4: {  	_ =	swait.ge [sflag:s21], $0x8000  }
0x2b5: {  	[sflag:s21] =	ssyncset.done $0x0  }
0x2b6: {  	[sflag:s21] =	ssyncadd.s32 $0xFFFF8000  }
0x2b7: {  	v4 =	vld [tilespmem:$0x200]  }
0x2b8: {  	v5 =	vld [tilespmem:$0x380];
	_ =	sdelay $0x3  }
0x2b9: {  	(v2sf) =	vpush v4, $0x0  }
0x2ba: {  	(v2sf) =	vpush v5, $0x0;
	_ =	sdelay $0xd  }
0x2bb: {  	s0 =	spop (v2sf)  }
0x2bc: {  	s2 =	spop (v2sf);
	s0 =	sshll.u32 s0, $0xE  }
0x2bd: {  	v4 =	vld.idx.msk [tilespmem:v3+s16+$0x0], $0xffff;
	s2 =	sshll.u32 s2, $0xE;
	s0 =	sshra.s32 s0, $0x2  }
0x2be: {  	v5 =	vld.idx.msk [tilespmem:v3+s17+$0x0], $0xffff;
	s2 =	sshra.s32 s2, $0x2;
	s0 =	sor.u32 $0xC00, s0  }
0x2bf: {  	s25 =	sor.u32 $0xC00, s2;
	v6 =	vld [tilespmem:s0+$0x180]  }
0x2c0: {  	v7 =	vld [tilespmem:s25+$0x180]  }
0x2c1: {  	v9 =	vld [tilespmem:s0+$0xFFFFFE80]  }
0x2c2: {  	v11 =	vld [tilespmem:s0+$0xFFFFFF00]  }
0x2c3: {  	v13 =	vld [tilespmem:s0+$0xFFFFFF80]  }
0x2c4: {  	v17 =	vld [tilespmem:s0+$0x80]  }
0x2c5: {  	v10 =	vld [tilespmem:s25+$0xFFFFFE80];
	v6 =	vmul.f32 v6, v4;
	v7 =	vmul.f32 v7, v5  }
0x2c6: {  	v12 =	vld [tilespmem:s25+$0xFFFFFF00]  }
0x2c7: {  	v14 =	vld [tilespmem:s25+$0xFFFFFF80];
	v6 =	vadd.f32 v7, v6  }
0x2c8: {  	s24 =	simm.s32 $0x8C00;
	v15 =	vld [tilespmem:s25+$0x0]  }
0x2c9: {  	v7 =	vld [tilespmem:s0+$0x0];
	[tilespmem:s24+$0x180] =	vst v6  }
0x2ca: {  	v6 =	vld [tilespmem:s0+$0x190]  }
0x2cb: {  	v16 =	vld [tilespmem:s25+$0x190]  }
0x2cc: {  	v8 =	vld [tilespmem:s25+$0xFFFFFE00];
	v9 =	vmul.f32 v9, v4;
	v10 =	vmul.f32 v10, v5  }
0x2cd: {  	v18 =	vld [tilespmem:s25+$0x80];
	v13 =	vmul.f32 v13, v4;
	v14 =	vmul.f32 v14, v5  }
0x2ce: {  	v19 =	vld [tilespmem:s25+$0x100];
	v11 =	vmul.f32 v11, v4;
	v9 =	vadd.f32 v10, v9;
	v10 =	vmul.f32 v12, v5  }
0x2cf: {  	v12 =	vld [tilespmem:s0+$0x100];
	v13 =	vadd.f32 v14, v13;
	v14 =	vmul.f32 v15, v5;
	v7 =	vmul.f32 v7, v4  }
0x2d0: {  	[tilespmem:s24+$0xFFFFFE80] =	vst v9;
	v9 =	vadd.f32 v10, v11;
	v10 =	vld [tilespmem:s0+$0xFFFFFE00];
	v6 =	vmul.f32 v6, v4;
	v11 =	vmul.f32 v16, v5  }
0x2d1: {  	[tilespmem:s24+$0xFFFFFF80] =	vst v13;
	v26 =	vld [tilespmem:s0+$0xFFFFFE90];
	v7 =	vadd.f32 v14, v7  }
0x2d2: {  	v27 =	vld [tilespmem:s25+$0xFFFFFF90];
	[tilespmem:s24+$0xFFFFFF00] =	vst v9;
	v6 =	vadd.f32 v11, v6  }
0x2d3: {  	v9 =	vld [tilespmem:s25+$0xFFFFFE90];
	[tilespmem:s24+$0x0] =	vst v7  }
0x2d4: {  	v15 =	vld [tilespmem:s25+$0xFFFFFF10];
	v14 =	vmul.f32 v17, v4;
	v7 =	vmul.f32 v18, v5;
	[tilespmem:s24+$0x190] =	vst v6  }
0x2d5: {  	v6 =	vmul.f32 v8, v5;
	v8 =	vmul.f32 v10, v4;
	v10 =	vld [tilespmem:s0+$0x1A0]  }
0x2d6: {  	v12 =	vmul.f32 v12, v4;
	v7 =	vadd.f32 v7, v14;
	v14 =	vmul.f32 v19, v5;
	v13 =	vld [tilespmem:s25+$0x1A0]  }
0x2d7: {  	v11 =	vld [tilespmem:s0+$0xFFFFFF10]  }
0x2d8: {  	[tilespmem:s24+$0x80] =	vst v7;
	v7 =	vadd.f32 v14, v12;
	v12 =	vld [tilespmem:s25+$0x10];
	v6 =	vadd.f32 v6, v8  }
0x2d9: {  	v8 =	vld [tilespmem:s0+$0xFFFFFF90]  }
0x2da: {  	v14 =	vld [tilespmem:s0+$0x90];
	[tilespmem:s24+$0xFFFFFE00] =	vst v6  }
0x2db: {  	v28 =	vld [tilespmem:s0+$0xFFFFFE10];
	v10 =	vmul.f32 v10, v4;
	v13 =	vmul.f32 v13, v5  }
0x2dc: {  	v15 =	vmul.f32 v15, v5;
	v11 =	vmul.f32 v11, v4;
	v29 =	vld [tilespmem:s25+$0xFFFFFE10]  }
0x2dd: {  	[tilespmem:s24+$0x100] =	vst v7;
	v7 =	vld [tilespmem:s25+$0x90];
	v10 =	vadd.f32 v13, v10  }
0x2de: {  	v6 =	vld [tilespmem:s0+$0x10];
	v11 =	vadd.f32 v15, v11;
	v15 =	vmul.f32 v27, v5;
	v8 =	vmul.f32 v8, v4  }
0x2df: {  	v9 =	vmul.f32 v9, v5;
	v30 =	vld [tilespmem:s0+$0x110];
	v13 =	vmul.f32 v26, v4;
	[tilespmem:s24+$0x1A0] =	vst v10  }
0x2e0: {  	v8 =	vadd.f32 v15, v8;
	v31 =	vld [tilespmem:s0+$0x1B0]  }
0x2e1: {  	[tilespmem:s24+$0xFFFFFF10] =	vst v11;
	v9 =	vadd.f32 v9, v13;
	v10 =	vmul.f32 v28, v4;
	v13 =	vmul.f32 v29, v5;
	v32 =	vld [tilespmem:s25+$0x1B0]  }
0x2e2: {  	v35 =	vld [tilespmem:s0+$0xFFFFFF20];
	[tilespmem:s24+$0xFFFFFF90] =	vst v8  }
0x2e3: {  	v8 =	vmul.f32 v12, v5;
	v12 =	vld [tilespmem:s25+$0xFFFFFF20];
	[tilespmem:s24+$0xFFFFFE90] =	vst v9;
	v9 =	vadd.f32 v13, v10  }
0x2e4: {  	v10 =	vld [tilespmem:s25+$0x110]  }
0x2e5: {  	v6 =	vmul.f32 v6, v4;
	v36 =	vld [tilespmem:s0+$0xFFFFFFA0];
	[tilespmem:s24+$0xFFFFFE10] =	vst v9  }
0x2e6: {  	v33 =	vld [tilespmem:s0+$0xFFFFFE20];
	v15 =	vmul.f32 v31, v4;
	v34 =	vmul.f32 v32, v5  }
0x2e7: {  	v6 =	vadd.f32 v8, v6;
	v11 =	vld [tilespmem:s25+$0xFFFFFE20]  }
0x2e8: {  	v14 =	vmul.f32 v14, v4;
	v7 =	vmul.f32 v7, v5;
	v13 =	vld [tilespmem:s0+$0xFFFFFEA0];
	v15 =	vadd.f32 v34, v15  }
0x2e9: {  	v9 =	vld [tilespmem:s25+$0xFFFFFEA0];
	[tilespmem:s24+$0x10] =	vst v6  }
0x2ea: {  	v16 =	vmul.f32 v30, v4;
	v8 =	vld [tilespmem:s25+$0xFFFFFFA0];
	v6 =	vadd.f32 v7, v14;
	v7 =	vmul.f32 v10, v5;
	[tilespmem:s24+$0x1B0] =	vst v15  }
0x2eb: {  	v15 =	vld [tilespmem:s0+$0x1C0]  }
0x2ec: {  	[tilespmem:s24+$0x90] =	vst v6;
	v6 =	vadd.f32 v7, v16;
	v7 =	vmul.f32 v33, v4;
	v11 =	vmul.f32 v11, v5;
	v10 =	vld [tilespmem:s25+$0x1C0]  }
0x2ed: {  	v14 =	vld [tilespmem:s0+$0x20]  }
0x2ee: {  	v37 =	vld [tilespmem:s25+$0x20];
	v13 =	vmul.f32 v13, v4;
	v9 =	vmul.f32 v9, v5;
	[tilespmem:s24+$0x110] =	vst v6;
	v6 =	vadd.f32 v11, v7  }
0x2ef: {  	v11 =	vld [tilespmem:s0+$0x120]  }
0x2f0: {  	v9 =	vadd.f32 v9, v13;
	[tilespmem:s24+$0xFFFFFE20] =	vst v6;
	v6 =	vld [tilespmem:s25+$0x120]  }
0x2f1: {  	v13 =	vld [tilespmem:s0+$0xFFFFFE30];
	v15 =	vmul.f32 v15, v4;
	v10 =	vmul.f32 v10, v5  }
0x2f2: {  	[tilespmem:s24+$0xFFFFFEA0] =	vst v9;
	v9 =	vmul.f32 v12, v5;
	v12 =	vld [tilespmem:s25+$0xFFFFFE30]  }
0x2f3: {  	v38 =	vld [tilespmem:s0+$0xA0];
	v10 =	vadd.f32 v10, v15  }
0x2f4: {  	v7 =	vld [tilespmem:s25+$0xA0];
	v15 =	vmul.f32 v35, v4  }
0x2f5: {  	v39 =	vld [tilespmem:s0+$0xFFFFFEB0];
	v11 =	vmul.f32 v11, v4;
	v6 =	vmul.f32 v6, v5;
	[tilespmem:s24+$0x1C0] =	vst v10  }
0x2f6: {  	v8 =	vmul.f32 v8, v5;
	v10 =	vmul.f32 v36, v4;
	v9 =	vadd.f32 v9, v15;
	v15 =	vld [tilespmem:s0+$0x1D0]  }
0x2f7: {  	v13 =	vmul.f32 v13, v4;
	v12 =	vmul.f32 v12, v5;
	v40 =	vld [tilespmem:s25+$0x1D0];
	v6 =	vadd.f32 v6, v11  }
0x2f8: {  	[tilespmem:s24+$0xFFFFFF20] =	vst v9;
	v8 =	vadd.f32 v8, v10;
	v9 =	vmul.f32 v14, v4;
	v10 =	vmul.f32 v37, v5;
	v14 =	vld [tilespmem:s25+$0xFFFFFEB0]  }
0x2f9: {  	v12 =	vadd.f32 v12, v13;
	v41 =	vld [tilespmem:s0+$0xFFFFFF30];
	[tilespmem:s24+$0x120] =	vst v6  }
0x2fa: {  	[tilespmem:s24+$0xFFFFFFA0] =	vst v8;
	v9 =	vadd.f32 v10, v9;
	v10 =	vld [tilespmem:s25+$0xFFFFFF30]  }
0x2fb: {  	v7 =	vmul.f32 v7, v5;
	v8 =	vmul.f32 v38, v4;
	[tilespmem:s24+$0xFFFFFE30] =	vst v12;
	v44 =	vld [tilespmem:s25+$0x130]  }
0x2fc: {  	v42 =	vld [tilespmem:s0+$0xFFFFFFB0];
	[tilespmem:s24+$0x20] =	vst v9;
	v9 =	vmul.f32 v15, v4;
	v15 =	vmul.f32 v40, v5  }
0x2fd: {  	v45 =	vld [tilespmem:s0+$0xFFFFFE40]  }
0x2fe: {  	v7 =	vadd.f32 v7, v8;
	v8 =	vld [tilespmem:s25+$0xFFFFFFB0];
	v9 =	vadd.f32 v15, v9  }
0x2ff: {  	v43 =	vld [tilespmem:s0+$0x30]  }
0x300: {  	v19 =	vmul.f32 v39, v4;
	v6 =	vmul.f32 v14, v5;
	v14 =	vld [tilespmem:s0+$0x130];
	[tilespmem:s24+$0x1D0] =	vst v9  }
0x301: {  	v9 =	vld [tilespmem:s0+$0x1E0]  }
0x302: {  	v12 =	vmul.f32 v41, v4;
	v6 =	vadd.f32 v6, v19;
	v10 =	vmul.f32 v10, v5;
	v13 =	vld [tilespmem:s25+$0x1E0]  }
0x303: {  	[tilespmem:s24+$0xA0] =	vst v7;
	v7 =	vld [tilespmem:s25+$0x30]  }
0x304: {  	v15 =	vld [tilespmem:s0+$0xB0];
	v17 =	vmul.f32 v42, v4;
	[tilespmem:s24+$0xFFFFFEB0] =	vst v6;
	v6 =	vadd.f32 v10, v12;
	v8 =	vmul.f32 v8, v5  }
0x305: {  	v11 =	vld [tilespmem:s25+$0xB0]  }
0x306: {  	v10 =	vld [tilespmem:s25+$0xFFFFFE40];
	[tilespmem:s24+$0xFFFFFF30] =	vst v6;
	v6 =	vadd.f32 v8, v17  }
0x307: {  	v46 =	vld [tilespmem:s0+$0xFFFFFF40];
	v9 =	vmul.f32 v9, v4;
	v13 =	vmul.f32 v13, v5  }
0x308: {  	[tilespmem:s24+$0xFFFFFFB0] =	vst v6;
	v6 =	vld [tilespmem:s25+$0xFFFFFF40]  }
0x309: {  	v12 =	vld [tilespmem:s0+$0xFFFFFEC0];
	v9 =	vadd.f32 v13, v9  }
0x30a: {  	v8 =	vld [tilespmem:s25+$0xFFFFFEC0];
	v7 =	vmul.f32 v7, v5;
	v13 =	vmul.f32 v43, v4  }
0x30b: {  	v47 =	vld [tilespmem:s0+$0xFFFFFFC0];
	[tilespmem:s24+$0x1E0] =	vst v9  }
0x30c: {  	v11 =	vmul.f32 v11, v5;
	v9 =	vmul.f32 v15, v4;
	v7 =	vadd.f32 v7, v13;
	v13 =	vld [tilespmem:s0+$0x1F0]  }
0x30d: {  	v17 =	vmul.f32 v46, v4;
	v6 =	vmul.f32 v6, v5;
	v15 =	vld [tilespmem:s25+$0x1F0]  }
0x30e: {  	[tilespmem:s24+$0x30] =	vst v7;
	v7 =	vadd.f32 v11, v9;
	v9 =	vmul.f32 v14, v4;
	v11 =	vmul.f32 v44, v5;
	v14 =	vld [tilespmem:s25+$0xFFFFFFC0]  }
0x30f: {  	v6 =	vadd.f32 v6, v17;
	v48 =	vld [tilespmem:s0+$0x40]  }
0x310: {  	v10 =	vmul.f32 v10, v5;
	[tilespmem:s24+$0xB0] =	vst v7;
	v7 =	vmul.f32 v45, v4;
	v9 =	vadd.f32 v11, v9;
	v11 =	vld [tilespmem:s25+$0x40]  }
0x311: {  	[tilespmem:s24+$0xFFFFFF40] =	vst v6;
	v49 =	vld [tilespmem:s0+$0xC0]  }
0x312: {  	v12 =	vmul.f32 v12, v4;
	v8 =	vmul.f32 v8, v5;
	v52 =	vld [tilespmem:s0+$0xFFFFFF50];
	v7 =	vadd.f32 v10, v7  }
0x313: {  	[tilespmem:s24+$0x130] =	vst v9;
	v9 =	vld [tilespmem:s25+$0xC0]  }
0x314: {  	v10 =	vld [tilespmem:s0+$0x140];
	[tilespmem:s24+$0xFFFFFE40] =	vst v7;
	v7 =	vadd.f32 v8, v12  }
0x315: {  	v6 =	vmul.f32 v48, v4;
	v12 =	vld [tilespmem:s0+$0xFFFFFE50];
	v11 =	vmul.f32 v11, v5  }
0x316: {  	v18 =	vmul.f32 v47, v4;
	[tilespmem:s24+$0xFFFFFEC0] =	vst v7;
	v7 =	vmul.f32 v14, v5;
	v14 =	vld [tilespmem:s25+$0xFFFFFE50]  }
0x317: {  	v8 =	vld [tilespmem:s25+$0x140];
	v6 =	vadd.f32 v11, v6  }
0x318: {  	v50 =	vld [tilespmem:s0+$0xFFFFFED0];
	v7 =	vadd.f32 v7, v18  }
0x319: {  	v51 =	vld [tilespmem:s25+$0xFFFFFED0];
	[tilespmem:s24+$0x40] =	vst v6  }
0x31a: {  	v19 =	vmul.f32 v49, v4;
	[tilespmem:s24+$0xFFFFFFC0] =	vst v7;
	v7 =	vmul.f32 v9, v5;
	v9 =	vld [tilespmem:s25+$0xFFFFFF50]  }
0x31b: {  	v53 =	vld [tilespmem:s0+$0x50];
	v12 =	vmul.f32 v12, v4;
	v14 =	vmul.f32 v14, v5  }
0x31c: {  	v10 =	vmul.f32 v10, v4;
	v11 =	vld [tilespmem:s0+$0xFFFFFFD0];
	v6 =	vadd.f32 v7, v19;
	v7 =	vmul.f32 v8, v5  }
0x31d: {  	v8 =	vld [tilespmem:s25+$0xFFFFFFD0];
	v12 =	vadd.f32 v14, v12  }
0x31e: {  	[tilespmem:s24+$0xC0] =	vst v6;
	v6 =	vadd.f32 v7, v10;
	v7 =	vld [tilespmem:s25+$0x50]  }
0x31f: {  	v10 =	vld [tilespmem:s0+$0xD0];
	[tilespmem:s24+$0xFFFFFE50] =	vst v12  }
0x320: {  	v17 =	vmul.f32 v50, v4;
	v14 =	vmul.f32 v51, v5;
	[tilespmem:s24+$0x140] =	vst v6;
	v6 =	vld [tilespmem:s25+$0xD0]  }
0x321: {  	v55 =	vld [tilespmem:s0+$0xFFFFFE60]  }
0x322: {  	v18 =	vmul.f32 v52, v4;
	v12 =	vadd.f32 v14, v17;
	v9 =	vmul.f32 v9, v5;
	v54 =	vld [tilespmem:s0+$0x150]  }
0x323: {  	v14 =	vld [tilespmem:s25+$0x150]  }
0x324: {  	v11 =	vmul.f32 v11, v4;
	[tilespmem:s24+$0xFFFFFED0] =	vst v12;
	v9 =	vadd.f32 v9, v18;
	v8 =	vmul.f32 v8, v5;
	v12 =	vld [tilespmem:s25+$0xFFFFFE60]  }
0x325: {  	v56 =	vld [tilespmem:s0+$0xFFFFFEE0]  }
0x326: {  	v19 =	vmul.f32 v53, v4;
	[tilespmem:s24+$0xFFFFFF50] =	vst v9;
	v8 =	vadd.f32 v8, v11;
	v7 =	vmul.f32 v7, v5;
	v9 =	vld [tilespmem:s25+$0xFFFFFEE0]  }
0x327: {  	v11 =	vld [tilespmem:s0+$0xFFFFFF60]  }
0x328: {  	v10 =	vmul.f32 v10, v4;
	[tilespmem:s24+$0xFFFFFFD0] =	vst v8;
	v7 =	vadd.f32 v7, v19;
	v6 =	vmul.f32 v6, v5;
	v8 =	vld [tilespmem:s25+$0xFFFFFF60]  }
0x329: {  	v17 =	vmul.f32 v55, v4;
	v57 =	vld [tilespmem:s0+$0xFFFFFFE0];
	v12 =	vmul.f32 v12, v5  }
0x32a: {  	v16 =	vmul.f32 v54, v4;
	[tilespmem:s24+$0x50] =	vst v7;
	v6 =	vadd.f32 v6, v10;
	v7 =	vmul.f32 v14, v5;
	v10 =	vld [tilespmem:s25+$0xFFFFFFE0]  }
0x32b: {  	v14 =	vld [tilespmem:s0+$0x60];
	v12 =	vadd.f32 v12, v17  }
0x32c: {  	[tilespmem:s24+$0xD0] =	vst v6;
	v6 =	vadd.f32 v7, v16;
	v7 =	vld [tilespmem:s25+$0x60]  }
0x32d: {  	v58 =	vld [tilespmem:s0+$0xE0];
	[tilespmem:s24+$0xFFFFFE60] =	vst v12  }
0x32e: {  	v18 =	vmul.f32 v56, v4;
	v9 =	vmul.f32 v9, v5;
	[tilespmem:s24+$0x150] =	vst v6;
	v6 =	vld [tilespmem:s25+$0xE0]  }
0x32f: {  	v60 =	vld [tilespmem:s0+$0xFFFFFE70]  }
0x330: {  	v11 =	vmul.f32 v11, v4;
	v9 =	vadd.f32 v9, v18;
	v8 =	vmul.f32 v8, v5;
	v59 =	vld [tilespmem:s0+$0x160]  }
0x331: {  	v12 =	vld [tilespmem:s25+$0x160]  }
0x332: {  	v19 =	vmul.f32 v57, v4;
	[tilespmem:s24+$0xFFFFFEE0] =	vst v9;
	v8 =	vadd.f32 v8, v11;
	v9 =	vmul.f32 v10, v5;
	v10 =	vld [tilespmem:s25+$0xFFFFFE70]  }
0x333: {  	v11 =	vld [tilespmem:s0+$0xFFFFFEF0];
	v14 =	vmul.f32 v14, v4;
	v7 =	vmul.f32 v7, v5  }
0x334: {  	[tilespmem:s24+$0xFFFFFF60] =	vst v8;
	v8 =	vadd.f32 v9, v19;
	v9 =	vld [tilespmem:s25+$0xFFFFFEF0]  }
0x335: {  	v61 =	vld [tilespmem:s0+$0xFFFFFF70];
	v16 =	vmul.f32 v58, v4;
	v7 =	vadd.f32 v7, v14;
	v6 =	vmul.f32 v6, v5  }
0x336: {  	v13 =	vmul.f32 v13, v4;
	[tilespmem:s24+$0xFFFFFFE0] =	vst v8;
	v8 =	vld [tilespmem:s25+$0xFFFFFF70];
	v14 =	vmul.f32 v15, v5  }
0x337: {  	v15 =	vld [tilespmem:s0+$0xFFFFFFF0];
	v12 =	vmul.f32 v12, v5;
	[tilespmem:s24+$0x60] =	vst v7;
	v7 =	vmul.f32 v59, v4;
	v6 =	vadd.f32 v6, v16  }
0x338: {  	v62 =	vld [tilespmem:s25+$0xFFFFFFF0];
	v10 =	vmul.f32 v10, v5;
	v13 =	vadd.f32 v14, v13;
	v14 =	vmul.f32 v60, v4  }
0x339: {  	v11 =	vmul.f32 v11, v4;
	v63 =	vld [tilespmem:s0+$0x70];
	v9 =	vmul.f32 v9, v5;
	[tilespmem:s24+$0xE0] =	vst v6;
	v12 =	vadd.f32 v12, v7  }
0x33a: {  	v6 =	vld [tilespmem:s25+$0x70];
	[tilespmem:s24+$0x1F0] =	vst v13;
	v10 =	vadd.f32 v10, v14  }
0x33b: {  	v7 =	vld [tilespmem:s0+$0xF0];
	v13 =	vadd.f32 v9, v11;
	v14 =	vmul.f32 v8, v5;
	[tilespmem:s24+$0x160] =	vst v12;
	v12 =	vmul.f32 v61, v4  }
0x33c: {  	v8 =	vld [tilespmem:s25+$0xF0]  }
0x33d: {  	v11 =	vmul.f32 v15, v4;
	v9 =	vld [tilespmem:s0+$0x170];
	[tilespmem:s24+$0xFFFFFEF0] =	vst v13;
	v13 =	vadd.f32 v14, v12;
	v14 =	vmul.f32 v62, v5  }
0x33e: {  	s26 =	simm.s32 $0x0;
	[tilespmem:s24+$0xFFFFFE70] =	vst v10;
	v10 =	vld [tilespmem:s25+$0x170];
	s0 =	sadd.s32 $0x400, s0;
	v12 =	vmul.f32 v63, v4  }
.LBB2_14:
0x33f: {  	v15 =	vld [tilespmem:s0+$0x180];
	[tilespmem:s24+$0xFFFFFF70] =	vst v13;
	v11 =	vadd.f32 v14, v11;
	v6 =	vmul.f32 v6, v5;
	s25 =	sadd.s32 $0x400, s25  }
0x340: {  	v13 =	vld [tilespmem:s25+$0x180];
	v7 =	vmul.f32 v7, v4  }
0x341: {  	v14 =	vld [tilespmem:s25+$0xFFFFFE00];
	[tilespmem:s24+$0xFFFFFFF0] =	vst v11;
	v6 =	vadd.f32 v6, v12;
	v8 =	vmul.f32 v8, v5  }
0x342: {  	v11 =	vld [tilespmem:s0+$0xFFFFFE80];
	v9 =	vmul.f32 v9, v4  }
0x343: {  	v12 =	vld [tilespmem:s25+$0xFFFFFE80];
	[tilespmem:s24+$0x70] =	vst v6;
	v6 =	vadd.f32 v8, v7;
	v7 =	vmul.f32 v10, v5  }
0x344: {  	v8 =	vld [tilespmem:s0+$0xFFFFFF00]  }
0x345: {  	v15 =	vmul.f32 v15, v4;
	v10 =	vld [tilespmem:s25+$0xFFFFFF00];
	v13 =	vmul.f32 v13, v5;
	[tilespmem:s24+$0xF0] =	vst v6;
	v6 =	vadd.f32 v7, v9  }
0x346: {  	v7 =	vmul.f32 v14, v5;
	v9 =	vld [tilespmem:s0+$0xFFFFFF80]  }
0x347: {  	s26 =	sadd.s32 $0x8, s26;
	v11 =	vmul.f32 v11, v4;
	v14 =	vld [tilespmem:s25+$0xFFFFFF80];
	v13 =	vadd.f32 v13, v15;
	[tilespmem:s24+$0x170] =	vst v6  }
0x348: {  	p1 =	slt.u32 s26, $0x18;
	s24 =	sadd.s32 $0x400, s24;
	v6 =	vmul.f32 v12, v5;
	v12 =	vld [tilespmem:s0+$0x0]  }
0x349: {  	v8 =	vmul.f32 v8, v4;
	v15 =	vld [tilespmem:s25+$0x0];
	[tilespmem:s24+$0x180] =	vst v13  }
0x34a: {  	v6 =	vadd.f32 v6, v11;
	v10 =	vmul.f32 v10, v5;
	v11 =	vld [tilespmem:s0+$0x190]  }
0x34b: {  	v9 =	vmul.f32 v9, v4;
	v13 =	vld [tilespmem:s25+$0x190]  }
0x34c: {  	[tilespmem:s24+$0xFFFFFE80] =	vst v6;
	v6 =	vadd.f32 v10, v8;
	v8 =	vmul.f32 v14, v5;
	v10 =	vld [tilespmem:s0+$0x80]  }
0x34d: {  	v12 =	vmul.f32 v12, v4;
	v14 =	vld [tilespmem:s25+$0x80]  }
0x34e: {  	[tilespmem:s24+$0xFFFFFF00] =	vst v6;
	v6 =	vadd.f32 v8, v9;
	v8 =	vmul.f32 v15, v5;
	v9 =	vld [tilespmem:s0+$0x100]  }
0x34f: {  	v15 =	vld [tilespmem:s25+$0x100]  }
0x350: {  	v16 =	vld [tilespmem:s0+$0xFFFFFE00];
	[tilespmem:s24+$0xFFFFFF80] =	vst v6;
	v6 =	vadd.f32 v8, v12;
	v8 =	vmul.f32 v11, v4;
	v11 =	vmul.f32 v13, v5  }
0x351: {  	v12 =	vld [tilespmem:s0+$0xFFFFFE90];
	v10 =	vmul.f32 v10, v4  }
0x352: {  	v13 =	vld [tilespmem:s25+$0xFFFFFE90];
	[tilespmem:s24+$0x0] =	vst v6;
	v6 =	vmul.f32 v14, v5;
	v8 =	vadd.f32 v11, v8  }
0x353: {  	v11 =	vld [tilespmem:s0+$0xFFFFFF10];
	v9 =	vmul.f32 v9, v4  }
0x354: {  	v14 =	vld [tilespmem:s25+$0xFFFFFF10];
	v6 =	vadd.f32 v6, v10;
	v10 =	vmul.f32 v15, v5;
	[tilespmem:s24+$0x190] =	vst v8  }
0x355: {  	v8 =	vmul.f32 v16, v4;
	v15 =	vld [tilespmem:s0+$0x1A0]  }
0x356: {  	v12 =	vmul.f32 v12, v4;
	[tilespmem:s24+$0x80] =	vst v6;
	v6 =	vadd.f32 v10, v9;
	v9 =	vld [tilespmem:s25+$0x1A0]  }
0x357: {  	v7 =	vadd.f32 v7, v8;
	v8 =	vmul.f32 v13, v5;
	v10 =	vld [tilespmem:s0+$0xFFFFFF90]  }
0x358: {  	v11 =	vmul.f32 v11, v4;
	v13 =	vld [tilespmem:s25+$0xFFFFFF90];
	[tilespmem:s24+$0x100] =	vst v6  }
0x359: {  	[tilespmem:s24+$0xFFFFFE00] =	vst v7;
	v6 =	vadd.f32 v8, v12;
	v7 =	vmul.f32 v14, v5;
	v8 =	vld [tilespmem:s0+$0x10]  }
0x35a: {  	v12 =	vld [tilespmem:s0+$0xFFFFFE10]  }
0x35b: {  	v14 =	vld [tilespmem:s25+$0xFFFFFE10];
	[tilespmem:s24+$0xFFFFFE90] =	vst v6;
	v6 =	vadd.f32 v7, v11;
	v7 =	vmul.f32 v15, v4;
	v9 =	vmul.f32 v9, v5  }
0x35c: {  	v10 =	vmul.f32 v10, v4;
	v11 =	vld [tilespmem:s25+$0x10]  }
0x35d: {  	[tilespmem:s24+$0xFFFFFF10] =	vst v6;
	v6 =	vmul.f32 v13, v5;
	v13 =	vld [tilespmem:s0+$0x90];
	v7 =	vadd.f32 v9, v7  }
0x35e: {  	v8 =	vmul.f32 v8, v4;
	v9 =	vld [tilespmem:s25+$0x90]  }
0x35f: {  	v12 =	vmul.f32 v12, v4;
	v6 =	vadd.f32 v6, v10;
	v10 =	vld [tilespmem:s0+$0x110];
	[tilespmem:s24+$0x1A0] =	vst v7  }
0x360: {  	v7 =	vmul.f32 v14, v5;
	v14 =	vld [tilespmem:s0+$0x1B0]  }
0x361: {  	[tilespmem:s24+$0xFFFFFF90] =	vst v6;
	v6 =	vmul.f32 v11, v5;
	v11 =	vld [tilespmem:s25+$0x1B0]  }
0x362: {  	v7 =	vadd.f32 v7, v12;
	v12 =	vmul.f32 v13, v4;
	v13 =	vld [tilespmem:s25+$0x110]  }
0x363: {  	v15 =	vld [tilespmem:s0+$0xFFFFFEA0];
	v6 =	vadd.f32 v6, v8;
	v8 =	vmul.f32 v9, v5  }
0x364: {  	[tilespmem:s24+$0xFFFFFE10] =	vst v7;
	v7 =	vld [tilespmem:s25+$0xFFFFFEA0];
	v9 =	vmul.f32 v10, v4  }
0x365: {  	v10 =	vld [tilespmem:s0+$0xFFFFFE20];
	[tilespmem:s24+$0x10] =	vst v6;
	v6 =	vadd.f32 v8, v12  }
0x366: {  	v12 =	vmul.f32 v14, v4;
	v8 =	vld [tilespmem:s25+$0xFFFFFE20];
	v11 =	vmul.f32 v11, v5  }
0x367: {  	v14 =	vld [tilespmem:s0+$0xFFFFFF20];
	[tilespmem:s24+$0x90] =	vst v6;
	v6 =	vmul.f32 v13, v5  }
0x368: {  	v13 =	vmul.f32 v15, v4;
	v15 =	vld [tilespmem:s25+$0xFFFFFF20];
	v11 =	vadd.f32 v11, v12  }
0x369: {  	v7 =	vmul.f32 v7, v5;
	v12 =	vld [tilespmem:s0+$0xFFFFFFA0];
	v6 =	vadd.f32 v6, v9  }
0x36a: {  	v9 =	vmul.f32 v10, v4;
	v10 =	vld [tilespmem:s25+$0xFFFFFFA0];
	[tilespmem:s24+$0x1B0] =	vst v11  }
0x36b: {  	v8 =	vmul.f32 v8, v5;
	v7 =	vadd.f32 v7, v13;
	[tilespmem:s24+$0x110] =	vst v6;
	v6 =	vld [tilespmem:s0+$0x1C0]  }
0x36c: {  	v11 =	vmul.f32 v14, v4;
	v13 =	vld [tilespmem:s25+$0x1C0]  }
0x36d: {  	v8 =	vadd.f32 v8, v9;
	[tilespmem:s24+$0xFFFFFEA0] =	vst v7;
	v7 =	vmul.f32 v15, v5;
	v9 =	vld [tilespmem:s0+$0x20]  }
0x36e: {  	v12 =	vmul.f32 v12, v4;
	v14 =	vld [tilespmem:s25+$0x20]  }
0x36f: {  	[tilespmem:s24+$0xFFFFFE20] =	vst v8;
	v7 =	vadd.f32 v7, v11;
	v8 =	vmul.f32 v10, v5;
	v10 =	vld [tilespmem:s0+$0xA0]  }
0x370: {  	v11 =	vld [tilespmem:s25+$0xA0]  }
0x371: {  	v6 =	vmul.f32 v6, v4;
	[tilespmem:s24+$0xFFFFFF20] =	vst v7;
	v7 =	vadd.f32 v8, v12;
	v8 =	vld [tilespmem:s0+$0x120];
	v12 =	vmul.f32 v13, v5  }
0x372: {  	v9 =	vmul.f32 v9, v4;
	v13 =	vld [tilespmem:s25+$0x120]  }
0x373: {  	v15 =	vld [tilespmem:s0+$0xFFFFFE30];
	[tilespmem:s24+$0xFFFFFFA0] =	vst v7;
	v7 =	vmul.f32 v14, v5;
	v6 =	vadd.f32 v12, v6  }
0x374: {  	v12 =	vld [tilespmem:s25+$0xFFFFFE30];
	v10 =	vmul.f32 v10, v4  }
0x375: {  	v14 =	vld [tilespmem:s0+$0xFFFFFEB0];
	v7 =	vadd.f32 v7, v9;
	v9 =	vmul.f32 v11, v5;
	[tilespmem:s24+$0x1C0] =	vst v6  }
0x376: {  	v6 =	vmul.f32 v8, v4;
	v8 =	vld [tilespmem:s0+$0x1D0]  }
0x377: {  	[tilespmem:s24+$0x20] =	vst v7;
	v7 =	vadd.f32 v9, v10;
	v9 =	vmul.f32 v13, v5;
	v10 =	vld [tilespmem:s25+$0x1D0]  }
0x378: {  	v11 =	vmul.f32 v15, v4;
	v13 =	vld [tilespmem:s25+$0xFFFFFEB0]  }
0x379: {  	v12 =	vmul.f32 v12, v5;
	v15 =	vld [tilespmem:s0+$0xFFFFFF30];
	[tilespmem:s24+$0xA0] =	vst v7;
	v6 =	vadd.f32 v9, v6  }
0x37a: {  	v7 =	vmul.f32 v14, v4;
	v9 =	vld [tilespmem:s25+$0xFFFFFF30]  }
0x37b: {  	v11 =	vadd.f32 v12, v11;
	v12 =	vld [tilespmem:s0+$0xFFFFFFB0];
	[tilespmem:s24+$0x120] =	vst v6  }
0x37c: {  	v8 =	vmul.f32 v8, v4;
	v6 =	vld [tilespmem:s25+$0xFFFFFFB0];
	v10 =	vmul.f32 v10, v5  }
0x37d: {  	[tilespmem:s24+$0xFFFFFE30] =	vst v11;
	v11 =	vmul.f32 v13, v5;
	v13 =	vld [tilespmem:s0+$0x30]  }
0x37e: {  	v14 =	vmul.f32 v15, v4;
	v15 =	vld [tilespmem:s25+$0x30];
	v8 =	vadd.f32 v10, v8  }
0x37f: {  	v7 =	vadd.f32 v11, v7;
	v9 =	vmul.f32 v9, v5;
	v10 =	vld [tilespmem:s0+$0xB0]  }
0x380: {  	v11 =	vmul.f32 v12, v4;
	v12 =	vld [tilespmem:s25+$0xB0];
	[tilespmem:s24+$0x1D0] =	vst v8  }
0x381: {  	[tilespmem:s24+$0xFFFFFEB0] =	vst v7;
	v7 =	vadd.f32 v9, v14;
	v6 =	vmul.f32 v6, v5;
	v8 =	vld [tilespmem:s0+$0x1E0]  }
0x382: {  	v9 =	vmul.f32 v13, v4;
	v13 =	vld [tilespmem:s25+$0x1E0]  }
0x383: {  	[tilespmem:s24+$0xFFFFFF30] =	vst v7;
	v6 =	vadd.f32 v6, v11;
	v7 =	vmul.f32 v15, v5;
	v11 =	vld [tilespmem:s0+$0x130]  }
0x384: {  	v10 =	vmul.f32 v10, v4;
	v14 =	vld [tilespmem:s25+$0x130]  }
0x385: {  	v15 =	vld [tilespmem:s0+$0xFFFFFE40];
	[tilespmem:s24+$0xFFFFFFB0] =	vst v6;
	v6 =	vadd.f32 v7, v9;
	v7 =	vmul.f32 v12, v5  }
0x386: {  	v9 =	vld [tilespmem:s25+$0xFFFFFE40]  }
0x387: {  	v12 =	vld [tilespmem:s0+$0xFFFFFEC0];
	[tilespmem:s24+$0x30] =	vst v6;
	v6 =	vadd.f32 v7, v10;
	v7 =	vmul.f32 v8, v4;
	v8 =	vmul.f32 v13, v5  }
0x388: {  	v10 =	vld [tilespmem:s25+$0xFFFFFEC0];
	v11 =	vmul.f32 v11, v4  }
0x389: {  	v13 =	vld [tilespmem:s0+$0xFFFFFF40];
	[tilespmem:s24+$0xB0] =	vst v6;
	v6 =	vmul.f32 v14, v5;
	v7 =	vadd.f32 v8, v7  }
0x38a: {  	v8 =	vmul.f32 v15, v4;
	v14 =	vld [tilespmem:s25+$0xFFFFFF40]  }
0x38b: {  	v9 =	vmul.f32 v9, v5;
	v15 =	vld [tilespmem:s0+$0xFFFFFFC0];
	v6 =	vadd.f32 v6, v11;
	[tilespmem:s24+$0x1E0] =	vst v7  }
0x38c: {  	v7 =	vmul.f32 v12, v4;
	v11 =	vld [tilespmem:s0+$0x1F0]  }
0x38d: {  	v8 =	vadd.f32 v9, v8;
	v9 =	vmul.f32 v10, v5;
	[tilespmem:s24+$0x130] =	vst v6;
	v6 =	vld [tilespmem:s25+$0x1F0]  }
0x38e: {  	v10 =	vmul.f32 v13, v4;
	v12 =	vld [tilespmem:s25+$0xFFFFFFC0]  }
0x38f: {  	[tilespmem:s24+$0xFFFFFE40] =	vst v8;
	v7 =	vadd.f32 v9, v7;
	v8 =	vmul.f32 v14, v5;
	v9 =	vld [tilespmem:s0+$0x40]  }
0x390: {  	v13 =	vmul.f32 v15, v4;
	v14 =	vld [tilespmem:s25+$0x40]  }
0x391: {  	[tilespmem:s24+$0xFFFFFEC0] =	vst v7;
	v7 =	vadd.f32 v8, v10;
	v8 =	vld [tilespmem:s0+$0xC0]  }
0x392: {  	v11 =	vmul.f32 v11, v4;
	v10 =	vld [tilespmem:s25+$0xC0];
	v6 =	vmul.f32 v6, v5  }
0x393: {  	[tilespmem:s24+$0xFFFFFF40] =	vst v7;
	v7 =	vmul.f32 v12, v5;
	v12 =	vld [tilespmem:s0+$0x140]  }
0x394: {  	v9 =	vmul.f32 v9, v4;
	v15 =	vld [tilespmem:s25+$0x140];
	v6 =	vadd.f32 v6, v11  }
0x395: {  	v11 =	vld [tilespmem:s0+$0xFFFFFE50];
	v7 =	vadd.f32 v7, v13;
	v13 =	vmul.f32 v14, v5  }
0x396: {  	v14 =	vld [tilespmem:s25+$0xFFFFFE50];
	v8 =	vmul.f32 v8, v4;
	[tilespmem:s24+$0x1F0] =	vst v6  }
0x397: {  	v6 =	vld [tilespmem:s0+$0xFFFFFED0];
	[tilespmem:s24+$0xFFFFFFC0] =	vst v7;
	v7 =	vadd.f32 v13, v9;
	v9 =	vmul.f32 v10, v5  }
0x398: {  	v10 =	vld [tilespmem:s25+$0xFFFFFED0];
	v12 =	vmul.f32 v12, v4  }
0x399: {  	v13 =	vld [tilespmem:s0+$0xFFFFFF50];
	[tilespmem:s24+$0x40] =	vst v7;
	v7 =	vadd.f32 v9, v8;
	v8 =	vmul.f32 v15, v5  }
0x39a: {  	v9 =	vmul.f32 v11, v4;
	v11 =	vld [tilespmem:s25+$0xFFFFFF50]  }
0x39b: {  	v14 =	vmul.f32 v14, v5;
	v15 =	vld [tilespmem:s0+$0xFFFFFFD0];
	[tilespmem:s24+$0xC0] =	vst v7;
	v7 =	vadd.f32 v8, v12  }
0x39c: {  	v6 =	vmul.f32 v6, v4;
	v8 =	vld [tilespmem:s25+$0xFFFFFFD0]  }
0x39d: {  	v9 =	vadd.f32 v14, v9;
	v10 =	vmul.f32 v10, v5;
	v12 =	vld [tilespmem:s0+$0x50];
	[tilespmem:s24+$0x140] =	vst v7  }
0x39e: {  	v7 =	vmul.f32 v13, v4;
	v13 =	vld [tilespmem:s25+$0x50]  }
0x39f: {  	[tilespmem:s24+$0xFFFFFE50] =	vst v9;
	v6 =	vadd.f32 v10, v6;
	v9 =	vmul.f32 v11, v5;
	v10 =	vld [tilespmem:s0+$0xD0]  }
0x3a0: {  	v11 =	vmul.f32 v15, v4;
	v14 =	vld [tilespmem:s25+$0xD0]  }
0x3a1: {  	[tilespmem:s24+$0xFFFFFED0] =	vst v6;
	v6 =	vadd.f32 v9, v7;
	v7 =	vmul.f32 v8, v5;
	v8 =	vld [tilespmem:s0+$0x150]  }
0x3a2: {  	v9 =	vmul.f32 v12, v4;
	v12 =	vld [tilespmem:s25+$0x150]  }
0x3a3: {  	v15 =	vld [tilespmem:s0+$0xFFFFFE60];
	[tilespmem:s24+$0xFFFFFF50] =	vst v6;
	v6 =	vadd.f32 v7, v11;
	v7 =	vmul.f32 v13, v5  }
0x3a4: {  	v11 =	vld [tilespmem:s25+$0xFFFFFE60];
	v10 =	vmul.f32 v10, v4  }
0x3a5: {  	v13 =	vld [tilespmem:s0+$0xFFFFFEE0];
	[tilespmem:s24+$0xFFFFFFD0] =	vst v6;
	v6 =	vadd.f32 v7, v9;
	v7 =	vmul.f32 v14, v5  }
0x3a6: {  	v9 =	vld [tilespmem:s25+$0xFFFFFEE0];
	v8 =	vmul.f32 v8, v4  }
0x3a7: {  	v14 =	vld [tilespmem:s0+$0xFFFFFF60];
	[tilespmem:s24+$0x50] =	vst v6;
	v6 =	vadd.f32 v7, v10;
	v7 =	vmul.f32 v12, v5  }
0x3a8: {  	v10 =	vmul.f32 v15, v4;
	v12 =	vld [tilespmem:s25+$0xFFFFFF60]  }
0x3a9: {  	v11 =	vmul.f32 v11, v5;
	v15 =	vld [tilespmem:s0+$0xFFFFFFE0];
	[tilespmem:s24+$0xD0] =	vst v6;
	v6 =	vadd.f32 v7, v8  }
0x3aa: {  	v7 =	vmul.f32 v13, v4;
	v8 =	vld [tilespmem:s25+$0xFFFFFFE0]  }
0x3ab: {  	v10 =	vadd.f32 v11, v10;
	v9 =	vmul.f32 v9, v5;
	v11 =	vld [tilespmem:s0+$0x60];
	[tilespmem:s24+$0x150] =	vst v6  }
0x3ac: {  	v6 =	vmul.f32 v14, v4;
	v13 =	vld [tilespmem:s25+$0x60]  }
0x3ad: {  	[tilespmem:s24+$0xFFFFFE60] =	vst v10;
	v7 =	vadd.f32 v9, v7;
	v9 =	vmul.f32 v12, v5;
	v10 =	vld [tilespmem:s0+$0xE0]  }
0x3ae: {  	v12 =	vmul.f32 v15, v4;
	v14 =	vld [tilespmem:s25+$0xE0]  }
0x3af: {  	[tilespmem:s24+$0xFFFFFEE0] =	vst v7;
	v6 =	vadd.f32 v9, v6;
	v7 =	vmul.f32 v8, v5;
	v8 =	vld [tilespmem:s0+$0x160]  }
0x3b0: {  	v9 =	vmul.f32 v11, v4;
	v11 =	vld [tilespmem:s25+$0x160]  }
0x3b1: {  	v15 =	vld [tilespmem:s0+$0xFFFFFE70];
	[tilespmem:s24+$0xFFFFFF60] =	vst v6;
	v6 =	vadd.f32 v7, v12;
	v7 =	vmul.f32 v13, v5  }
0x3b2: {  	v12 =	vld [tilespmem:s25+$0xFFFFFE70];
	v10 =	vmul.f32 v10, v4  }
0x3b3: {  	v13 =	vld [tilespmem:s0+$0xFFFFFEF0];
	[tilespmem:s24+$0xFFFFFFE0] =	vst v6;
	v6 =	vadd.f32 v7, v9;
	v7 =	vmul.f32 v14, v5  }
0x3b4: {  	v9 =	vld [tilespmem:s25+$0xFFFFFEF0];
	v8 =	vmul.f32 v8, v4  }
0x3b5: {  	v14 =	vld [tilespmem:s0+$0xFFFFFF70];
	[tilespmem:s24+$0x60] =	vst v6;
	v6 =	vadd.f32 v7, v10;
	v7 =	vmul.f32 v11, v5  }
0x3b6: {  	v10 =	vmul.f32 v15, v4;
	v11 =	vld [tilespmem:s25+$0xFFFFFF70]  }
0x3b7: {  	v12 =	vmul.f32 v12, v5;
	v15 =	vld [tilespmem:s0+$0xFFFFFFF0];
	[tilespmem:s24+$0xE0] =	vst v6;
	v6 =	vadd.f32 v7, v8  }
0x3b8: {  	v7 =	vmul.f32 v13, v4;
	v16 =	vld [tilespmem:s25+$0xFFFFFFF0]  }
0x3b9: {  	v8 =	vadd.f32 v12, v10;
	v9 =	vmul.f32 v9, v5;
	v10 =	vld [tilespmem:s0+$0x70];
	[tilespmem:s24+$0x160] =	vst v6  }
.Ltmp8:
0x3ba: {  	v12 =	vmul.f32 v14, v4;
	v6 =	vld [tilespmem:s25+$0x70];
	(pc) =	sbr.rel @p1 .LBB2_14-.Ltmp8, $4  }
0x3bb: {  	[tilespmem:s24+$0xFFFFFE70] =	vst v8;
	v9 =	vadd.f32 v9, v7;
	v13 =	vmul.f32 v11, v5;
	v7 =	vld [tilespmem:s0+$0xF0]  }
0x3bc: {  	v11 =	vmul.f32 v15, v4;
	v8 =	vld [tilespmem:s25+$0xF0]  }
0x3bd: {  	[tilespmem:s24+$0xFFFFFEF0] =	vst v9;
	v13 =	vadd.f32 v13, v12;
	v14 =	vmul.f32 v16, v5;
	v9 =	vld [tilespmem:s0+$0x170]  }
0x3be: {  	s0 =	sadd.s32 $0x400, s0;
	v12 =	vmul.f32 v10, v4;
	v10 =	vld [tilespmem:s25+$0x170]  }
0x3bf: {  	_ =	sdelay $0x1  }
0x3c0: {  	v6 =	vmul.f32 v6, v5  }
0x3c1: {  	v11 =	vadd.f32 v14, v11;
	v7 =	vmul.f32 v7, v4;
	v8 =	vmul.f32 v8, v5  }
0x3c2: {  	[tilespmem:s24+$0xFFFFFF70] =	vst v13;
	v6 =	vadd.f32 v6, v12;
	v4 =	vmul.f32 v9, v4;
	v5 =	vmul.f32 v10, v5  }
0x3c3: {  	[tilespmem:s24+$0xFFFFFFF0] =	vst v11;
	v7 =	vadd.f32 v8, v7  }
0x3c4: {  	[tilespmem:s24+$0x70] =	vst v6;
	v4 =	vadd.f32 v5, v4  }
0x3c5: {  	[tilespmem:s24+$0xF0] =	vst v7  }
.Ltmp9:
0x3c6: {  	s0 =	simm.s32 $0x0;
	[tilespmem:s24+$0x170] =	vst v4;
	(pc) =	sbr.rel @p0 .LBB2_19-.Ltmp9, $4  }
0x3c7: {  	[hbm4b:s9+s0] =	stream.linear.scatter [tilespmem:s18], [sflag:$0x3], $0x1000, $0x38;
	[tilespmem:$0x18A00] =	vst v63  }
0x3c8: {  	_ =	swait.ge [sflag:s11], $0x1000  }
0x3c9: {  	[sflag:s11] =	ssyncset.done $0x0  }
0x3ca: {  	[sflag:s11] =	ssyncadd.s32 $0xFFFFF000  }
0x3cb: {  	s0 =	simm.s32 $0x0  }
0x3cc: {  	v5 =	vld [tilespmem:s0+$0x100]  }
0x3cd: {  	v7 =	vld [tilespmem:s0+$0x280];
	_ =	sdelay $0x4  }
0x3ce: {  	v4 =	vld [tilespmem:s0+$0x700]  }
0x3cf: {  	v8 =	vld [tilespmem:s0+$0x580]  }
0x3d0: {  	v6 =	vld.idx.msk [tilespmem:v5+s12+$0x0], $0xffff  }
0x3d1: {  	v7 =	vld.idx.msk [tilespmem:v7+s12+$0x0], $0xffff  }
0x3d2: {  	s2 =	simm.s32 $0x10  }
0x3d3: {  	s22 =	simm.s32 $0x80;
	v5 =	vld [tilespmem:s2+$0x100]  }
.LBB2_17:
0x3d4: {  	p1 =	sne.s32 s22, $0x440;
	v9 =	vld [tilespmem:s2+$0x280];
	_ =	sdelay $0x1  }
0x3d5: {  	v4 =	vmul.f32 v4, v6;
	v6 =	vmul.f32 v8, v7;
	_ =	sdelay $0x1  }
0x3d6: {  	v6 =	vadd.f32 v6, v4;
	_ =	sdelay $0x1  }
0x3d7: {  	v4 =	vld [tilespmem:s2+$0x700];
	[tilespmem:s0+$0x880] =	vst v6;
	s0 =	smov.u32 s2  }
.Ltmp10:
0x3d8: {  	v6 =	vld.idx.msk [tilespmem:v5+s12+$0x0], $0xffff;
	(pc) =	sbr.rel @p1 .LBB2_17-.Ltmp10, $4  }
0x3d9: {  	v7 =	vld.idx.msk [tilespmem:v9+s12+$0x0], $0xffff  }
0x3da: {  	v8 =	vld [tilespmem:s0+$0x580]  }
0x3db: {  	s2 =	sshra.s32 s22, $0x2  }
0x3dc: {  	s22 =	sadd.s32 $0x40, s22;
	v5 =	vld [tilespmem:s2+$0x100]  }
0x3dd: {  	_ =	sdelay $0x1  }
0x3de: {  	v9 =	vld [tilespmem:s2+$0x280]  }
0x3df: {  	v4 =	vmul.f32 v4, v6;
	v61 =	vmul.f32 v8, v7;
	_ =	sdelay $0x1  }
0x3e0: {  	v4 =	vadd.f32 v61, v4;
	_ =	sdelay $0x1  }
0x3e1: {  	v62 =	vld [tilespmem:s2+$0x700];
	[tilespmem:s0+$0x880] =	vst v4  }
0x3e2: {  	v4 =	vld.idx.msk [tilespmem:v5+s12+$0x0], $0xffff  }
0x3e3: {  	v63 =	vld [tilespmem:s2+$0x580]  }
0x3e4: {  	v5 =	vld.idx.msk [tilespmem:v9+s12+$0x0], $0xffff;
	_ =	sdelay $0x4  }
0x3e5: {  	v4 =	vmul.f32 v62, v4;
	v5 =	vmul.f32 v63, v5;
	_ =	sdelay $0x1  }
0x3e6: {  	v4 =	vadd.f32 v5, v4;
	_ =	sdelay $0x1  }
.Ltmp11:
0x3e7: {  	s30 =	rddreg [dreg:$0x5];
	s31 =	simm.s32 $0x880;
	[tilespmem:s2+$0x880] =	vst v4;
	(pc) =	sbr.rel .LBB2_19-.Ltmp11, $4  }
0x3e8: {  	[hbm4b:s30+s4] =	stream.linear.scatter [tilespmem:s31], [sflag:$0x3], $0x101, $0x38;
	[tilespmem:$0x18A00] =	vst v63  }
0x3e9: {  	_ =	swait.ge [sflag:s11], $0x101  }
0x3ea: {  	[sflag:s11] =	ssyncset.done $0x0  }
0x3eb: {  	[sflag:s11] =	ssyncadd.s32 $0xFFFFFEFF  }
.LBB2_20:
0x3ec: {  	_ =	sfence.sel $0x180000  }
0x3ed: {  	[bflag:$0x0] =	sbarrier.arrive $0xFFFF  }
0x3ee: {  	_ =	strace $0x90000047  }
0x3ef: {  	s0 =	stileid.u32;
	[bflag:$0x2] =	sbarrier.arrive $0xFFFF  }
0x3f0: {  	p0 =	sne.s32 s0, $0x0;
	s0 =	rddreg [dreg:$0x4]  }
0x3f1: {  	s0 =	sadd.s32 @!p0 $0x100000, s0  }
0x3f2: {  	[sflag:s0] =	ssyncadd.tile.s32 @!p0 $0x1;
	_ =	shalt  }
.Lfunc_end2:
_tile_overlayer_lowered:
.L_overlay_start_2:
0x3f3: {  	(tag) =	ssettag $0x2  }
0x3f4: {  	s0 =	rddreg [dreg:$0x0];
	s2 =	stileid.u32  }
0x3f5: {  	s1 =	rddreg [dreg:$0x1];
	p0 =	sne.s32 s2, $0x0  }
0x3f6: {  	s3 =	rddreg [dreg:$0x2];
	[bflag:$0x3] =	sbarrier.arrive $0xFFFF;
	s2 =	simm.s32 @!p0 $0x1C03  }
0x3f7: {  	[timem:s3], [sflag:s2] =	dma.local @!p0 [hbm:s0], s1  }
0x3f8: {  	s0 =	simm.s32 @!p0 $0x3  }
0x3f9: {  	_ =	swait.ge @!p0 [sflag:s0], s1  }
0x3fa: {  	s1 =	ssub.s32 @!p0 $0x0, s1;
	[sflag:s0] =	ssyncset.done @!p0 $0x0  }
0x3fb: {  	[sflag:s0] =	ssyncadd.s32 @!p0 s1  }
0x3fc: {  	[bflag:$0x3] =	sbarrier.arrive $0xFFFF  }
0x3fd: {  	_ =	shalt  }

</sc_bundles>
